<compile_context>
chip_gen: v7x
topology: tpu7x:2x2x1
jax: 0.10.2.dev20260603
libtpu: 0.0.44.dev20260713+nightly
codegen_flags: <defaults>
</compile_context>

<pallas_src>
import functools

import jax
import jax.numpy as jnp
from jax import lax
from jax.experimental import pallas as pl
from jax.experimental.pallas import tpu as pltpu
from jax.experimental.pallas import tpu_sc as plsc

N = 10000
E = 320000
F_IN = 128
DIM = 256
G = 64
BN_EPS = 1e-4

NC = 2
NS = 16
HALF = N // NC
C = 80
NCHUNK = 250
PAIRS = NCHUNK // 2
EPT = NCHUNK * C
RPT = 312
LAST = HALF - (NS - 1) * RPT
TRASH0 = HALF
ACC_ROWS = TRASH0 + NS


def _seg_body(h_hbm, src_hbm, dst_hbm, zeros_hbm, out_hbm,
              sA, dA, dlA, rA, sB, dB, dlB, rB, acc_sh,
              isemA, isemB, gsemA, gsemB, ssemA, ssemB):
    cid = lax.axis_index("c")
    sid = lax.axis_index("s")
    base_node = cid * HALF
    @pl.when(sid < NS - 1)
    def _():
        pltpu.sync_copy(zeros_hbm.at[pl.ds(0, RPT)],
                        acc_sh.at[pl.ds(sid * RPT, RPT)])

    @pl.when(sid == NS - 1)
    def _():
        pltpu.sync_copy(zeros_hbm.at[pl.ds(0, LAST)],
                        acc_sh.at[pl.ds((NS - 1) * RPT, LAST)])
    plsc.subcore_barrier()
    trash = TRASH0 + sid
    e0 = sid * EPT

    def idx_start(j, sv, dv, isem):
        eb = e0 + j * C
        pltpu.async_copy(src_hbm.at[pl.ds(eb, C)], sv, isem)
        pltpu.async_copy(dst_hbm.at[pl.ds(eb, C)], dv, isem)

    def idx_wait(sv, dv, isem):
        pltpu.make_async_copy(src_hbm.at[pl.ds(e0, C)], sv, isem).wait()
        pltpu.make_async_copy(dst_hbm.at[pl.ds(e0, C)], dv, isem).wait()

    def remap(dv, dlv, n):
        for i in range(n // 16):
            d = dv[pl.ds(i * 16, 16)]
            loc = d - base_node
            inb = (loc >= 0) & (loc < HALF)
            dlv[pl.ds(i * 16, 16)] = jnp.where(inb, loc, trash)

    def gath_start(sv, rv, gsem):
        pltpu.async_copy(h_hbm.at[sv], rv, gsem)

    def gath_wait(sv, rv, gsem):
        pltpu.make_async_copy(h_hbm.at[sv], rv, gsem).wait()

    def scat_start(rv, dlv, ssem):
        pltpu.async_copy(rv, acc_sh.at[dlv], ssem, add=True)

    def scat_wait(rv, dlv, ssem):
        pltpu.make_async_copy(rv, acc_sh.at[dlv], ssem).wait()

    idx_start(0, sA, dA, isemA)
    idx_start(1, sB, dB, isemB)
    idx_wait(sA, dA, isemA)
    remap(dA, dlA, C)
    gath_start(sA, rA, gsemA)

    @pl.loop(0, PAIRS)
    def _pair(k):
        gath_wait(sA, rA, gsemA)
        scat_start(rA, dlA, ssemA)

        @pl.when(k + 1 < PAIRS)
        def _():
            idx_start(2 * k + 2, sA, dA, isemA)

        idx_wait(sB, dB, isemB)

        @pl.when(k > 0)
        def _():
            scat_wait(rB, dlB, ssemB)
        remap(dB, dlB, C)
        gath_start(sB, rB, gsemB)

        gath_wait(sB, rB, gsemB)
        scat_start(rB, dlB, ssemB)

        @pl.when(k + 1 < PAIRS)
        def _():
            idx_start(2 * k + 3, sB, dB, isemB)
            idx_wait(sA, dA, isemA)
            scat_wait(rA, dlA, ssemA)
            remap(dA, dlA, C)
            gath_start(sA, rA, gsemA)

    scat_wait(rA, dlA, ssemA)
    scat_wait(rB, dlB, ssemB)

    plsc.subcore_barrier()

    @pl.when(sid < NS - 1)
    def _():
        pltpu.sync_copy(acc_sh.at[pl.ds(sid * RPT, RPT)],
                        out_hbm.at[pl.ds(base_node + sid * RPT, RPT)])

    @pl.when(sid == NS - 1)
    def _():
        pltpu.sync_copy(acc_sh.at[pl.ds((NS - 1) * RPT, LAST)],
                        out_hbm.at[pl.ds(base_node + (NS - 1) * RPT, LAST)])


_seg_kernel = functools.partial(
    pl.kernel,
    _seg_body,
    out_type=jax.ShapeDtypeStruct((N, DIM), jnp.float32),
    mesh=plsc.VectorSubcoreMesh(core_axis_name="c", subcore_axis_name="s",
                                num_cores=NC, num_subcores=NS),
    compiler_params=pltpu.CompilerParams(use_tc_tiling_on_sc=False),
    scratch_types=[
        pltpu.VMEM((C,), jnp.int32),
        pltpu.VMEM((C,), jnp.int32),
        pltpu.VMEM((C,), jnp.int32),
        pltpu.VMEM((C, DIM), jnp.float32),
        pltpu.VMEM((C,), jnp.int32),
        pltpu.VMEM((C,), jnp.int32),
        pltpu.VMEM((C,), jnp.int32),
        pltpu.VMEM((C, DIM), jnp.float32),
        pltpu.VMEM_SHARED((ACC_ROWS, DIM), jnp.float32),
        pltpu.SemaphoreType.DMA,
        pltpu.SemaphoreType.DMA,
        pltpu.SemaphoreType.DMA,
        pltpu.SemaphoreType.DMA,
        pltpu.SemaphoreType.DMA,
        pltpu.SemaphoreType.DMA,
    ],
)


def _segment_sum(h, src, dst, zeros):
    return _seg_kernel()(h, src, dst, zeros)


def _pre_body(x_ref, w_ref, b_ref, o_ref):
    o_ref[...] = (jnp.dot(x_ref[...], w_ref[...],
                          preferred_element_type=jnp.float32) + b_ref[...])


def _pre_linear(x, W, b):
    return pl.pallas_call(
        _pre_body,
        out_shape=jax.ShapeDtypeStruct((N, DIM), jnp.float32),
    )(x, W, b.reshape(1, DIM))


def _layer_body(h_ref, a_ref, w1_ref, b1_ref, w2_ref, b2_ref, g_ref, be_ref,
                bf_ref, z_ref, p_ref):
    z0 = h_ref[...] + a_ref[...]
    z1 = jnp.dot(z0, w1_ref[...], preferred_element_type=jnp.float32) + b1_ref[...]
    z1 = jnp.where(z1 > 0, z1, 0.01 * z1)
    z2 = jnp.dot(z1, w2_ref[...], preferred_element_type=jnp.float32) + b2_ref[...]
    mu = jnp.mean(z2, axis=0, keepdims=True)
    zc = z2 - mu
    var = jnp.mean(zc * zc, axis=0, keepdims=True)
    zn = zc * lax.rsqrt(var + BN_EPS) * g_ref[...] + be_ref[...]
    z_ref[...] = zn
    oh = (lax.broadcasted_iota(jnp.int32, (G, N), 0) == bf_ref[...]
          ).astype(jnp.float32)
    p_ref[...] = jnp.dot(oh, zn, preferred_element_type=jnp.float32)


def _layer(h, agg, W1, b1, W2, b2, gam, bet, batchf):
    return pl.pallas_call(
        _layer_body,
        out_shape=(jax.ShapeDtypeStruct((N, DIM), jnp.float32),
                   jax.ShapeDtypeStruct((G, DIM), jnp.float32)),
    )(h, agg, W1, b1.reshape(1, DIM), W2, b2.reshape(1, DIM),
      gam.reshape(1, DIM), bet.reshape(1, DIM), batchf)


def kernel(x, edge_index, batch, W_pre, b_pre,
           W1_0, b1_0, W2_0, b2_0, gam_0, bet_0,
           W1_1, b1_1, W2_1, b2_1, gam_1, bet_1,
           W1_2, b1_2, W2_2, b2_2, gam_2, bet_2):
    src = edge_index[0]
    dst = edge_index[1]
    batchf = batch.reshape(1, N)
    zeros = jnp.zeros((LAST, DIM), jnp.float32)
    layers = [
        (W1_0, b1_0, W2_0, b2_0, gam_0, bet_0),
        (W1_1, b1_1, W2_1, b2_1, gam_1, bet_1),
        (W1_2, b1_2, W2_2, b2_2, gam_2, bet_2),
    ]
    h = _pre_linear(x, W_pre, b_pre)
    xs, pools = [], []
    for (W1, b1, W2, b2, gam, bet) in layers:
        agg = _segment_sum(h, src, dst, zeros)
        h, p = _layer(h, agg, W1, b1, W2, b2, gam, bet, batchf)
        xs.append(h)
        pools.append(p)
    return (jnp.concatenate(pools, axis=1), jnp.concatenate(xs, axis=1))

# --- scband reference (transcript-rebuilt; emitter-appended) ---
"""Pipeline reference for scband-encoder-multi-29283087024406 (READ-ONLY COPY).

The authoritative reference and input builder live on the scoring server;
editing this copy changes nothing except your own understanding.
"""

import jax, jax.numpy as jnp
import numpy as np

N = 10000
E = 320000
F_IN = 128
DIM = 256
L = 3
G = 64
BN_EPS = 1e-4


def _lin_init(k, fan_in, shape):
    bound = 1.0 / np.sqrt(fan_in)
    return jax.random.uniform(k, shape, minval=-bound, maxval=bound, dtype=jnp.float32)


def setup_inputs(seed: int = 0) -> dict:
    key = jax.random.key(seed)
    ks = jax.random.split(key, 64)
    inp = {}
    inp["x"] = jax.random.normal(ks[0], (N, F_IN), dtype=jnp.float32)
    inp["edge_index"] = jax.random.randint(ks[1], (2, E), 0, N, dtype=jnp.int32)
    inp["batch"] = jnp.sort(jax.random.randint(ks[2], (N,), 0, G, dtype=jnp.int32))
    inp["W_pre"] = _lin_init(ks[3], F_IN, (F_IN, DIM))
    inp["b_pre"] = _lin_init(ks[4], F_IN, (DIM,))
    idx = 5
    for i in range(L):
        inp[f"W1_{i}"] = _lin_init(ks[idx], DIM, (DIM, DIM)); idx += 1
        inp[f"b1_{i}"] = _lin_init(ks[idx], DIM, (DIM,)); idx += 1
        inp[f"W2_{i}"] = _lin_init(ks[idx], DIM, (DIM, DIM)); idx += 1
        inp[f"b2_{i}"] = _lin_init(ks[idx], DIM, (DIM,)); idx += 1
        inp[f"gam_{i}"] = jnp.ones((DIM,), dtype=jnp.float32)
        inp[f"bet_{i}"] = jnp.zeros((DIM,), dtype=jnp.float32)
    return inp


def _leaky_relu(z):
    return jnp.where(z > 0, z, 0.01 * z)


def _forward(x, edge_index, batch, W_pre, b_pre, layers):
    src = edge_index[0]
    dst = edge_index[1]
    h = x @ W_pre + b_pre
    xs = []
    for (W1, b1, W2, b2, gam, bet) in layers:
        # GINConv with eps=0: aggregate neighbor sum then MLP(x + agg)
        agg = jax.ops.segment_sum(h[src], dst, num_segments=N)
        z = h + agg
        z = z @ W1 + b1
        z = _leaky_relu(z)
        z = z @ W2 + b2
        # BatchNorm1d (training mode: batch statistics, biased variance)
        mu = jnp.mean(z, axis=0)
        var = jnp.var(z, axis=0)
        z = (z - mu) / jnp.sqrt(var + BN_EPS) * gam + bet
        h = z
        xs.append(h)
    xpool = [jax.ops.segment_sum(xi, batch, num_segments=G) for xi in xs]
    return (jnp.concatenate(xpool, axis=1), jnp.concatenate(xs, axis=1))


def reference(x, edge_index, batch, W_pre, b_pre,
              W1_0, b1_0, W2_0, b2_0, gam_0, bet_0,
              W1_1, b1_1, W2_1, b2_1, gam_1, bet_1,
              W1_2, b1_2, W2_2, b2_2, gam_2, bet_2):
    layers = [
        (W1_0, b1_0, W2_0, b2_0, gam_0, bet_0),
        (W1_1, b1_1, W2_1, b2_1, gam_1, bet_1),
        (W1_2, b1_2, W2_2, b2_2, gam_2, bet_2),
    ]
    return _forward(x, edge_index, batch, W_pre, b_pre, layers)

if __name__ == "__main__":
    import jax
    _d = setup_inputs()
    print(jax.jit(kernel)(*tuple(_d.values())))

</pallas_src>

<mosaic_0001>
#map = affine_map<(d0, d1) -> (0, 0)>
#map1 = affine_map<(d0, d1) -> (0)>
module attributes {stable_mosaic.version = 14 : i64} {
  func.func @_seg_body(%arg0: i32, %arg1: i32, %arg2: memref<10000x256xf32, #tpu.memory_space<hbm>>, %arg3: memref<320000xi32, #tpu.memory_space<hbm>>, %arg4: memref<320000xi32, #tpu.memory_space<hbm>>, %arg5: memref<320x256xf32, #tpu.memory_space<hbm>>, %arg6: memref<10000x256xf32, #tpu.memory_space<hbm>>, %arg7: memref<80xi32, #tpu.memory_space<vmem>>, %arg8: memref<80xi32, #tpu.memory_space<vmem>>, %arg9: memref<80xi32, #tpu.memory_space<vmem>>, %arg10: memref<80x256xf32, #tpu.memory_space<vmem>>, %arg11: memref<80xi32, #tpu.memory_space<vmem>>, %arg12: memref<80xi32, #tpu.memory_space<vmem>>, %arg13: memref<80xi32, #tpu.memory_space<vmem>>, %arg14: memref<80x256xf32, #tpu.memory_space<vmem>>, %arg15: memref<5016x256xf32, #tpu.memory_space<vmem_shared>>, %arg16: memref<!tpu.dma_semaphore, #tpu.memory_space<semaphore_mem>>, %arg17: memref<!tpu.dma_semaphore, #tpu.memory_space<semaphore_mem>>, %arg18: memref<!tpu.dma_semaphore, #tpu.memory_space<semaphore_mem>>, %arg19: memref<!tpu.dma_semaphore, #tpu.memory_space<semaphore_mem>>, %arg20: memref<!tpu.dma_semaphore, #tpu.memory_space<semaphore_mem>>, %arg21: memref<!tpu.dma_semaphore, #tpu.memory_space<semaphore_mem>>) attributes {dimension_semantics = [#tpu.dimension_semantics<core_parallel>, #tpu.dimension_semantics<subcore_parallel>], iteration_bounds = array<i64: 2, 16>, scalar_prefetch = 0 : i64, scratch_operands = 15 : i64, tpu.core_type = #tpu.core_type<sc_vector_subcore>, window_params = [{transform_indices = #map}, {transform_indices = #map1}, {transform_indices = #map1}, {transform_indices = #map}, {transform_indices = #map}]} {
    %mul3A = arith.constant 5000 : i32
    %mul3A_0 = arith.muli %arg0, %mul3A : i32
    %lt3A = arith.constant 15 : i32
    %lt3A_1 = arith.cmpi slt, %arg1, %lt3A : i32
    %convert_element_type3A = arith.extui %lt3A_1 : i1 to i32
    %cond3A = arith.constant 0 : i32
    %cond3A_2 = arith.cmpi ne, %convert_element_type3A, %cond3A : i32
    scf.if %cond3A_2 {
      %mul3A_131 = arith.constant 312 : i32
      %mul3A_132 = arith.muli %arg1, %mul3A_131 : i32
      "tpu.region"() ({
        %run_scoped3A = tpu.sem_alloc : memref<!tpu.dma_semaphore, #tpu.memory_space<semaphore_mem>>
        %dma_start3A_133 = arith.constant 0 : i32
        %dma_start3A_134 = tpu.memref_slice %arg15[%mul3A_132, %dma_start3A_133] : memref<5016x256xf32, #tpu.memory_space<vmem_shared>> -> memref<312x256xf32, #tpu.memory_space<vmem_shared>>
        %dma_start3A_135 = arith.constant 0 : i32
        %dma_start3A_136 = arith.constant 0 : i32
        %dma_start3A_137 = tpu.memref_slice %arg5[%dma_start3A_135, %dma_start3A_136] : memref<320x256xf32, #tpu.memory_space<hbm>> -> memref<312x256xf32, #tpu.memory_space<hbm>>
        tpu.enqueue_dma source(%dma_start3A_137 : memref<312x256xf32, #tpu.memory_space<hbm>>) target(%dma_start3A_134 : memref<312x256xf32, #tpu.memory_space<vmem_shared>>) target_semaphore(%run_scoped3A : memref<!tpu.dma_semaphore, #tpu.memory_space<semaphore_mem>>)
        %dma_wait3A_138 = arith.constant 0 : i32
        %dma_wait3A_139 = tpu.memref_slice %arg15[%mul3A_132, %dma_wait3A_138] : memref<5016x256xf32, #tpu.memory_space<vmem_shared>> -> memref<312x256xf32, #tpu.memory_space<vmem_shared>>
        %dma_wait3A_140 = arith.constant 0 : i32
        %dma_wait3A_141 = arith.constant 0 : i32
        %dma_wait3A_142 = tpu.memref_slice %arg5[%dma_wait3A_140, %dma_wait3A_141] : memref<320x256xf32, #tpu.memory_space<hbm>> -> memref<312x256xf32, #tpu.memory_space<hbm>>
        tpu.wait_dma2 semaphore(%run_scoped3A : memref<!tpu.dma_semaphore, #tpu.memory_space<semaphore_mem>>) src(%dma_wait3A_142 : memref<312x256xf32, #tpu.memory_space<hbm>>) dst(%dma_wait3A_139 : memref<312x256xf32, #tpu.memory_space<vmem_shared>>)
        tpu.yield
      }) : () -> ()
    } else {
    }
    %eq3A = arith.constant 15 : i32
    %eq3A_3 = arith.cmpi eq, %arg1, %eq3A : i32
    %convert_element_type3A_4 = arith.extui %eq3A_3 : i1 to i32
    %cond3A_5 = arith.constant 0 : i32
    %cond3A_6 = arith.cmpi ne, %convert_element_type3A_4, %cond3A_5 : i32
    scf.if %cond3A_6 {
      "tpu.region"() ({
        %run_scoped3A = tpu.sem_alloc : memref<!tpu.dma_semaphore, #tpu.memory_space<semaphore_mem>>
        %dma_start3A_131 = arith.constant 4680 : i32
        %dma_start3A_132 = arith.constant 0 : i32
        %dma_start3A_133 = tpu.memref_slice %arg15[%dma_start3A_131, %dma_start3A_132] : memref<5016x256xf32, #tpu.memory_space<vmem_shared>> -> memref<320x256xf32, #tpu.memory_space<vmem_shared>>
        %dma_start3A_134 = arith.constant 0 : i32
        %dma_start3A_135 = arith.constant 0 : i32
        %dma_start3A_136 = tpu.memref_slice %arg5[%dma_start3A_134, %dma_start3A_135] : memref<320x256xf32, #tpu.memory_space<hbm>> -> memref<320x256xf32, #tpu.memory_space<hbm>>
        tpu.enqueue_dma source(%dma_start3A_136 : memref<320x256xf32, #tpu.memory_space<hbm>>) target(%dma_start3A_133 : memref<320x256xf32, #tpu.memory_space<vmem_shared>>) target_semaphore(%run_scoped3A : memref<!tpu.dma_semaphore, #tpu.memory_space<semaphore_mem>>)
        %dma_wait3A_137 = arith.constant 4680 : i32
        %dma_wait3A_138 = arith.constant 0 : i32
        %dma_wait3A_139 = tpu.memref_slice %arg15[%dma_wait3A_137, %dma_wait3A_138] : memref<5016x256xf32, #tpu.memory_space<vmem_shared>> -> memref<320x256xf32, #tpu.memory_space<vmem_shared>>
        %dma_wait3A_140 = arith.constant 0 : i32
        %dma_wait3A_141 = arith.constant 0 : i32
        %dma_wait3A_142 = tpu.memref_slice %arg5[%dma_wait3A_140, %dma_wait3A_141] : memref<320x256xf32, #tpu.memory_space<hbm>> -> memref<320x256xf32, #tpu.memory_space<hbm>>
        tpu.wait_dma2 semaphore(%run_scoped3A : memref<!tpu.dma_semaphore, #tpu.memory_space<semaphore_mem>>) src(%dma_wait3A_142 : memref<320x256xf32, #tpu.memory_space<hbm>>) dst(%dma_wait3A_139 : memref<320x256xf32, #tpu.memory_space<vmem_shared>>)
        tpu.yield
      }) : () -> ()
    } else {
    }
    %barrier3A = arith.constant 0 : index
    tpu.barrier barrier_id(%barrier3A)
    %add3A = arith.constant 5000 : i32
    %add3A_7 = arith.addi %add3A, %arg1 : i32
    %mul3A_8 = arith.constant 20000 : i32
    %mul3A_9 = arith.muli %arg1, %mul3A_8 : i32
    %add3A_10 = arith.constant 0 : i32
    %add3A_11 = arith.addi %mul3A_9, %add3A_10 : i32
    %dma_start3A = tpu.memref_slice %arg3[%add3A_11] : memref<320000xi32, #tpu.memory_space<hbm>> -> memref<80xi32, #tpu.memory_space<hbm>>
    %dma_start3A_12 = tpu.memref_slice %arg3[%add3A_11] : memref<320000xi32, #tpu.memory_space<hbm>> -> memref<80xi32, #tpu.memory_space<hbm>>
    tpu.enqueue_dma source(%dma_start3A_12 : memref<80xi32, #tpu.memory_space<hbm>>) target(%arg7 : memref<80xi32, #tpu.memory_space<vmem>>) target_semaphore(%arg16 : memref<!tpu.dma_semaphore, #tpu.memory_space<semaphore_mem>>)
    %dma_start3A_13 = tpu.memref_slice %arg4[%add3A_11] : memref<320000xi32, #tpu.memory_space<hbm>> -> memref<80xi32, #tpu.memory_space<hbm>>
    %dma_start3A_14 = tpu.memref_slice %arg4[%add3A_11] : memref<320000xi32, #tpu.memory_space<hbm>> -> memref<80xi32, #tpu.memory_space<hbm>>
    tpu.enqueue_dma source(%dma_start3A_14 : memref<80xi32, #tpu.memory_space<hbm>>) target(%arg8 : memref<80xi32, #tpu.memory_space<vmem>>) target_semaphore(%arg16 : memref<!tpu.dma_semaphore, #tpu.memory_space<semaphore_mem>>)
    %add3A_15 = arith.constant 80 : i32
    %add3A_16 = arith.addi %mul3A_9, %add3A_15 : i32
    %dma_start3A_17 = tpu.memref_slice %arg3[%add3A_16] : memref<320000xi32, #tpu.memory_space<hbm>> -> memref<80xi32, #tpu.memory_space<hbm>>
    %dma_start3A_18 = tpu.memref_slice %arg3[%add3A_16] : memref<320000xi32, #tpu.memory_space<hbm>> -> memref<80xi32, #tpu.memory_space<hbm>>
    tpu.enqueue_dma source(%dma_start3A_18 : memref<80xi32, #tpu.memory_space<hbm>>) target(%arg11 : memref<80xi32, #tpu.memory_space<vmem>>) target_semaphore(%arg17 : memref<!tpu.dma_semaphore, #tpu.memory_space<semaphore_mem>>)
    %dma_start3A_19 = tpu.memref_slice %arg4[%add3A_16] : memref<320000xi32, #tpu.memory_space<hbm>> -> memref<80xi32, #tpu.memory_space<hbm>>
    %dma_start3A_20 = tpu.memref_slice %arg4[%add3A_16] : memref<320000xi32, #tpu.memory_space<hbm>> -> memref<80xi32, #tpu.memory_space<hbm>>
    tpu.enqueue_dma source(%dma_start3A_20 : memref<80xi32, #tpu.memory_space<hbm>>) target(%arg12 : memref<80xi32, #tpu.memory_space<vmem>>) target_semaphore(%arg17 : memref<!tpu.dma_semaphore, #tpu.memory_space<semaphore_mem>>)
    %dma_wait3A = tpu.memref_slice %arg3[%mul3A_9] : memref<320000xi32, #tpu.memory_space<hbm>> -> memref<80xi32, #tpu.memory_space<hbm>>
    %dma_wait3A_21 = tpu.memref_slice %arg3[%mul3A_9] : memref<320000xi32, #tpu.memory_space<hbm>> -> memref<80xi32, #tpu.memory_space<hbm>>
    tpu.wait_dma2 semaphore(%arg16 : memref<!tpu.dma_semaphore, #tpu.memory_space<semaphore_mem>>) src(%dma_wait3A_21 : memref<80xi32, #tpu.memory_space<hbm>>) dst(%arg7 : memref<80xi32, #tpu.memory_space<vmem>>)
    %dma_wait3A_22 = tpu.memref_slice %arg4[%mul3A_9] : memref<320000xi32, #tpu.memory_space<hbm>> -> memref<80xi32, #tpu.memory_space<hbm>>
    %dma_wait3A_23 = tpu.memref_slice %arg4[%mul3A_9] : memref<320000xi32, #tpu.memory_space<hbm>> -> memref<80xi32, #tpu.memory_space<hbm>>
    tpu.wait_dma2 semaphore(%arg16 : memref<!tpu.dma_semaphore, #tpu.memory_space<semaphore_mem>>) src(%dma_wait3A_23 : memref<80xi32, #tpu.memory_space<hbm>>) dst(%arg8 : memref<80xi32, #tpu.memory_space<vmem>>)
    %get3A = arith.constant 0 : index
    %get3A_24 = tpu.vector_load %arg8[%get3A] {strides = array<i32>} : memref<80xi32, #tpu.memory_space<vmem>>, vector<16xi32>,
    %get3A_25 = vector.shape_cast %get3A_24 : vector<16xi32> to vector<16xi32>
    %sub3A = vector.broadcast %mul3A_0 : i32 to vector<16xi32>
    %sub3A_26 = arith.subi %get3A_25, %sub3A : vector<16xi32>
    %ge3A = arith.constant 0 : i32
    %ge3A_27 = vector.broadcast %ge3A : i32 to vector<16xi32>
    %ge3A_28 = arith.cmpi sge, %sub3A_26, %ge3A_27 : vector<16xi32>
    %lt3A_29 = arith.constant 5000 : i32
    %lt3A_30 = vector.broadcast %lt3A_29 : i32 to vector<16xi32>
    %lt3A_31 = arith.cmpi slt, %sub3A_26, %lt3A_30 : vector<16xi32>
    %and3A = arith.andi %ge3A_28, %lt3A_31 : vector<16xi1>
    %broadcast_in_dim3A = vector.broadcast %add3A_7 : i32 to vector<16xi32>
    %select_n3A = arith.select %and3A, %sub3A_26, %broadcast_in_dim3A : vector<16xi1>, vector<16xi32>
    %swap3A = arith.constant 0 : index
    %swap3A_32 = tpu.vector_load %arg9[%swap3A] {strides = array<i32>} : memref<80xi32, #tpu.memory_space<vmem>>, vector<16xi32>,
    %swap3A_33 = vector.shape_cast %swap3A_32 : vector<16xi32> to vector<16xi32>
    %swap3A_34 = vector.shape_cast %select_n3A : vector<16xi32> to vector<16xi32>
    tpu.vector_store %arg9[%swap3A], %swap3A_34 {strides = array<i32>} : memref<80xi32, #tpu.memory_space<vmem>>, vector<16xi32>,
    %get3A_35 = arith.constant 16 : index
    %get3A_36 = tpu.vector_load %arg8[%get3A_35] {strides = array<i32>} : memref<80xi32, #tpu.memory_space<vmem>>, vector<16xi32>,
    %get3A_37 = vector.shape_cast %get3A_36 : vector<16xi32> to vector<16xi32>
    %sub3A_38 = vector.broadcast %mul3A_0 : i32 to vector<16xi32>
    %sub3A_39 = arith.subi %get3A_37, %sub3A_38 : vector<16xi32>
    %ge3A_40 = arith.constant 0 : i32
    %ge3A_41 = vector.broadcast %ge3A_40 : i32 to vector<16xi32>
    %ge3A_42 = arith.cmpi sge, %sub3A_39, %ge3A_41 : vector<16xi32>
    %lt3A_43 = arith.constant 5000 : i32
    %lt3A_44 = vector.broadcast %lt3A_43 : i32 to vector<16xi32>
    %lt3A_45 = arith.cmpi slt, %sub3A_39, %lt3A_44 : vector<16xi32>
    %and3A_46 = arith.andi %ge3A_42, %lt3A_45 : vector<16xi1>
    %broadcast_in_dim3A_47 = vector.broadcast %add3A_7 : i32 to vector<16xi32>
    %select_n3A_48 = arith.select %and3A_46, %sub3A_39, %broadcast_in_dim3A_47 : vector<16xi1>, vector<16xi32>
    %swap3A_49 = arith.constant 16 : index
    %swap3A_50 = tpu.vector_load %arg9[%swap3A_49] {strides = array<i32>} : memref<80xi32, #tpu.memory_space<vmem>>, vector<16xi32>,
    %swap3A_51 = vector.shape_cast %swap3A_50 : vector<16xi32> to vector<16xi32>
    %swap3A_52 = vector.shape_cast %select_n3A_48 : vector<16xi32> to vector<16xi32>
    tpu.vector_store %arg9[%swap3A_49], %swap3A_52 {strides = array<i32>} : memref<80xi32, #tpu.memory_space<vmem>>, vector<16xi32>,
    %get3A_53 = arith.constant 32 : index
    %get3A_54 = tpu.vector_load %arg8[%get3A_53] {strides = array<i32>} : memref<80xi32, #tpu.memory_space<vmem>>, vector<16xi32>,
    %get3A_55 = vector.shape_cast %get3A_54 : vector<16xi32> to vector<16xi32>
    %sub3A_56 = vector.broadcast %mul3A_0 : i32 to vector<16xi32>
    %sub3A_57 = arith.subi %get3A_55, %sub3A_56 : vector<16xi32>
    %ge3A_58 = arith.constant 0 : i32
    %ge3A_59 = vector.broadcast %ge3A_58 : i32 to vector<16xi32>
    %ge3A_60 = arith.cmpi sge, %sub3A_57, %ge3A_59 : vector<16xi32>
    %lt3A_61 = arith.constant 5000 : i32
    %lt3A_62 = vector.broadcast %lt3A_61 : i32 to vector<16xi32>
    %lt3A_63 = arith.cmpi slt, %sub3A_57, %lt3A_62 : vector<16xi32>
    %and3A_64 = arith.andi %ge3A_60, %lt3A_63 : vector<16xi1>
    %broadcast_in_dim3A_65 = vector.broadcast %add3A_7 : i32 to vector<16xi32>
    %select_n3A_66 = arith.select %and3A_64, %sub3A_57, %broadcast_in_dim3A_65 : vector<16xi1>, vector<16xi32>
    %swap3A_67 = arith.constant 32 : index
    %swap3A_68 = tpu.vector_load %arg9[%swap3A_67] {strides = array<i32>} : memref<80xi32, #tpu.memory_space<vmem>>, vector<16xi32>,
    %swap3A_69 = vector.shape_cast %swap3A_68 : vector<16xi32> to vector<16xi32>
    %swap3A_70 = vector.shape_cast %select_n3A_66 : vector<16xi32> to vector<16xi32>
    tpu.vector_store %arg9[%swap3A_67], %swap3A_70 {strides = array<i32>} : memref<80xi32, #tpu.memory_space<vmem>>, vector<16xi32>,
    %get3A_71 = arith.constant 48 : index
    %get3A_72 = tpu.vector_load %arg8[%get3A_71] {strides = array<i32>} : memref<80xi32, #tpu.memory_space<vmem>>, vector<16xi32>,
    %get3A_73 = vector.shape_cast %get3A_72 : vector<16xi32> to vector<16xi32>
    %sub3A_74 = vector.broadcast %mul3A_0 : i32 to vector<16xi32>
    %sub3A_75 = arith.subi %get3A_73, %sub3A_74 : vector<16xi32>
    %ge3A_76 = arith.constant 0 : i32
    %ge3A_77 = vector.broadcast %ge3A_76 : i32 to vector<16xi32>
    %ge3A_78 = arith.cmpi sge, %sub3A_75, %ge3A_77 : vector<16xi32>
    %lt3A_79 = arith.constant 5000 : i32
    %lt3A_80 = vector.broadcast %lt3A_79 : i32 to vector<16xi32>
    %lt3A_81 = arith.cmpi slt, %sub3A_75, %lt3A_80 : vector<16xi32>
    %and3A_82 = arith.andi %ge3A_78, %lt3A_81 : vector<16xi1>
    %broadcast_in_dim3A_83 = vector.broadcast %add3A_7 : i32 to vector<16xi32>
    %select_n3A_84 = arith.select %and3A_82, %sub3A_75, %broadcast_in_dim3A_83 : vector<16xi1>, vector<16xi32>
    %swap3A_85 = arith.constant 48 : index
    %swap3A_86 = tpu.vector_load %arg9[%swap3A_85] {strides = array<i32>} : memref<80xi32, #tpu.memory_space<vmem>>, vector<16xi32>,
    %swap3A_87 = vector.shape_cast %swap3A_86 : vector<16xi32> to vector<16xi32>
    %swap3A_88 = vector.shape_cast %select_n3A_84 : vector<16xi32> to vector<16xi32>
    tpu.vector_store %arg9[%swap3A_85], %swap3A_88 {strides = array<i32>} : memref<80xi32, #tpu.memory_space<vmem>>, vector<16xi32>,
    %get3A_89 = arith.constant 64 : index
    %get3A_90 = tpu.vector_load %arg8[%get3A_89] {strides = array<i32>} : memref<80xi32, #tpu.memory_space<vmem>>, vector<16xi32>,
    %get3A_91 = vector.shape_cast %get3A_90 : vector<16xi32> to vector<16xi32>
    %sub3A_92 = vector.broadcast %mul3A_0 : i32 to vector<16xi32>
    %sub3A_93 = arith.subi %get3A_91, %sub3A_92 : vector<16xi32>
    %ge3A_94 = arith.constant 0 : i32
    %ge3A_95 = vector.broadcast %ge3A_94 : i32 to vector<16xi32>
    %ge3A_96 = arith.cmpi sge, %sub3A_93, %ge3A_95 : vector<16xi32>
    %lt3A_97 = arith.constant 5000 : i32
    %lt3A_98 = vector.broadcast %lt3A_97 : i32 to vector<16xi32>
    %lt3A_99 = arith.cmpi slt, %sub3A_93, %lt3A_98 : vector<16xi32>
    %and3A_100 = arith.andi %ge3A_96, %lt3A_99 : vector<16xi1>
    %broadcast_in_dim3A_101 = vector.broadcast %add3A_7 : i32 to vector<16xi32>
    %select_n3A_102 = arith.select %and3A_100, %sub3A_93, %broadcast_in_dim3A_101 : vector<16xi1>, vector<16xi32>
    %swap3A_103 = arith.constant 64 : index
    %swap3A_104 = tpu.vector_load %arg9[%swap3A_103] {strides = array<i32>} : memref<80xi32, #tpu.memory_space<vmem>>, vector<16xi32>,
    %swap3A_105 = vector.shape_cast %swap3A_104 : vector<16xi32> to vector<16xi32>
    %swap3A_106 = vector.shape_cast %select_n3A_102 : vector<16xi32> to vector<16xi32>
    tpu.vector_store %arg9[%swap3A_103], %swap3A_106 {strides = array<i32>} : memref<80xi32, #tpu.memory_space<vmem>>, vector<16xi32>,
    %dma_start3A_107 = arith.constant 0 : i32
    %dma_start3A_108 = arith.constant 0 : i32
    %dma_start3A_109 = tpu.memref_slice %arg2[%dma_start3A_107, %dma_start3A_108] : memref<10000x256xf32, #tpu.memory_space<hbm>> -> memref<10000x256xf32, #tpu.memory_space<hbm>>
    tpu.enqueue_indirect_dma source(%dma_start3A_109 : memref<10000x256xf32, #tpu.memory_space<hbm>>) target(%arg10 : memref<80x256xf32, #tpu.memory_space<vmem>>) offsets(%arg7 : memref<80xi32, #tpu.memory_space<vmem>>) semaphore(%arg18 : memref<!tpu.dma_semaphore, #tpu.memory_space<semaphore_mem>>)
    %scan3A = arith.constant 0 : i32
    %scan3A_110 = arith.constant 125 : i32
    %scan3A_111 = arith.addi %scan3A, %scan3A_110 : i32
    %scan3A_112 = arith.constant 1 : i32
    scf.for %scan3A_131 = %scan3A to %scan3A_111 step %scan3A_112  : i32 {
      %mul3A_132 = arith.constant 1 : i32
      %mul3A_133 = arith.muli %scan3A_131, %mul3A_132 : i32
      %add3A_134 = arith.constant 0 : i32
      %add3A_135 = arith.addi %add3A_134, %mul3A_133 : i32
      %dma_wait3A_136 = arith.constant 0 : i32
      %dma_wait3A_137 = arith.constant 0 : i32
      %dma_wait3A_138 = tpu.memref_slice %arg2[%dma_wait3A_136, %dma_wait3A_137] : memref<10000x256xf32, #tpu.memory_space<hbm>> -> memref<10000x256xf32, #tpu.memory_space<hbm>>
      tpu.wait_indirect_dma semaphore(%arg18 : memref<!tpu.dma_semaphore, #tpu.memory_space<semaphore_mem>>) src(%dma_wait3A_138 : memref<10000x256xf32, #tpu.memory_space<hbm>>) dst(%arg10 : memref<80x256xf32, #tpu.memory_space<vmem>>)
      %dma_start3A_139 = arith.constant 0 : i32
      %dma_start3A_140 = arith.constant 0 : i32
      %dma_start3A_141 = tpu.memref_slice %arg15[%dma_start3A_139, %dma_start3A_140] : memref<5016x256xf32, #tpu.memory_space<vmem_shared>> -> memref<5016x256xf32, #tpu.memory_space<vmem_shared>>
      tpu.enqueue_indirect_dma source(%arg10 : memref<80x256xf32, #tpu.memory_space<vmem>>) target(%dma_start3A_141 : memref<5016x256xf32, #tpu.memory_space<vmem_shared>>) offsets(%arg9 : memref<80xi32, #tpu.memory_space<vmem>>) semaphore(%arg20 : memref<!tpu.dma_semaphore, #tpu.memory_space<semaphore_mem>>) {add = true}
      %add3A_142 = arith.constant 1 : i32
      %add3A_143 = arith.addi %add3A_135, %add3A_142 : i32
      %lt3A_144 = arith.constant 125 : i32
      %lt3A_145 = arith.cmpi slt, %add3A_143, %lt3A_144 : i32
      %convert_element_type3A_146 = arith.extui %lt3A_145 : i1 to i32
      %cond3A_147 = arith.constant 0 : i32
      %cond3A_148 = arith.cmpi ne, %convert_element_type3A_146, %cond3A_147 : i32
      scf.if %cond3A_148 {
        %mul3A_263 = arith.constant 2 : i32
        %mul3A_264 = arith.muli %mul3A_263, %add3A_135 : i32
        %add3A_265 = arith.constant 2 : i32
        %add3A_266 = arith.addi %mul3A_264, %add3A_265 : i32
        %mul3A_267 = arith.constant 80 : i32
        %mul3A_268 = arith.muli %add3A_266, %mul3A_267 : i32
        %add3A_269 = arith.addi %mul3A_9, %mul3A_268 : i32
        %dma_start3A_270 = tpu.memref_slice %arg3[%add3A_269] : memref<320000xi32, #tpu.memory_space<hbm>> -> memref<80xi32, #tpu.memory_space<hbm>>
        %dma_start3A_271 = tpu.memref_slice %arg3[%add3A_269] : memref<320000xi32, #tpu.memory_space<hbm>> -> memref<80xi32, #tpu.memory_space<hbm>>
        tpu.enqueue_dma source(%dma_start3A_271 : memref<80xi32, #tpu.memory_space<hbm>>) target(%arg7 : memref<80xi32, #tpu.memory_space<vmem>>) target_semaphore(%arg16 : memref<!tpu.dma_semaphore, #tpu.memory_space<semaphore_mem>>)
        %dma_start3A_272 = tpu.memref_slice %arg4[%add3A_269] : memref<320000xi32, #tpu.memory_space<hbm>> -> memref<80xi32, #tpu.memory_space<hbm>>
        %dma_start3A_273 = tpu.memref_slice %arg4[%add3A_269] : memref<320000xi32, #tpu.memory_space<hbm>> -> memref<80xi32, #tpu.memory_space<hbm>>
        tpu.enqueue_dma source(%dma_start3A_273 : memref<80xi32, #tpu.memory_space<hbm>>) target(%arg8 : memref<80xi32, #tpu.memory_space<vmem>>) target_semaphore(%arg16 : memref<!tpu.dma_semaphore, #tpu.memory_space<semaphore_mem>>)
      } else {
      }
      %dma_wait3A_149 = tpu.memref_slice %arg3[%mul3A_9] : memref<320000xi32, #tpu.memory_space<hbm>> -> memref<80xi32, #tpu.memory_space<hbm>>
      %dma_wait3A_150 = tpu.memref_slice %arg3[%mul3A_9] : memref<320000xi32, #tpu.memory_space<hbm>> -> memref<80xi32, #tpu.memory_space<hbm>>
      tpu.wait_dma2 semaphore(%arg17 : memref<!tpu.dma_semaphore, #tpu.memory_space<semaphore_mem>>) src(%dma_wait3A_150 : memref<80xi32, #tpu.memory_space<hbm>>) dst(%arg11 : memref<80xi32, #tpu.memory_space<vmem>>)
      %dma_wait3A_151 = tpu.memref_slice %arg4[%mul3A_9] : memref<320000xi32, #tpu.memory_space<hbm>> -> memref<80xi32, #tpu.memory_space<hbm>>
      %dma_wait3A_152 = tpu.memref_slice %arg4[%mul3A_9] : memref<320000xi32, #tpu.memory_space<hbm>> -> memref<80xi32, #tpu.memory_space<hbm>>
      tpu.wait_dma2 semaphore(%arg17 : memref<!tpu.dma_semaphore, #tpu.memory_space<semaphore_mem>>) src(%dma_wait3A_152 : memref<80xi32, #tpu.memory_space<hbm>>) dst(%arg12 : memref<80xi32, #tpu.memory_space<vmem>>)
      %gt3A = arith.constant 0 : i32
      %gt3A_153 = arith.cmpi sgt, %add3A_135, %gt3A : i32
      %convert_element_type3A_154 = arith.extui %gt3A_153 : i1 to i32
      %cond3A_155 = arith.constant 0 : i32
      %cond3A_156 = arith.cmpi ne, %convert_element_type3A_154, %cond3A_155 : i32
      scf.if %cond3A_156 {
        %dma_wait3A_263 = arith.constant 0 : i32
        %dma_wait3A_264 = arith.constant 0 : i32
        %dma_wait3A_265 = tpu.memref_slice %arg15[%dma_wait3A_263, %dma_wait3A_264] : memref<5016x256xf32, #tpu.memory_space<vmem_shared>> -> memref<5016x256xf32, #tpu.memory_space<vmem_shared>>
        tpu.wait_indirect_dma semaphore(%arg21 : memref<!tpu.dma_semaphore, #tpu.memory_space<semaphore_mem>>) src(%arg14 : memref<80x256xf32, #tpu.memory_space<vmem>>) dst(%dma_wait3A_265 : memref<5016x256xf32, #tpu.memory_space<vmem_shared>>)
      } else {
      }
      %get3A_157 = arith.constant 0 : index
      %get3A_158 = tpu.vector_load %arg12[%get3A_157] {strides = array<i32>} : memref<80xi32, #tpu.memory_space<vmem>>, vector<16xi32>,
      %get3A_159 = vector.shape_cast %get3A_158 : vector<16xi32> to vector<16xi32>
      %sub3A_160 = vector.broadcast %mul3A_0 : i32 to vector<16xi32>
      %sub3A_161 = arith.subi %get3A_159, %sub3A_160 : vector<16xi32>
      %ge3A_162 = arith.constant 0 : i32
      %ge3A_163 = vector.broadcast %ge3A_162 : i32 to vector<16xi32>
      %ge3A_164 = arith.cmpi sge, %sub3A_161, %ge3A_163 : vector<16xi32>
      %lt3A_165 = arith.constant 5000 : i32
      %lt3A_166 = vector.broadcast %lt3A_165 : i32 to vector<16xi32>
      %lt3A_167 = arith.cmpi slt, %sub3A_161, %lt3A_166 : vector<16xi32>
      %and3A_168 = arith.andi %ge3A_164, %lt3A_167 : vector<16xi1>
      %broadcast_in_dim3A_169 = vector.broadcast %add3A_7 : i32 to vector<16xi32>
      %select_n3A_170 = arith.select %and3A_168, %sub3A_161, %broadcast_in_dim3A_169 : vector<16xi1>, vector<16xi32>
      %swap3A_171 = arith.constant 0 : index
      %swap3A_172 = tpu.vector_load %arg13[%swap3A_171] {strides = array<i32>} : memref<80xi32, #tpu.memory_space<vmem>>, vector<16xi32>,
      %swap3A_173 = vector.shape_cast %swap3A_172 : vector<16xi32> to vector<16xi32>
      %swap3A_174 = vector.shape_cast %select_n3A_170 : vector<16xi32> to vector<16xi32>
      tpu.vector_store %arg13[%swap3A_171], %swap3A_174 {strides = array<i32>} : memref<80xi32, #tpu.memory_space<vmem>>, vector<16xi32>,
      %get3A_175 = arith.constant 16 : index
      %get3A_176 = tpu.vector_load %arg12[%get3A_175] {strides = array<i32>} : memref<80xi32, #tpu.memory_space<vmem>>, vector<16xi32>,
      %get3A_177 = vector.shape_cast %get3A_176 : vector<16xi32> to vector<16xi32>
      %sub3A_178 = vector.broadcast %mul3A_0 : i32 to vector<16xi32>
      %sub3A_179 = arith.subi %get3A_177, %sub3A_178 : vector<16xi32>
      %ge3A_180 = arith.constant 0 : i32
      %ge3A_181 = vector.broadcast %ge3A_180 : i32 to vector<16xi32>
      %ge3A_182 = arith.cmpi sge, %sub3A_179, %ge3A_181 : vector<16xi32>
      %lt3A_183 = arith.constant 5000 : i32
      %lt3A_184 = vector.broadcast %lt3A_183 : i32 to vector<16xi32>
      %lt3A_185 = arith.cmpi slt, %sub3A_179, %lt3A_184 : vector<16xi32>
      %and3A_186 = arith.andi %ge3A_182, %lt3A_185 : vector<16xi1>
      %broadcast_in_dim3A_187 = vector.broadcast %add3A_7 : i32 to vector<16xi32>
      %select_n3A_188 = arith.select %and3A_186, %sub3A_179, %broadcast_in_dim3A_187 : vector<16xi1>, vector<16xi32>
      %swap3A_189 = arith.constant 16 : index
      %swap3A_190 = tpu.vector_load %arg13[%swap3A_189] {strides = array<i32>} : memref<80xi32, #tpu.memory_space<vmem>>, vector<16xi32>,
      %swap3A_191 = vector.shape_cast %swap3A_190 : vector<16xi32> to vector<16xi32>
      %swap3A_192 = vector.shape_cast %select_n3A_188 : vector<16xi32> to vector<16xi32>
      tpu.vector_store %arg13[%swap3A_189], %swap3A_192 {strides = array<i32>} : memref<80xi32, #tpu.memory_space<vmem>>, vector<16xi32>,
      %get3A_193 = arith.constant 32 : index
      %get3A_194 = tpu.vector_load %arg12[%get3A_193] {strides = array<i32>} : memref<80xi32, #tpu.memory_space<vmem>>, vector<16xi32>,
      %get3A_195 = vector.shape_cast %get3A_194 : vector<16xi32> to vector<16xi32>
      %sub3A_196 = vector.broadcast %mul3A_0 : i32 to vector<16xi32>
      %sub3A_197 = arith.subi %get3A_195, %sub3A_196 : vector<16xi32>
      %ge3A_198 = arith.constant 0 : i32
      %ge3A_199 = vector.broadcast %ge3A_198 : i32 to vector<16xi32>
      %ge3A_200 = arith.cmpi sge, %sub3A_197, %ge3A_199 : vector<16xi32>
      %lt3A_201 = arith.constant 5000 : i32
      %lt3A_202 = vector.broadcast %lt3A_201 : i32 to vector<16xi32>
      %lt3A_203 = arith.cmpi slt, %sub3A_197, %lt3A_202 : vector<16xi32>
      %and3A_204 = arith.andi %ge3A_200, %lt3A_203 : vector<16xi1>
      %broadcast_in_dim3A_205 = vector.broadcast %add3A_7 : i32 to vector<16xi32>
      %select_n3A_206 = arith.select %and3A_204, %sub3A_197, %broadcast_in_dim3A_205 : vector<16xi1>, vector<16xi32>
      %swap3A_207 = arith.constant 32 : index
      %swap3A_208 = tpu.vector_load %arg13[%swap3A_207] {strides = array<i32>} : memref<80xi32, #tpu.memory_space<vmem>>, vector<16xi32>,
      %swap3A_209 = vector.shape_cast %swap3A_208 : vector<16xi32> to vector<16xi32>
      %swap3A_210 = vector.shape_cast %select_n3A_206 : vector<16xi32> to vector<16xi32>
      tpu.vector_store %arg13[%swap3A_207], %swap3A_210 {strides = array<i32>} : memref<80xi32, #tpu.memory_space<vmem>>, vector<16xi32>,
      %get3A_211 = arith.constant 48 : index
      %get3A_212 = tpu.vector_load %arg12[%get3A_211] {strides = array<i32>} : memref<80xi32, #tpu.memory_space<vmem>>, vector<16xi32>,
      %get3A_213 = vector.shape_cast %get3A_212 : vector<16xi32> to vector<16xi32>
      %sub3A_214 = vector.broadcast %mul3A_0 : i32 to vector<16xi32>
      %sub3A_215 = arith.subi %get3A_213, %sub3A_214 : vector<16xi32>
      %ge3A_216 = arith.constant 0 : i32
      %ge3A_217 = vector.broadcast %ge3A_216 : i32 to vector<16xi32>
      %ge3A_218 = arith.cmpi sge, %sub3A_215, %ge3A_217 : vector<16xi32>
      %lt3A_219 = arith.constant 5000 : i32
      %lt3A_220 = vector.broadcast %lt3A_219 : i32 to vector<16xi32>
      %lt3A_221 = arith.cmpi slt, %sub3A_215, %lt3A_220 : vector<16xi32>
      %and3A_222 = arith.andi %ge3A_218, %lt3A_221 : vector<16xi1>
      %broadcast_in_dim3A_223 = vector.broadcast %add3A_7 : i32 to vector<16xi32>
      %select_n3A_224 = arith.select %and3A_222, %sub3A_215, %broadcast_in_dim3A_223 : vector<16xi1>, vector<16xi32>
      %swap3A_225 = arith.constant 48 : index
      %swap3A_226 = tpu.vector_load %arg13[%swap3A_225] {strides = array<i32>} : memref<80xi32, #tpu.memory_space<vmem>>, vector<16xi32>,
      %swap3A_227 = vector.shape_cast %swap3A_226 : vector<16xi32> to vector<16xi32>
      %swap3A_228 = vector.shape_cast %select_n3A_224 : vector<16xi32> to vector<16xi32>
      tpu.vector_store %arg13[%swap3A_225], %swap3A_228 {strides = array<i32>} : memref<80xi32, #tpu.memory_space<vmem>>, vector<16xi32>,
      %get3A_229 = arith.constant 64 : index
      %get3A_230 = tpu.vector_load %arg12[%get3A_229] {strides = array<i32>} : memref<80xi32, #tpu.memory_space<vmem>>, vector<16xi32>,
      %get3A_231 = vector.shape_cast %get3A_230 : vector<16xi32> to vector<16xi32>
      %sub3A_232 = vector.broadcast %mul3A_0 : i32 to vector<16xi32>
      %sub3A_233 = arith.subi %get3A_231, %sub3A_232 : vector<16xi32>
      %ge3A_234 = arith.constant 0 : i32
      %ge3A_235 = vector.broadcast %ge3A_234 : i32 to vector<16xi32>
      %ge3A_236 = arith.cmpi sge, %sub3A_233, %ge3A_235 : vector<16xi32>
      %lt3A_237 = arith.constant 5000 : i32
      %lt3A_238 = vector.broadcast %lt3A_237 : i32 to vector<16xi32>
      %lt3A_239 = arith.cmpi slt, %sub3A_233, %lt3A_238 : vector<16xi32>
      %and3A_240 = arith.andi %ge3A_236, %lt3A_239 : vector<16xi1>
      %broadcast_in_dim3A_241 = vector.broadcast %add3A_7 : i32 to vector<16xi32>
      %select_n3A_242 = arith.select %and3A_240, %sub3A_233, %broadcast_in_dim3A_241 : vector<16xi1>, vector<16xi32>
      %swap3A_243 = arith.constant 64 : index
      %swap3A_244 = tpu.vector_load %arg13[%swap3A_243] {strides = array<i32>} : memref<80xi32, #tpu.memory_space<vmem>>, vector<16xi32>,
      %swap3A_245 = vector.shape_cast %swap3A_244 : vector<16xi32> to vector<16xi32>
      %swap3A_246 = vector.shape_cast %select_n3A_242 : vector<16xi32> to vector<16xi32>
      tpu.vector_store %arg13[%swap3A_243], %swap3A_246 {strides = array<i32>} : memref<80xi32, #tpu.memory_space<vmem>>, vector<16xi32>,
      %dma_start3A_247 = arith.constant 0 : i32
      %dma_start3A_248 = arith.constant 0 : i32
      %dma_start3A_249 = tpu.memref_slice %arg2[%dma_start3A_247, %dma_start3A_248] : memref<10000x256xf32, #tpu.memory_space<hbm>> -> memref<10000x256xf32, #tpu.memory_space<hbm>>
      tpu.enqueue_indirect_dma source(%dma_start3A_249 : memref<10000x256xf32, #tpu.memory_space<hbm>>) target(%arg14 : memref<80x256xf32, #tpu.memory_space<vmem>>) offsets(%arg11 : memref<80xi32, #tpu.memory_space<vmem>>) semaphore(%arg19 : memref<!tpu.dma_semaphore, #tpu.memory_space<semaphore_mem>>)
      %dma_wait3A_250 = arith.constant 0 : i32
      %dma_wait3A_251 = arith.constant 0 : i32
      %dma_wait3A_252 = tpu.memref_slice %arg2[%dma_wait3A_250, %dma_wait3A_251] : memref<10000x256xf32, #tpu.memory_space<hbm>> -> memref<10000x256xf32, #tpu.memory_space<hbm>>
      tpu.wait_indirect_dma semaphore(%arg19 : memref<!tpu.dma_semaphore, #tpu.memory_space<semaphore_mem>>) src(%dma_wait3A_252 : memref<10000x256xf32, #tpu.memory_space<hbm>>) dst(%arg14 : memref<80x256xf32, #tpu.memory_space<vmem>>)
      %dma_start3A_253 = arith.constant 0 : i32
      %dma_start3A_254 = arith.constant 0 : i32
      %dma_start3A_255 = tpu.memref_slice %arg15[%dma_start3A_253, %dma_start3A_254] : memref<5016x256xf32, #tpu.memory_space<vmem_shared>> -> memref<5016x256xf32, #tpu.memory_space<vmem_shared>>
      tpu.enqueue_indirect_dma source(%arg14 : memref<80x256xf32, #tpu.memory_space<vmem>>) target(%dma_start3A_255 : memref<5016x256xf32, #tpu.memory_space<vmem_shared>>) offsets(%arg13 : memref<80xi32, #tpu.memory_space<vmem>>) semaphore(%arg21 : memref<!tpu.dma_semaphore, #tpu.memory_space<semaphore_mem>>) {add = true}
      %add3A_256 = arith.constant 1 : i32
      %add3A_257 = arith.addi %add3A_135, %add3A_256 : i32
      %lt3A_258 = arith.constant 125 : i32
      %lt3A_259 = arith.cmpi slt, %add3A_257, %lt3A_258 : i32
      %convert_element_type3A_260 = arith.extui %lt3A_259 : i1 to i32
      %cond3A_261 = arith.constant 0 : i32
      %cond3A_262 = arith.cmpi ne, %convert_element_type3A_260, %cond3A_261 : i32
      scf.if %cond3A_262 {
        %mul3A_263 = arith.constant 2 : i32
        %mul3A_264 = arith.muli %mul3A_263, %add3A_135 : i32
        %add3A_265 = arith.constant 3 : i32
        %add3A_266 = arith.addi %mul3A_264, %add3A_265 : i32
        %mul3A_267 = arith.constant 80 : i32
        %mul3A_268 = arith.muli %add3A_266, %mul3A_267 : i32
        %add3A_269 = arith.addi %mul3A_9, %mul3A_268 : i32
        %dma_start3A_270 = tpu.memref_slice %arg3[%add3A_269] : memref<320000xi32, #tpu.memory_space<hbm>> -> memref<80xi32, #tpu.memory_space<hbm>>
        %dma_start3A_271 = tpu.memref_slice %arg3[%add3A_269] : memref<320000xi32, #tpu.memory_space<hbm>> -> memref<80xi32, #tpu.memory_space<hbm>>
        tpu.enqueue_dma source(%dma_start3A_271 : memref<80xi32, #tpu.memory_space<hbm>>) target(%arg11 : memref<80xi32, #tpu.memory_space<vmem>>) target_semaphore(%arg17 : memref<!tpu.dma_semaphore, #tpu.memory_space<semaphore_mem>>)
        %dma_start3A_272 = tpu.memref_slice %arg4[%add3A_269] : memref<320000xi32, #tpu.memory_space<hbm>> -> memref<80xi32, #tpu.memory_space<hbm>>
        %dma_start3A_273 = tpu.memref_slice %arg4[%add3A_269] : memref<320000xi32, #tpu.memory_space<hbm>> -> memref<80xi32, #tpu.memory_space<hbm>>
        tpu.enqueue_dma source(%dma_start3A_273 : memref<80xi32, #tpu.memory_space<hbm>>) target(%arg12 : memref<80xi32, #tpu.memory_space<vmem>>) target_semaphore(%arg17 : memref<!tpu.dma_semaphore, #tpu.memory_space<semaphore_mem>>)
        %dma_wait3A_274 = tpu.memref_slice %arg3[%mul3A_9] : memref<320000xi32, #tpu.memory_space<hbm>> -> memref<80xi32, #tpu.memory_space<hbm>>
        %dma_wait3A_275 = tpu.memref_slice %arg3[%mul3A_9] : memref<320000xi32, #tpu.memory_space<hbm>> -> memref<80xi32, #tpu.memory_space<hbm>>
        tpu.wait_dma2 semaphore(%arg16 : memref<!tpu.dma_semaphore, #tpu.memory_space<semaphore_mem>>) src(%dma_wait3A_275 : memref<80xi32, #tpu.memory_space<hbm>>) dst(%arg7 : memref<80xi32, #tpu.memory_space<vmem>>)
        %dma_wait3A_276 = tpu.memref_slice %arg4[%mul3A_9] : memref<320000xi32, #tpu.memory_space<hbm>> -> memref<80xi32, #tpu.memory_space<hbm>>
        %dma_wait3A_277 = tpu.memref_slice %arg4[%mul3A_9] : memref<320000xi32, #tpu.memory_space<hbm>> -> memref<80xi32, #tpu.memory_space<hbm>>
        tpu.wait_dma2 semaphore(%arg16 : memref<!tpu.dma_semaphore, #tpu.memory_space<semaphore_mem>>) src(%dma_wait3A_277 : memref<80xi32, #tpu.memory_space<hbm>>) dst(%arg8 : memref<80xi32, #tpu.memory_space<vmem>>)
        %dma_wait3A_278 = arith.constant 0 : i32
        %dma_wait3A_279 = arith.constant 0 : i32
        %dma_wait3A_280 = tpu.memref_slice %arg15[%dma_wait3A_278, %dma_wait3A_279] : memref<5016x256xf32, #tpu.memory_space<vmem_shared>> -> memref<5016x256xf32, #tpu.memory_space<vmem_shared>>
        tpu.wait_indirect_dma semaphore(%arg20 : memref<!tpu.dma_semaphore, #tpu.memory_space<semaphore_mem>>) src(%arg10 : memref<80x256xf32, #tpu.memory_space<vmem>>) dst(%dma_wait3A_280 : memref<5016x256xf32, #tpu.memory_space<vmem_shared>>)
        %get3A_281 = arith.constant 0 : index
        %get3A_282 = tpu.vector_load %arg8[%get3A_281] {strides = array<i32>} : memref<80xi32, #tpu.memory_space<vmem>>, vector<16xi32>,
        %get3A_283 = vector.shape_cast %get3A_282 : vector<16xi32> to vector<16xi32>
        %sub3A_284 = vector.broadcast %mul3A_0 : i32 to vector<16xi32>
        %sub3A_285 = arith.subi %get3A_283, %sub3A_284 : vector<16xi32>
        %ge3A_286 = arith.constant 0 : i32
        %ge3A_287 = vector.broadcast %ge3A_286 : i32 to vector<16xi32>
        %ge3A_288 = arith.cmpi sge, %sub3A_285, %ge3A_287 : vector<16xi32>
        %lt3A_289 = arith.constant 5000 : i32
        %lt3A_290 = vector.broadcast %lt3A_289 : i32 to vector<16xi32>
        %lt3A_291 = arith.cmpi slt, %sub3A_285, %lt3A_290 : vector<16xi32>
        %and3A_292 = arith.andi %ge3A_288, %lt3A_291 : vector<16xi1>
        %broadcast_in_dim3A_293 = vector.broadcast %add3A_7 : i32 to vector<16xi32>
        %select_n3A_294 = arith.select %and3A_292, %sub3A_285, %broadcast_in_dim3A_293 : vector<16xi1>, vector<16xi32>
        %swap3A_295 = arith.constant 0 : index
        %swap3A_296 = tpu.vector_load %arg9[%swap3A_295] {strides = array<i32>} : memref<80xi32, #tpu.memory_space<vmem>>, vector<16xi32>,
        %swap3A_297 = vector.shape_cast %swap3A_296 : vector<16xi32> to vector<16xi32>
        %swap3A_298 = vector.shape_cast %select_n3A_294 : vector<16xi32> to vector<16xi32>
        tpu.vector_store %arg9[%swap3A_295], %swap3A_298 {strides = array<i32>} : memref<80xi32, #tpu.memory_space<vmem>>, vector<16xi32>,
        %get3A_299 = arith.constant 16 : index
        %get3A_300 = tpu.vector_load %arg8[%get3A_299] {strides = array<i32>} : memref<80xi32, #tpu.memory_space<vmem>>, vector<16xi32>,
        %get3A_301 = vector.shape_cast %get3A_300 : vector<16xi32> to vector<16xi32>
        %sub3A_302 = vector.broadcast %mul3A_0 : i32 to vector<16xi32>
        %sub3A_303 = arith.subi %get3A_301, %sub3A_302 : vector<16xi32>
        %ge3A_304 = arith.constant 0 : i32
        %ge3A_305 = vector.broadcast %ge3A_304 : i32 to vector<16xi32>
        %ge3A_306 = arith.cmpi sge, %sub3A_303, %ge3A_305 : vector<16xi32>
        %lt3A_307 = arith.constant 5000 : i32
        %lt3A_308 = vector.broadcast %lt3A_307 : i32 to vector<16xi32>
        %lt3A_309 = arith.cmpi slt, %sub3A_303, %lt3A_308 : vector<16xi32>
        %and3A_310 = arith.andi %ge3A_306, %lt3A_309 : vector<16xi1>
        %broadcast_in_dim3A_311 = vector.broadcast %add3A_7 : i32 to vector<16xi32>
        %select_n3A_312 = arith.select %and3A_310, %sub3A_303, %broadcast_in_dim3A_311 : vector<16xi1>, vector<16xi32>
        %swap3A_313 = arith.constant 16 : index
        %swap3A_314 = tpu.vector_load %arg9[%swap3A_313] {strides = array<i32>} : memref<80xi32, #tpu.memory_space<vmem>>, vector<16xi32>,
        %swap3A_315 = vector.shape_cast %swap3A_314 : vector<16xi32> to vector<16xi32>
        %swap3A_316 = vector.shape_cast %select_n3A_312 : vector<16xi32> to vector<16xi32>
        tpu.vector_store %arg9[%swap3A_313], %swap3A_316 {strides = array<i32>} : memref<80xi32, #tpu.memory_space<vmem>>, vector<16xi32>,
        %get3A_317 = arith.constant 32 : index
        %get3A_318 = tpu.vector_load %arg8[%get3A_317] {strides = array<i32>} : memref<80xi32, #tpu.memory_space<vmem>>, vector<16xi32>,
        %get3A_319 = vector.shape_cast %get3A_318 : vector<16xi32> to vector<16xi32>
        %sub3A_320 = vector.broadcast %mul3A_0 : i32 to vector<16xi32>
        %sub3A_321 = arith.subi %get3A_319, %sub3A_320 : vector<16xi32>
        %ge3A_322 = arith.constant 0 : i32
        %ge3A_323 = vector.broadcast %ge3A_322 : i32 to vector<16xi32>
        %ge3A_324 = arith.cmpi sge, %sub3A_321, %ge3A_323 : vector<16xi32>
        %lt3A_325 = arith.constant 5000 : i32
        %lt3A_326 = vector.broadcast %lt3A_325 : i32 to vector<16xi32>
        %lt3A_327 = arith.cmpi slt, %sub3A_321, %lt3A_326 : vector<16xi32>
        %and3A_328 = arith.andi %ge3A_324, %lt3A_327 : vector<16xi1>
        %broadcast_in_dim3A_329 = vector.broadcast %add3A_7 : i32 to vector<16xi32>
        %select_n3A_330 = arith.select %and3A_328, %sub3A_321, %broadcast_in_dim3A_329 : vector<16xi1>, vector<16xi32>
        %swap3A_331 = arith.constant 32 : index
        %swap3A_332 = tpu.vector_load %arg9[%swap3A_331] {strides = array<i32>} : memref<80xi32, #tpu.memory_space<vmem>>, vector<16xi32>,
        %swap3A_333 = vector.shape_cast %swap3A_332 : vector<16xi32> to vector<16xi32>
        %swap3A_334 = vector.shape_cast %select_n3A_330 : vector<16xi32> to vector<16xi32>
        tpu.vector_store %arg9[%swap3A_331], %swap3A_334 {strides = array<i32>} : memref<80xi32, #tpu.memory_space<vmem>>, vector<16xi32>,
        %get3A_335 = arith.constant 48 : index
        %get3A_336 = tpu.vector_load %arg8[%get3A_335] {strides = array<i32>} : memref<80xi32, #tpu.memory_space<vmem>>, vector<16xi32>,
        %get3A_337 = vector.shape_cast %get3A_336 : vector<16xi32> to vector<16xi32>
        %sub3A_338 = vector.broadcast %mul3A_0 : i32 to vector<16xi32>
        %sub3A_339 = arith.subi %get3A_337, %sub3A_338 : vector<16xi32>
        %ge3A_340 = arith.constant 0 : i32
        %ge3A_341 = vector.broadcast %ge3A_340 : i32 to vector<16xi32>
        %ge3A_342 = arith.cmpi sge, %sub3A_339, %ge3A_341 : vector<16xi32>
        %lt3A_343 = arith.constant 5000 : i32
        %lt3A_344 = vector.broadcast %lt3A_343 : i32 to vector<16xi32>
        %lt3A_345 = arith.cmpi slt, %sub3A_339, %lt3A_344 : vector<16xi32>
        %and3A_346 = arith.andi %ge3A_342, %lt3A_345 : vector<16xi1>
        %broadcast_in_dim3A_347 = vector.broadcast %add3A_7 : i32 to vector<16xi32>
        %select_n3A_348 = arith.select %and3A_346, %sub3A_339, %broadcast_in_dim3A_347 : vector<16xi1>, vector<16xi32>
        %swap3A_349 = arith.constant 48 : index
        %swap3A_350 = tpu.vector_load %arg9[%swap3A_349] {strides = array<i32>} : memref<80xi32, #tpu.memory_space<vmem>>, vector<16xi32>,
        %swap3A_351 = vector.shape_cast %swap3A_350 : vector<16xi32> to vector<16xi32>
        %swap3A_352 = vector.shape_cast %select_n3A_348 : vector<16xi32> to vector<16xi32>
        tpu.vector_store %arg9[%swap3A_349], %swap3A_352 {strides = array<i32>} : memref<80xi32, #tpu.memory_space<vmem>>, vector<16xi32>,
        %get3A_353 = arith.constant 64 : index
        %get3A_354 = tpu.vector_load %arg8[%get3A_353] {strides = array<i32>} : memref<80xi32, #tpu.memory_space<vmem>>, vector<16xi32>,
        %get3A_355 = vector.shape_cast %get3A_354 : vector<16xi32> to vector<16xi32>
        %sub3A_356 = vector.broadcast %mul3A_0 : i32 to vector<16xi32>
        %sub3A_357 = arith.subi %get3A_355, %sub3A_356 : vector<16xi32>
        %ge3A_358 = arith.constant 0 : i32
        %ge3A_359 = vector.broadcast %ge3A_358 : i32 to vector<16xi32>
        %ge3A_360 = arith.cmpi sge, %sub3A_357, %ge3A_359 : vector<16xi32>
        %lt3A_361 = arith.constant 5000 : i32
        %lt3A_362 = vector.broadcast %lt3A_361 : i32 to vector<16xi32>
        %lt3A_363 = arith.cmpi slt, %sub3A_357, %lt3A_362 : vector<16xi32>
        %and3A_364 = arith.andi %ge3A_360, %lt3A_363 : vector<16xi1>
        %broadcast_in_dim3A_365 = vector.broadcast %add3A_7 : i32 to vector<16xi32>
        %select_n3A_366 = arith.select %and3A_364, %sub3A_357, %broadcast_in_dim3A_365 : vector<16xi1>, vector<16xi32>
        %swap3A_367 = arith.constant 64 : index
        %swap3A_368 = tpu.vector_load %arg9[%swap3A_367] {strides = array<i32>} : memref<80xi32, #tpu.memory_space<vmem>>, vector<16xi32>,
        %swap3A_369 = vector.shape_cast %swap3A_368 : vector<16xi32> to vector<16xi32>
        %swap3A_370 = vector.shape_cast %select_n3A_366 : vector<16xi32> to vector<16xi32>
        tpu.vector_store %arg9[%swap3A_367], %swap3A_370 {strides = array<i32>} : memref<80xi32, #tpu.memory_space<vmem>>, vector<16xi32>,
        %dma_start3A_371 = arith.constant 0 : i32
        %dma_start3A_372 = arith.constant 0 : i32
        %dma_start3A_373 = tpu.memref_slice %arg2[%dma_start3A_371, %dma_start3A_372] : memref<10000x256xf32, #tpu.memory_space<hbm>> -> memref<10000x256xf32, #tpu.memory_space<hbm>>
        tpu.enqueue_indirect_dma source(%dma_start3A_373 : memref<10000x256xf32, #tpu.memory_space<hbm>>) target(%arg10 : memref<80x256xf32, #tpu.memory_space<vmem>>) offsets(%arg7 : memref<80xi32, #tpu.memory_space<vmem>>) semaphore(%arg18 : memref<!tpu.dma_semaphore, #tpu.memory_space<semaphore_mem>>)
      } else {
      }
    }
    %scan3A_113 = arith.constant 125 : i32
    %dma_wait3A_114 = arith.constant 0 : i32
    %dma_wait3A_115 = arith.constant 0 : i32
    %dma_wait3A_116 = tpu.memref_slice %arg15[%dma_wait3A_114, %dma_wait3A_115] : memref<5016x256xf32, #tpu.memory_space<vmem_shared>> -> memref<5016x256xf32, #tpu.memory_space<vmem_shared>>
    tpu.wait_indirect_dma semaphore(%arg20 : memref<!tpu.dma_semaphore, #tpu.memory_space<semaphore_mem>>) src(%arg10 : memref<80x256xf32, #tpu.memory_space<vmem>>) dst(%dma_wait3A_116 : memref<5016x256xf32, #tpu.memory_space<vmem_shared>>)
    %dma_wait3A_117 = arith.constant 0 : i32
    %dma_wait3A_118 = arith.constant 0 : i32
    %dma_wait3A_119 = tpu.memref_slice %arg15[%dma_wait3A_117, %dma_wait3A_118] : memref<5016x256xf32, #tpu.memory_space<vmem_shared>> -> memref<5016x256xf32, #tpu.memory_space<vmem_shared>>
    tpu.wait_indirect_dma semaphore(%arg21 : memref<!tpu.dma_semaphore, #tpu.memory_space<semaphore_mem>>) src(%arg14 : memref<80x256xf32, #tpu.memory_space<vmem>>) dst(%dma_wait3A_119 : memref<5016x256xf32, #tpu.memory_space<vmem_shared>>)
    %barrier3A_120 = arith.constant 0 : index
    tpu.barrier barrier_id(%barrier3A_120)
    %lt3A_121 = arith.constant 15 : i32
    %lt3A_122 = arith.cmpi slt, %arg1, %lt3A_121 : i32
    %convert_element_type3A_123 = arith.extui %lt3A_122 : i1 to i32
    %cond3A_124 = arith.constant 0 : i32
    %cond3A_125 = arith.cmpi ne, %convert_element_type3A_123, %cond3A_124 : i32
    scf.if %cond3A_125 {
      %mul3A_131 = arith.constant 312 : i32
      %mul3A_132 = arith.muli %arg1, %mul3A_131 : i32
      %mul3A_133 = arith.constant 312 : i32
      %mul3A_134 = arith.muli %arg1, %mul3A_133 : i32
      %add3A_135 = arith.addi %mul3A_0, %mul3A_134 : i32
      "tpu.region"() ({
        %run_scoped3A = tpu.sem_alloc : memref<!tpu.dma_semaphore, #tpu.memory_space<semaphore_mem>>
        %dma_start3A_136 = arith.constant 0 : i32
        %dma_start3A_137 = tpu.memref_slice %arg6[%add3A_135, %dma_start3A_136] : memref<10000x256xf32, #tpu.memory_space<hbm>> -> memref<312x256xf32, #tpu.memory_space<hbm>>
        %dma_start3A_138 = arith.constant 0 : i32
        %dma_start3A_139 = tpu.memref_slice %arg15[%mul3A_132, %dma_start3A_138] : memref<5016x256xf32, #tpu.memory_space<vmem_shared>> -> memref<312x256xf32, #tpu.memory_space<vmem_shared>>
        tpu.enqueue_dma source(%dma_start3A_139 : memref<312x256xf32, #tpu.memory_space<vmem_shared>>) target(%dma_start3A_137 : memref<312x256xf32, #tpu.memory_space<hbm>>) target_semaphore(%run_scoped3A : memref<!tpu.dma_semaphore, #tpu.memory_space<semaphore_mem>>)
        %dma_wait3A_140 = arith.constant 0 : i32
        %dma_wait3A_141 = tpu.memref_slice %arg6[%add3A_135, %dma_wait3A_140] : memref<10000x256xf32, #tpu.memory_space<hbm>> -> memref<312x256xf32, #tpu.memory_space<hbm>>
        %dma_wait3A_142 = arith.constant 0 : i32
        %dma_wait3A_143 = tpu.memref_slice %arg15[%mul3A_132, %dma_wait3A_142] : memref<5016x256xf32, #tpu.memory_space<vmem_shared>> -> memref<312x256xf32, #tpu.memory_space<vmem_shared>>
        tpu.wait_dma2 semaphore(%run_scoped3A : memref<!tpu.dma_semaphore, #tpu.memory_space<semaphore_mem>>) src(%dma_wait3A_143 : memref<312x256xf32, #tpu.memory_space<vmem_shared>>) dst(%dma_wait3A_141 : memref<312x256xf32, #tpu.memory_space<hbm>>)
        tpu.yield
      }) : () -> ()
    } else {
    }
    %eq3A_126 = arith.constant 15 : i32
    %eq3A_127 = arith.cmpi eq, %arg1, %eq3A_126 : i32
    %convert_element_type3A_128 = arith.extui %eq3A_127 : i1 to i32
    %cond3A_129 = arith.constant 0 : i32
    %cond3A_130 = arith.cmpi ne, %convert_element_type3A_128, %cond3A_129 : i32
    scf.if %cond3A_130 {
      %add3A_131 = arith.constant 4680 : i32
      %add3A_132 = arith.addi %mul3A_0, %add3A_131 : i32
      "tpu.region"() ({
        %run_scoped3A = tpu.sem_alloc : memref<!tpu.dma_semaphore, #tpu.memory_space<semaphore_mem>>
        %dma_start3A_133 = arith.constant 0 : i32
        %dma_start3A_134 = tpu.memref_slice %arg6[%add3A_132, %dma_start3A_133] : memref<10000x256xf32, #tpu.memory_space<hbm>> -> memref<320x256xf32, #tpu.memory_space<hbm>>
        %dma_start3A_135 = arith.constant 4680 : i32
        %dma_start3A_136 = arith.constant 0 : i32
        %dma_start3A_137 = tpu.memref_slice %arg15[%dma_start3A_135, %dma_start3A_136] : memref<5016x256xf32, #tpu.memory_space<vmem_shared>> -> memref<320x256xf32, #tpu.memory_space<vmem_shared>>
        tpu.enqueue_dma source(%dma_start3A_137 : memref<320x256xf32, #tpu.memory_space<vmem_shared>>) target(%dma_start3A_134 : memref<320x256xf32, #tpu.memory_space<hbm>>) target_semaphore(%run_scoped3A : memref<!tpu.dma_semaphore, #tpu.memory_space<semaphore_mem>>)
        %dma_wait3A_138 = arith.constant 0 : i32
        %dma_wait3A_139 = tpu.memref_slice %arg6[%add3A_132, %dma_wait3A_138] : memref<10000x256xf32, #tpu.memory_space<hbm>> -> memref<320x256xf32, #tpu.memory_space<hbm>>
        %dma_wait3A_140 = arith.constant 4680 : i32
        %dma_wait3A_141 = arith.constant 0 : i32
        %dma_wait3A_142 = tpu.memref_slice %arg15[%dma_wait3A_140, %dma_wait3A_141] : memref<5016x256xf32, #tpu.memory_space<vmem_shared>> -> memref<320x256xf32, #tpu.memory_space<vmem_shared>>
        tpu.wait_dma2 semaphore(%run_scoped3A : memref<!tpu.dma_semaphore, #tpu.memory_space<semaphore_mem>>) src(%dma_wait3A_142 : memref<320x256xf32, #tpu.memory_space<vmem_shared>>) dst(%dma_wait3A_139 : memref<320x256xf32, #tpu.memory_space<hbm>>)
        tpu.yield
      }) : () -> ()
    } else {
    }
    return
  }
}

#map = affine_map<(d0, d1) -> (0, 0)>
#map1 = affine_map<(d0, d1) -> (0)>
module attributes {stable_mosaic.version = 14 : i64} {
  func.func @_seg_body(%arg0: i32, %arg1: i32, %arg2: memref<10000x256xf32, #tpu.memory_space<hbm>>, %arg3: memref<320000xi32, #tpu.memory_space<hbm>>, %arg4: memref<320000xi32, #tpu.memory_space<hbm>>, %arg5: memref<320x256xf32, #tpu.memory_space<hbm>>, %arg6: memref<10000x256xf32, #tpu.memory_space<hbm>>, %arg7: memref<80xi32, #tpu.memory_space<vmem>>, %arg8: memref<80xi32, #tpu.memory_space<vmem>>, %arg9: memref<80xi32, #tpu.memory_space<vmem>>, %arg10: memref<80x256xf32, #tpu.memory_space<vmem>>, %arg11: memref<80xi32, #tpu.memory_space<vmem>>, %arg12: memref<80xi32, #tpu.memory_space<vmem>>, %arg13: memref<80xi32, #tpu.memory_space<vmem>>, %arg14: memref<80x256xf32, #tpu.memory_space<vmem>>, %arg15: memref<5016x256xf32, #tpu.memory_space<vmem_shared>>, %arg16: memref<!tpu.dma_semaphore, #tpu.memory_space<semaphore_mem>>, %arg17: memref<!tpu.dma_semaphore, #tpu.memory_space<semaphore_mem>>, %arg18: memref<!tpu.dma_semaphore, #tpu.memory_space<semaphore_mem>>, %arg19: memref<!tpu.dma_semaphore, #tpu.memory_space<semaphore_mem>>, %arg20: memref<!tpu.dma_semaphore, #tpu.memory_space<semaphore_mem>>, %arg21: memref<!tpu.dma_semaphore, #tpu.memory_space<semaphore_mem>>) attributes {dimension_semantics = [#tpu.dimension_semantics<core_parallel>, #tpu.dimension_semantics<subcore_parallel>], iteration_bounds = array<i64: 2, 16>, scalar_prefetch = 0 : i64, scratch_operands = 15 : i64, tpu.core_type = #tpu.core_type<sc_vector_subcore>, window_params = [{transform_indices = #map}, {transform_indices = #map1}, {transform_indices = #map1}, {transform_indices = #map}, {transform_indices = #map}]} {
    %mul3A = arith.constant 5000 : i32
    %mul3A_0 = arith.muli %arg0, %mul3A : i32
    %lt3A = arith.constant 15 : i32
    %lt3A_1 = arith.cmpi slt, %arg1, %lt3A : i32
    %convert_element_type3A = arith.extui %lt3A_1 : i1 to i32
    %cond3A = arith.constant 0 : i32
    %cond3A_2 = arith.cmpi ne, %convert_element_type3A, %cond3A : i32
    scf.if %cond3A_2 {
      %mul3A_131 = arith.constant 312 : i32
      %mul3A_132 = arith.muli %arg1, %mul3A_131 : i32
      "tpu.region"() ({
        %run_scoped3A = tpu.sem_alloc : memref<!tpu.dma_semaphore, #tpu.memory_space<semaphore_mem>>
        %dma_start3A_133 = arith.constant 0 : i32
        %dma_start3A_134 = tpu.memref_slice %arg15[%mul3A_132, %dma_start3A_133] : memref<5016x256xf32, #tpu.memory_space<vmem_shared>> -> memref<312x256xf32, #tpu.memory_space<vmem_shared>>
        %dma_start3A_135 = arith.constant 0 : i32
        %dma_start3A_136 = arith.constant 0 : i32
        %dma_start3A_137 = tpu.memref_slice %arg5[%dma_start3A_135, %dma_start3A_136] : memref<320x256xf32, #tpu.memory_space<hbm>> -> memref<312x256xf32, #tpu.memory_space<hbm>>
        tpu.enqueue_dma source(%dma_start3A_137 : memref<312x256xf32, #tpu.memory_space<hbm>>) target(%dma_start3A_134 : memref<312x256xf32, #tpu.memory_space<vmem_shared>>) target_semaphore(%run_scoped3A : memref<!tpu.dma_semaphore, #tpu.memory_space<semaphore_mem>>)
        %dma_wait3A_138 = arith.constant 0 : i32
        %dma_wait3A_139 = tpu.memref_slice %arg15[%mul3A_132, %dma_wait3A_138] : memref<5016x256xf32, #tpu.memory_space<vmem_shared>> -> memref<312x256xf32, #tpu.memory_space<vmem_shared>>
        %dma_wait3A_140 = arith.constant 0 : i32
        %dma_wait3A_141 = arith.constant 0 : i32
        %dma_wait3A_142 = tpu.memref_slice %arg5[%dma_wait3A_140, %dma_wait3A_141] : memref<320x256xf32, #tpu.memory_space<hbm>> -> memref<312x256xf32, #tpu.memory_space<hbm>>
        tpu.wait_dma2 semaphore(%run_scoped3A : memref<!tpu.dma_semaphore, #tpu.memory_space<semaphore_mem>>) src(%dma_wait3A_142 : memref<312x256xf32, #tpu.memory_space<hbm>>) dst(%dma_wait3A_139 : memref<312x256xf32, #tpu.memory_space<vmem_shared>>)
        tpu.yield
      }) : () -> ()
    } else {
    }
    %eq3A = arith.constant 15 : i32
    %eq3A_3 = arith.cmpi eq, %arg1, %eq3A : i32
    %convert_element_type3A_4 = arith.extui %eq3A_3 : i1 to i32
    %cond3A_5 = arith.constant 0 : i32
    %cond3A_6 = arith.cmpi ne, %convert_element_type3A_4, %cond3A_5 : i32
    scf.if %cond3A_6 {
      "tpu.region"() ({
        %run_scoped3A = tpu.sem_alloc : memref<!tpu.dma_semaphore, #tpu.memory_space<semaphore_mem>>
        %dma_start3A_131 = arith.constant 4680 : i32
        %dma_start3A_132 = arith.constant 0 : i32
        %dma_start3A_133 = tpu.memref_slice %arg15[%dma_start3A_131, %dma_start3A_132] : memref<5016x256xf32, #tpu.memory_space<vmem_shared>> -> memref<320x256xf32, #tpu.memory_space<vmem_shared>>
        %dma_start3A_134 = arith.constant 0 : i32
        %dma_start3A_135 = arith.constant 0 : i32
        %dma_start3A_136 = tpu.memref_slice %arg5[%dma_start3A_134, %dma_start3A_135] : memref<320x256xf32, #tpu.memory_space<hbm>> -> memref<320x256xf32, #tpu.memory_space<hbm>>
        tpu.enqueue_dma source(%dma_start3A_136 : memref<320x256xf32, #tpu.memory_space<hbm>>) target(%dma_start3A_133 : memref<320x256xf32, #tpu.memory_space<vmem_shared>>) target_semaphore(%run_scoped3A : memref<!tpu.dma_semaphore, #tpu.memory_space<semaphore_mem>>)
        %dma_wait3A_137 = arith.constant 4680 : i32
        %dma_wait3A_138 = arith.constant 0 : i32
        %dma_wait3A_139 = tpu.memref_slice %arg15[%dma_wait3A_137, %dma_wait3A_138] : memref<5016x256xf32, #tpu.memory_space<vmem_shared>> -> memref<320x256xf32, #tpu.memory_space<vmem_shared>>
        %dma_wait3A_140 = arith.constant 0 : i32
        %dma_wait3A_141 = arith.constant 0 : i32
        %dma_wait3A_142 = tpu.memref_slice %arg5[%dma_wait3A_140, %dma_wait3A_141] : memref<320x256xf32, #tpu.memory_space<hbm>> -> memref<320x256xf32, #tpu.memory_space<hbm>>
        tpu.wait_dma2 semaphore(%run_scoped3A : memref<!tpu.dma_semaphore, #tpu.memory_space<semaphore_mem>>) src(%dma_wait3A_142 : memref<320x256xf32, #tpu.memory_space<hbm>>) dst(%dma_wait3A_139 : memref<320x256xf32, #tpu.memory_space<vmem_shared>>)
        tpu.yield
      }) : () -> ()
    } else {
    }
    %barrier3A = arith.constant 0 : index
    tpu.barrier barrier_id(%barrier3A)
    %add3A = arith.constant 5000 : i32
    %add3A_7 = arith.addi %add3A, %arg1 : i32
    %mul3A_8 = arith.constant 20000 : i32
    %mul3A_9 = arith.muli %arg1, %mul3A_8 : i32
    %add3A_10 = arith.constant 0 : i32
    %add3A_11 = arith.addi %mul3A_9, %add3A_10 : i32
    %dma_start3A = tpu.memref_slice %arg3[%add3A_11] : memref<320000xi32, #tpu.memory_space<hbm>> -> memref<80xi32, #tpu.memory_space<hbm>>
    %dma_start3A_12 = tpu.memref_slice %arg3[%add3A_11] : memref<320000xi32, #tpu.memory_space<hbm>> -> memref<80xi32, #tpu.memory_space<hbm>>
    tpu.enqueue_dma source(%dma_start3A_12 : memref<80xi32, #tpu.memory_space<hbm>>) target(%arg7 : memref<80xi32, #tpu.memory_space<vmem>>) target_semaphore(%arg16 : memref<!tpu.dma_semaphore, #tpu.memory_space<semaphore_mem>>)
    %dma_start3A_13 = tpu.memref_slice %arg4[%add3A_11] : memref<320000xi32, #tpu.memory_space<hbm>> -> memref<80xi32, #tpu.memory_space<hbm>>
    %dma_start3A_14 = tpu.memref_slice %arg4[%add3A_11] : memref<320000xi32, #tpu.memory_space<hbm>> -> memref<80xi32, #tpu.memory_space<hbm>>
    tpu.enqueue_dma source(%dma_start3A_14 : memref<80xi32, #tpu.memory_space<hbm>>) target(%arg8 : memref<80xi32, #tpu.memory_space<vmem>>) target_semaphore(%arg16 : memref<!tpu.dma_semaphore, #tpu.memory_space<semaphore_mem>>)
    %add3A_15 = arith.constant 80 : i32
    %add3A_16 = arith.addi %mul3A_9, %add3A_15 : i32
    %dma_start3A_17 = tpu.memref_slice %arg3[%add3A_16] : memref<320000xi32, #tpu.memory_space<hbm>> -> memref<80xi32, #tpu.memory_space<hbm>>
    %dma_start3A_18 = tpu.memref_slice %arg3[%add3A_16] : memref<320000xi32, #tpu.memory_space<hbm>> -> memref<80xi32, #tpu.memory_space<hbm>>
    tpu.enqueue_dma source(%dma_start3A_18 : memref<80xi32, #tpu.memory_space<hbm>>) target(%arg11 : memref<80xi32, #tpu.memory_space<vmem>>) target_semaphore(%arg17 : memref<!tpu.dma_semaphore, #tpu.memory_space<semaphore_mem>>)
    %dma_start3A_19 = tpu.memref_slice %arg4[%add3A_16] : memref<320000xi32, #tpu.memory_space<hbm>> -> memref<80xi32, #tpu.memory_space<hbm>>
    %dma_start3A_20 = tpu.memref_slice %arg4[%add3A_16] : memref<320000xi32, #tpu.memory_space<hbm>> -> memref<80xi32, #tpu.memory_space<hbm>>
    tpu.enqueue_dma source(%dma_start3A_20 : memref<80xi32, #tpu.memory_space<hbm>>) target(%arg12 : memref<80xi32, #tpu.memory_space<vmem>>) target_semaphore(%arg17 : memref<!tpu.dma_semaphore, #tpu.memory_space<semaphore_mem>>)
    %dma_wait3A = tpu.memref_slice %arg3[%mul3A_9] : memref<320000xi32, #tpu.memory_space<hbm>> -> memref<80xi32, #tpu.memory_space<hbm>>
    %dma_wait3A_21 = tpu.memref_slice %arg3[%mul3A_9] : memref<320000xi32, #tpu.memory_space<hbm>> -> memref<80xi32, #tpu.memory_space<hbm>>
    tpu.wait_dma2 semaphore(%arg16 : memref<!tpu.dma_semaphore, #tpu.memory_space<semaphore_mem>>) src(%dma_wait3A_21 : memref<80xi32, #tpu.memory_space<hbm>>) dst(%arg7 : memref<80xi32, #tpu.memory_space<vmem>>)
    %dma_wait3A_22 = tpu.memref_slice %arg4[%mul3A_9] : memref<320000xi32, #tpu.memory_space<hbm>> -> memref<80xi32, #tpu.memory_space<hbm>>
    %dma_wait3A_23 = tpu.memref_slice %arg4[%mul3A_9] : memref<320000xi32, #tpu.memory_space<hbm>> -> memref<80xi32, #tpu.memory_space<hbm>>
    tpu.wait_dma2 semaphore(%arg16 : memref<!tpu.dma_semaphore, #tpu.memory_space<semaphore_mem>>) src(%dma_wait3A_23 : memref<80xi32, #tpu.memory_space<hbm>>) dst(%arg8 : memref<80xi32, #tpu.memory_space<vmem>>)
    %get3A = arith.constant 0 : index
    %get3A_24 = tpu.vector_load %arg8[%get3A] {strides = array<i32>} : memref<80xi32, #tpu.memory_space<vmem>>, vector<16xi32>,
    %get3A_25 = vector.shape_cast %get3A_24 : vector<16xi32> to vector<16xi32>
    %sub3A = vector.broadcast %mul3A_0 : i32 to vector<16xi32>
    %sub3A_26 = arith.subi %get3A_25, %sub3A : vector<16xi32>
    %ge3A = arith.constant 0 : i32
    %ge3A_27 = vector.broadcast %ge3A : i32 to vector<16xi32>
    %ge3A_28 = arith.cmpi sge, %sub3A_26, %ge3A_27 : vector<16xi32>
    %lt3A_29 = arith.constant 5000 : i32
    %lt3A_30 = vector.broadcast %lt3A_29 : i32 to vector<16xi32>
    %lt3A_31 = arith.cmpi slt, %sub3A_26, %lt3A_30 : vector<16xi32>
    %and3A = arith.andi %ge3A_28, %lt3A_31 : vector<16xi1>
    %broadcast_in_dim3A = vector.broadcast %add3A_7 : i32 to vector<16xi32>
    %select_n3A = arith.select %and3A, %sub3A_26, %broadcast_in_dim3A : vector<16xi1>, vector<16xi32>
    %swap3A = arith.constant 0 : index
    %swap3A_32 = tpu.vector_load %arg9[%swap3A] {strides = array<i32>} : memref<80xi32, #tpu.memory_space<vmem>>, vector<16xi32>,
    %swap3A_33 = vector.shape_cast %swap3A_32 : vector<16xi32> to vector<16xi32>
    %swap3A_34 = vector.shape_cast %select_n3A : vector<16xi32> to vector<16xi32>
    tpu.vector_store %arg9[%swap3A], %swap3A_34 {strides = array<i32>} : memref<80xi32, #tpu.memory_space<vmem>>, vector<16xi32>,
    %get3A_35 = arith.constant 16 : index
    %get3A_36 = tpu.vector_load %arg8[%get3A_35] {strides = array<i32>} : memref<80xi32, #tpu.memory_space<vmem>>, vector<16xi32>,
    %get3A_37 = vector.shape_cast %get3A_36 : vector<16xi32> to vector<16xi32>
    %sub3A_38 = vector.broadcast %mul3A_0 : i32 to vector<16xi32>
    %sub3A_39 = arith.subi %get3A_37, %sub3A_38 : vector<16xi32>
    %ge3A_40 = arith.constant 0 : i32
    %ge3A_41 = vector.broadcast %ge3A_40 : i32 to vector<16xi32>
    %ge3A_42 = arith.cmpi sge, %sub3A_39, %ge3A_41 : vector<16xi32>
    %lt3A_43 = arith.constant 5000 : i32
    %lt3A_44 = vector.broadcast %lt3A_43 : i32 to vector<16xi32>
    %lt3A_45 = arith.cmpi slt, %sub3A_39, %lt3A_44 : vector<16xi32>
    %and3A_46 = arith.andi %ge3A_42, %lt3A_45 : vector<16xi1>
    %broadcast_in_dim3A_47 = vector.broadcast %add3A_7 : i32 to vector<16xi32>
    %select_n3A_48 = arith.select %and3A_46, %sub3A_39, %broadcast_in_dim3A_47 : vector<16xi1>, vector<16xi32>
    %swap3A_49 = arith.constant 16 : index
    %swap3A_50 = tpu.vector_load %arg9[%swap3A_49] {strides = array<i32>} : memref<80xi32, #tpu.memory_space<vmem>>, vector<16xi32>,
    %swap3A_51 = vector.shape_cast %swap3A_50 : vector<16xi32> to vector<16xi32>
    %swap3A_52 = vector.shape_cast %select_n3A_48 : vector<16xi32> to vector<16xi32>
    tpu.vector_store %arg9[%swap3A_49], %swap3A_52 {strides = array<i32>} : memref<80xi32, #tpu.memory_space<vmem>>, vector<16xi32>,
    %get3A_53 = arith.constant 32 : index
    %get3A_54 = tpu.vector_load %arg8[%get3A_53] {strides = array<i32>} : memref<80xi32, #tpu.memory_space<vmem>>, vector<16xi32>,
    %get3A_55 = vector.shape_cast %get3A_54 : vector<16xi32> to vector<16xi32>
    %sub3A_56 = vector.broadcast %mul3A_0 : i32 to vector<16xi32>
    %sub3A_57 = arith.subi %get3A_55, %sub3A_56 : vector<16xi32>
    %ge3A_58 = arith.constant 0 : i32
    %ge3A_59 = vector.broadcast %ge3A_58 : i32 to vector<16xi32>
    %ge3A_60 = arith.cmpi sge, %sub3A_57, %ge3A_59 : vector<16xi32>
    %lt3A_61 = arith.constant 5000 : i32
    %lt3A_62 = vector.broadcast %lt3A_61 : i32 to vector<16xi32>
    %lt3A_63 = arith.cmpi slt, %sub3A_57, %lt3A_62 : vector<16xi32>
    %and3A_64 = arith.andi %ge3A_60, %lt3A_63 : vector<16xi1>
    %broadcast_in_dim3A_65 = vector.broadcast %add3A_7 : i32 to vector<16xi32>
    %select_n3A_66 = arith.select %and3A_64, %sub3A_57, %broadcast_in_dim3A_65 : vector<16xi1>, vector<16xi32>
    %swap3A_67 = arith.constant 32 : index
    %swap3A_68 = tpu.vector_load %arg9[%swap3A_67] {strides = array<i32>} : memref<80xi32, #tpu.memory_space<vmem>>, vector<16xi32>,
    %swap3A_69 = vector.shape_cast %swap3A_68 : vector<16xi32> to vector<16xi32>
    %swap3A_70 = vector.shape_cast %select_n3A_66 : vector<16xi32> to vector<16xi32>
    tpu.vector_store %arg9[%swap3A_67], %swap3A_70 {strides = array<i32>} : memref<80xi32, #tpu.memory_space<vmem>>, vector<16xi32>,
    %get3A_71 = arith.constant 48 : index
    %get3A_72 = tpu.vector_load %arg8[%get3A_71] {strides = array<i32>} : memref<80xi32, #tpu.memory_space<vmem>>, vector<16xi32>,
    %get3A_73 = vector.shape_cast %get3A_72 : vector<16xi32> to vector<16xi32>
    %sub3A_74 = vector.broadcast %mul3A_0 : i32 to vector<16xi32>
    %sub3A_75 = arith.subi %get3A_73, %sub3A_74 : vector<16xi32>
    %ge3A_76 = arith.constant 0 : i32
    %ge3A_77 = vector.broadcast %ge3A_76 : i32 to vector<16xi32>
    %ge3A_78 = arith.cmpi sge, %sub3A_75, %ge3A_77 : vector<16xi32>
    %lt3A_79 = arith.constant 5000 : i32
    %lt3A_80 = vector.broadcast %lt3A_79 : i32 to vector<16xi32>
    %lt3A_81 = arith.cmpi slt, %sub3A_75, %lt3A_80 : vector<16xi32>
    %and3A_82 = arith.andi %ge3A_78, %lt3A_81 : vector<16xi1>
    %broadcast_in_dim3A_83 = vector.broadcast %add3A_7 : i32 to vector<16xi32>
    %select_n3A_84 = arith.select %and3A_82, %sub3A_75, %broadcast_in_dim3A_83 : vector<16xi1>, vector<16xi32>
    %swap3A_85 = arith.constant 48 : index
    %swap3A_86 = tpu.vector_load %arg9[%swap3A_85] {strides = array<i32>} : memref<80xi32, #tpu.memory_space<vmem>>, vector<16xi32>,
    %swap3A_87 = vector.shape_cast %swap3A_86 : vector<16xi32> to vector<16xi32>
    %swap3A_88 = vector.shape_cast %select_n3A_84 : vector<16xi32> to vector<16xi32>
    tpu.vector_store %arg9[%swap3A_85], %swap3A_88 {strides = array<i32>} : memref<80xi32, #tpu.memory_space<vmem>>, vector<16xi32>,
    %get3A_89 = arith.constant 64 : index
    %get3A_90 = tpu.vector_load %arg8[%get3A_89] {strides = array<i32>} : memref<80xi32, #tpu.memory_space<vmem>>, vector<16xi32>,
    %get3A_91 = vector.shape_cast %get3A_90 : vector<16xi32> to vector<16xi32>
    %sub3A_92 = vector.broadcast %mul3A_0 : i32 to vector<16xi32>
    %sub3A_93 = arith.subi %get3A_91, %sub3A_92 : vector<16xi32>
    %ge3A_94 = arith.constant 0 : i32
    %ge3A_95 = vector.broadcast %ge3A_94 : i32 to vector<16xi32>
    %ge3A_96 = arith.cmpi sge, %sub3A_93, %ge3A_95 : vector<16xi32>
    %lt3A_97 = arith.constant 5000 : i32
    %lt3A_98 = vector.broadcast %lt3A_97 : i32 to vector<16xi32>
    %lt3A_99 = arith.cmpi slt, %sub3A_93, %lt3A_98 : vector<16xi32>
    %and3A_100 = arith.andi %ge3A_96, %lt3A_99 : vector<16xi1>
    %broadcast_in_dim3A_101 = vector.broadcast %add3A_7 : i32 to vector<16xi32>
    %select_n3A_102 = arith.select %and3A_100, %sub3A_93, %broadcast_in_dim3A_101 : vector<16xi1>, vector<16xi32>
    %swap3A_103 = arith.constant 64 : index
    %swap3A_104 = tpu.vector_load %arg9[%swap3A_103] {strides = array<i32>} : memref<80xi32, #tpu.memory_space<vmem>>, vector<16xi32>,
    %swap3A_105 = vector.shape_cast %swap3A_104 : vector<16xi32> to vector<16xi32>
    %swap3A_106 = vector.shape_cast %select_n3A_102 : vector<16xi32> to vector<16xi32>
    tpu.vector_store %arg9[%swap3A_103], %swap3A_106 {strides = array<i32>} : memref<80xi32, #tpu.memory_space<vmem>>, vector<16xi32>,
    %dma_start3A_107 = arith.constant 0 : i32
    %dma_start3A_108 = arith.constant 0 : i32
    %dma_start3A_109 = tpu.memref_slice %arg2[%dma_start3A_107, %dma_start3A_108] : memref<10000x256xf32, #tpu.memory_space<hbm>> -> memref<10000x256xf32, #tpu.memory_space<hbm>>
    tpu.enqueue_indirect_dma source(%dma_start3A_109 : memref<10000x256xf32, #tpu.memory_space<hbm>>) target(%arg10 : memref<80x256xf32, #tpu.memory_space<vmem>>) offsets(%arg7 : memref<80xi32, #tpu.memory_space<vmem>>) semaphore(%arg18 : memref<!tpu.dma_semaphore, #tpu.memory_space<semaphore_mem>>)
    %scan3A = arith.constant 0 : i32
    %scan3A_110 = arith.constant 125 : i32
    %scan3A_111 = arith.addi %scan3A, %scan3A_110 : i32
    %scan3A_112 = arith.constant 1 : i32
    scf.for %scan3A_131 = %scan3A to %scan3A_111 step %scan3A_112  : i32 {
      %mul3A_132 = arith.constant 1 : i32
      %mul3A_133 = arith.muli %scan3A_131, %mul3A_132 : i32
      %add3A_134 = arith.constant 0 : i32
      %add3A_135 = arith.addi %add3A_134, %mul3A_133 : i32
      %dma_wait3A_136 = arith.constant 0 : i32
      %dma_wait3A_137 = arith.constant 0 : i32
      %dma_wait3A_138 = tpu.memref_slice %arg2[%dma_wait3A_136, %dma_wait3A_137] : memref<10000x256xf32, #tpu.memory_space<hbm>> -> memref<10000x256xf32, #tpu.memory_space<hbm>>
      tpu.wait_indirect_dma semaphore(%arg18 : memref<!tpu.dma_semaphore, #tpu.memory_space<semaphore_mem>>) src(%dma_wait3A_138 : memref<10000x256xf32, #tpu.memory_space<hbm>>) dst(%arg10 : memref<80x256xf32, #tpu.memory_space<vmem>>)
      %dma_start3A_139 = arith.constant 0 : i32
      %dma_start3A_140 = arith.constant 0 : i32
      %dma_start3A_141 = tpu.memref_slice %arg15[%dma_start3A_139, %dma_start3A_140] : memref<5016x256xf32, #tpu.memory_space<vmem_shared>> -> memref<5016x256xf32, #tpu.memory_space<vmem_shared>>
      tpu.enqueue_indirect_dma source(%arg10 : memref<80x256xf32, #tpu.memory_space<vmem>>) target(%dma_start3A_141 : memref<5016x256xf32, #tpu.memory_space<vmem_shared>>) offsets(%arg9 : memref<80xi32, #tpu.memory_space<vmem>>) semaphore(%arg20 : memref<!tpu.dma_semaphore, #tpu.memory_space<semaphore_mem>>) {add = true}
      %add3A_142 = arith.constant 1 : i32
      %add3A_143 = arith.addi %add3A_135, %add3A_142 : i32
      %lt3A_144 = arith.constant 125 : i32
      %lt3A_145 = arith.cmpi slt, %add3A_143, %lt3A_144 : i32
      %convert_element_type3A_146 = arith.extui %lt3A_145 : i1 to i32
      %cond3A_147 = arith.constant 0 : i32
      %cond3A_148 = arith.cmpi ne, %convert_element_type3A_146, %cond3A_147 : i32
      scf.if %cond3A_148 {
        %mul3A_263 = arith.constant 2 : i32
        %mul3A_264 = arith.muli %mul3A_263, %add3A_135 : i32
        %add3A_265 = arith.constant 2 : i32
        %add3A_266 = arith.addi %mul3A_264, %add3A_265 : i32
        %mul3A_267 = arith.constant 80 : i32
        %mul3A_268 = arith.muli %add3A_266, %mul3A_267 : i32
        %add3A_269 = arith.addi %mul3A_9, %mul3A_268 : i32
        %dma_start3A_270 = tpu.memref_slice %arg3[%add3A_269] : memref<320000xi32, #tpu.memory_space<hbm>> -> memref<80xi32, #tpu.memory_space<hbm>>
        %dma_start3A_271 = tpu.memref_slice %arg3[%add3A_269] : memref<320000xi32, #tpu.memory_space<hbm>> -> memref<80xi32, #tpu.memory_space<hbm>>
        tpu.enqueue_dma source(%dma_start3A_271 : memref<80xi32, #tpu.memory_space<hbm>>) target(%arg7 : memref<80xi32, #tpu.memory_space<vmem>>) target_semaphore(%arg16 : memref<!tpu.dma_semaphore, #tpu.memory_space<semaphore_mem>>)
        %dma_start3A_272 = tpu.memref_slice %arg4[%add3A_269] : memref<320000xi32, #tpu.memory_space<hbm>> -> memref<80xi32, #tpu.memory_space<hbm>>
        %dma_start3A_273 = tpu.memref_slice %arg4[%add3A_269] : memref<320000xi32, #tpu.memory_space<hbm>> -> memref<80xi32, #tpu.memory_space<hbm>>
        tpu.enqueue_dma source(%dma_start3A_273 : memref<80xi32, #tpu.memory_space<hbm>>) target(%arg8 : memref<80xi32, #tpu.memory_space<vmem>>) target_semaphore(%arg16 : memref<!tpu.dma_semaphore, #tpu.memory_space<semaphore_mem>>)
      } else {
      }
      %dma_wait3A_149 = tpu.memref_slice %arg3[%mul3A_9] : memref<320000xi32, #tpu.memory_space<hbm>> -> memref<80xi32, #tpu.memory_space<hbm>>
      %dma_wait3A_150 = tpu.memref_slice %arg3[%mul3A_9] : memref<320000xi32, #tpu.memory_space<hbm>> -> memref<80xi32, #tpu.memory_space<hbm>>
      tpu.wait_dma2 semaphore(%arg17 : memref<!tpu.dma_semaphore, #tpu.memory_space<semaphore_mem>>) src(%dma_wait3A_150 : memref<80xi32, #tpu.memory_space<hbm>>) dst(%arg11 : memref<80xi32, #tpu.memory_space<vmem>>)
      %dma_wait3A_151 = tpu.memref_slice %arg4[%mul3A_9] : memref<320000xi32, #tpu.memory_space<hbm>> -> memref<80xi32, #tpu.memory_space<hbm>>
      %dma_wait3A_152 = tpu.memref_slice %arg4[%mul3A_9] : memref<320000xi32, #tpu.memory_space<hbm>> -> memref<80xi32, #tpu.memory_space<hbm>>
      tpu.wait_dma2 semaphore(%arg17 : memref<!tpu.dma_semaphore, #tpu.memory_space<semaphore_mem>>) src(%dma_wait3A_152 : memref<80xi32, #tpu.memory_space<hbm>>) dst(%arg12 : memref<80xi32, #tpu.memory_space<vmem>>)
      %gt3A = arith.constant 0 : i32
      %gt3A_153 = arith.cmpi sgt, %add3A_135, %gt3A : i32
      %convert_element_type3A_154 = arith.extui %gt3A_153 : i1 to i32
      %cond3A_155 = arith.constant 0 : i32
      %cond3A_156 = arith.cmpi ne, %convert_element_type3A_154, %cond3A_155 : i32
      scf.if %cond3A_156 {
        %dma_wait3A_263 = arith.constant 0 : i32
        %dma_wait3A_264 = arith.constant 0 : i32
        %dma_wait3A_265 = tpu.memref_slice %arg15[%dma_wait3A_263, %dma_wait3A_264] : memref<5016x256xf32, #tpu.memory_space<vmem_shared>> -> memref<5016x256xf32, #tpu.memory_space<vmem_shared>>
        tpu.wait_indirect_dma semaphore(%arg21 : memref<!tpu.dma_semaphore, #tpu.memory_space<semaphore_mem>>) src(%arg14 : memref<80x256xf32, #tpu.memory_space<vmem>>) dst(%dma_wait3A_265 : memref<5016x256xf32, #tpu.memory_space<vmem_shared>>)
      } else {
      }
      %get3A_157 = arith.constant 0 : index
      %get3A_158 = tpu.vector_load %arg12[%get3A_157] {strides = array<i32>} : memref<80xi32, #tpu.memory_space<vmem>>, vector<16xi32>,
      %get3A_159 = vector.shape_cast %get3A_158 : vector<16xi32> to vector<16xi32>
      %sub3A_160 = vector.broadcast %mul3A_0 : i32 to vector<16xi32>
      %sub3A_161 = arith.subi %get3A_159, %sub3A_160 : vector<16xi32>
      %ge3A_162 = arith.constant 0 : i32
      %ge3A_163 = vector.broadcast %ge3A_162 : i32 to vector<16xi32>
      %ge3A_164 = arith.cmpi sge, %sub3A_161, %ge3A_163 : vector<16xi32>
      %lt3A_165 = arith.constant 5000 : i32
      %lt3A_166 = vector.broadcast %lt3A_165 : i32 to vector<16xi32>
      %lt3A_167 = arith.cmpi slt, %sub3A_161, %lt3A_166 : vector<16xi32>
      %and3A_168 = arith.andi %ge3A_164, %lt3A_167 : vector<16xi1>
      %broadcast_in_dim3A_169 = vector.broadcast %add3A_7 : i32 to vector<16xi32>
      %select_n3A_170 = arith.select %and3A_168, %sub3A_161, %broadcast_in_dim3A_169 : vector<16xi1>, vector<16xi32>
      %swap3A_171 = arith.constant 0 : index
      %swap3A_172 = tpu.vector_load %arg13[%swap3A_171] {strides = array<i32>} : memref<80xi32, #tpu.memory_space<vmem>>, vector<16xi32>,
      %swap3A_173 = vector.shape_cast %swap3A_172 : vector<16xi32> to vector<16xi32>
      %swap3A_174 = vector.shape_cast %select_n3A_170 : vector<16xi32> to vector<16xi32>
      tpu.vector_store %arg13[%swap3A_171], %swap3A_174 {strides = array<i32>} : memref<80xi32, #tpu.memory_space<vmem>>, vector<16xi32>,
      %get3A_175 = arith.constant 16 : index
      %get3A_176 = tpu.vector_load %arg12[%get3A_175] {strides = array<i32>} : memref<80xi32, #tpu.memory_space<vmem>>, vector<16xi32>,
      %get3A_177 = vector.shape_cast %get3A_176 : vector<16xi32> to vector<16xi32>
      %sub3A_178 = vector.broadcast %mul3A_0 : i32 to vector<16xi32>
      %sub3A_179 = arith.subi %get3A_177, %sub3A_178 : vector<16xi32>
      %ge3A_180 = arith.constant 0 : i32
      %ge3A_181 = vector.broadcast %ge3A_180 : i32 to vector<16xi32>
      %ge3A_182 = arith.cmpi sge, %sub3A_179, %ge3A_181 : vector<16xi32>
      %lt3A_183 = arith.constant 5000 : i32
      %lt3A_184 = vector.broadcast %lt3A_183 : i32 to vector<16xi32>
      %lt3A_185 = arith.cmpi slt, %sub3A_179, %lt3A_184 : vector<16xi32>
      %and3A_186 = arith.andi %ge3A_182, %lt3A_185 : vector<16xi1>
      %broadcast_in_dim3A_187 = vector.broadcast %add3A_7 : i32 to vector<16xi32>
      %select_n3A_188 = arith.select %and3A_186, %sub3A_179, %broadcast_in_dim3A_187 : vector<16xi1>, vector<16xi32>
      %swap3A_189 = arith.constant 16 : index
      %swap3A_190 = tpu.vector_load %arg13[%swap3A_189] {strides = array<i32>} : memref<80xi32, #tpu.memory_space<vmem>>, vector<16xi32>,
      %swap3A_191 = vector.shape_cast %swap3A_190 : vector<16xi32> to vector<16xi32>
      %swap3A_192 = vector.shape_cast %select_n3A_188 : vector<16xi32> to vector<16xi32>
      tpu.vector_store %arg13[%swap3A_189], %swap3A_192 {strides = array<i32>} : memref<80xi32, #tpu.memory_space<vmem>>, vector<16xi32>,
      %get3A_193 = arith.constant 32 : index
      %get3A_194 = tpu.vector_load %arg12[%get3A_193] {strides = array<i32>} : memref<80xi32, #tpu.memory_space<vmem>>, vector<16xi32>,
      %get3A_195 = vector.shape_cast %get3A_194 : vector<16xi32> to vector<16xi32>
      %sub3A_196 = vector.broadcast %mul3A_0 : i32 to vector<16xi32>
      %sub3A_197 = arith.subi %get3A_195, %sub3A_196 : vector<16xi32>
      %ge3A_198 = arith.constant 0 : i32
      %ge3A_199 = vector.broadcast %ge3A_198 : i32 to vector<16xi32>
      %ge3A_200 = arith.cmpi sge, %sub3A_197, %ge3A_199 : vector<16xi32>
      %lt3A_201 = arith.constant 5000 : i32
      %lt3A_202 = vector.broadcast %lt3A_201 : i32 to vector<16xi32>
      %lt3A_203 = arith.cmpi slt, %sub3A_197, %lt3A_202 : vector<16xi32>
      %and3A_204 = arith.andi %ge3A_200, %lt3A_203 : vector<16xi1>
      %broadcast_in_dim3A_205 = vector.broadcast %add3A_7 : i32 to vector<16xi32>
      %select_n3A_206 = arith.select %and3A_204, %sub3A_197, %broadcast_in_dim3A_205 : vector<16xi1>, vector<16xi32>
      %swap3A_207 = arith.constant 32 : index
      %swap3A_208 = tpu.vector_load %arg13[%swap3A_207] {strides = array<i32>} : memref<80xi32, #tpu.memory_space<vmem>>, vector<16xi32>,
      %swap3A_209 = vector.shape_cast %swap3A_208 : vector<16xi32> to vector<16xi32>
      %swap3A_210 = vector.shape_cast %select_n3A_206 : vector<16xi32> to vector<16xi32>
      tpu.vector_store %arg13[%swap3A_207], %swap3A_210 {strides = array<i32>} : memref<80xi32, #tpu.memory_space<vmem>>, vector<16xi32>,
      %get3A_211 = arith.constant 48 : index
      %get3A_212 = tpu.vector_load %arg12[%get3A_211] {strides = array<i32>} : memref<80xi32, #tpu.memory_space<vmem>>, vector<16xi32>,
      %get3A_213 = vector.shape_cast %get3A_212 : vector<16xi32> to vector<16xi32>
      %sub3A_214 = vector.broadcast %mul3A_0 : i32 to vector<16xi32>
      %sub3A_215 = arith.subi %get3A_213, %sub3A_214 : vector<16xi32>
      %ge3A_216 = arith.constant 0 : i32
      %ge3A_217 = vector.broadcast %ge3A_216 : i32 to vector<16xi32>
      %ge3A_218 = arith.cmpi sge, %sub3A_215, %ge3A_217 : vector<16xi32>
      %lt3A_219 = arith.constant 5000 : i32
      %lt3A_220 = vector.broadcast %lt3A_219 : i32 to vector<16xi32>
      %lt3A_221 = arith.cmpi slt, %sub3A_215, %lt3A_220 : vector<16xi32>
      %and3A_222 = arith.andi %ge3A_218, %lt3A_221 : vector<16xi1>
      %broadcast_in_dim3A_223 = vector.broadcast %add3A_7 : i32 to vector<16xi32>
      %select_n3A_224 = arith.select %and3A_222, %sub3A_215, %broadcast_in_dim3A_223 : vector<16xi1>, vector<16xi32>
      %swap3A_225 = arith.constant 48 : index
      %swap3A_226 = tpu.vector_load %arg13[%swap3A_225] {strides = array<i32>} : memref<80xi32, #tpu.memory_space<vmem>>, vector<16xi32>,
      %swap3A_227 = vector.shape_cast %swap3A_226 : vector<16xi32> to vector<16xi32>
      %swap3A_228 = vector.shape_cast %select_n3A_224 : vector<16xi32> to vector<16xi32>
      tpu.vector_store %arg13[%swap3A_225], %swap3A_228 {strides = array<i32>} : memref<80xi32, #tpu.memory_space<vmem>>, vector<16xi32>,
      %get3A_229 = arith.constant 64 : index
      %get3A_230 = tpu.vector_load %arg12[%get3A_229] {strides = array<i32>} : memref<80xi32, #tpu.memory_space<vmem>>, vector<16xi32>,
      %get3A_231 = vector.shape_cast %get3A_230 : vector<16xi32> to vector<16xi32>
      %sub3A_232 = vector.broadcast %mul3A_0 : i32 to vector<16xi32>
      %sub3A_233 = arith.subi %get3A_231, %sub3A_232 : vector<16xi32>
      %ge3A_234 = arith.constant 0 : i32
      %ge3A_235 = vector.broadcast %ge3A_234 : i32 to vector<16xi32>
      %ge3A_236 = arith.cmpi sge, %sub3A_233, %ge3A_235 : vector<16xi32>
      %lt3A_237 = arith.constant 5000 : i32
      %lt3A_238 = vector.broadcast %lt3A_237 : i32 to vector<16xi32>
      %lt3A_239 = arith.cmpi slt, %sub3A_233, %lt3A_238 : vector<16xi32>
      %and3A_240 = arith.andi %ge3A_236, %lt3A_239 : vector<16xi1>
      %broadcast_in_dim3A_241 = vector.broadcast %add3A_7 : i32 to vector<16xi32>
      %select_n3A_242 = arith.select %and3A_240, %sub3A_233, %broadcast_in_dim3A_241 : vector<16xi1>, vector<16xi32>
      %swap3A_243 = arith.constant 64 : index
      %swap3A_244 = tpu.vector_load %arg13[%swap3A_243] {strides = array<i32>} : memref<80xi32, #tpu.memory_space<vmem>>, vector<16xi32>,
      %swap3A_245 = vector.shape_cast %swap3A_244 : vector<16xi32> to vector<16xi32>
      %swap3A_246 = vector.shape_cast %select_n3A_242 : vector<16xi32> to vector<16xi32>
      tpu.vector_store %arg13[%swap3A_243], %swap3A_246 {strides = array<i32>} : memref<80xi32, #tpu.memory_space<vmem>>, vector<16xi32>,
      %dma_start3A_247 = arith.constant 0 : i32
      %dma_start3A_248 = arith.constant 0 : i32
      %dma_start3A_249 = tpu.memref_slice %arg2[%dma_start3A_247, %dma_start3A_248] : memref<10000x256xf32, #tpu.memory_space<hbm>> -> memref<10000x256xf32, #tpu.memory_space<hbm>>
      tpu.enqueue_indirect_dma source(%dma_start3A_249 : memref<10000x256xf32, #tpu.memory_space<hbm>>) target(%arg14 : memref<80x256xf32, #tpu.memory_space<vmem>>) offsets(%arg11 : memref<80xi32, #tpu.memory_space<vmem>>) semaphore(%arg19 : memref<!tpu.dma_semaphore, #tpu.memory_space<semaphore_mem>>)
      %dma_wait3A_250 = arith.constant 0 : i32
      %dma_wait3A_251 = arith.constant 0 : i32
      %dma_wait3A_252 = tpu.memref_slice %arg2[%dma_wait3A_250, %dma_wait3A_251] : memref<10000x256xf32, #tpu.memory_space<hbm>> -> memref<10000x256xf32, #tpu.memory_space<hbm>>
      tpu.wait_indirect_dma semaphore(%arg19 : memref<!tpu.dma_semaphore, #tpu.memory_space<semaphore_mem>>) src(%dma_wait3A_252 : memref<10000x256xf32, #tpu.memory_space<hbm>>) dst(%arg14 : memref<80x256xf32, #tpu.memory_space<vmem>>)
      %dma_start3A_253 = arith.constant 0 : i32
      %dma_start3A_254 = arith.constant 0 : i32
      %dma_start3A_255 = tpu.memref_slice %arg15[%dma_start3A_253, %dma_start3A_254] : memref<5016x256xf32, #tpu.memory_space<vmem_shared>> -> memref<5016x256xf32, #tpu.memory_space<vmem_shared>>
      tpu.enqueue_indirect_dma source(%arg14 : memref<80x256xf32, #tpu.memory_space<vmem>>) target(%dma_start3A_255 : memref<5016x256xf32, #tpu.memory_space<vmem_shared>>) offsets(%arg13 : memref<80xi32, #tpu.memory_space<vmem>>) semaphore(%arg21 : memref<!tpu.dma_semaphore, #tpu.memory_space<semaphore_mem>>) {add = true}
      %add3A_256 = arith.constant 1 : i32
      %add3A_257 = arith.addi %add3A_135, %add3A_256 : i32
      %lt3A_258 = arith.constant 125 : i32
      %lt3A_259 = arith.cmpi slt, %add3A_257, %lt3A_258 : i32
      %convert_element_type3A_260 = arith.extui %lt3A_259 : i1 to i32
      %cond3A_261 = arith.constant 0 : i32
      %cond3A_262 = arith.cmpi ne, %convert_element_type3A_260, %cond3A_261 : i32
      scf.if %cond3A_262 {
        %mul3A_263 = arith.constant 2 : i32
        %mul3A_264 = arith.muli %mul3A_263, %add3A_135 : i32
        %add3A_265 = arith.constant 3 : i32
        %add3A_266 = arith.addi %mul3A_264, %add3A_265 : i32
        %mul3A_267 = arith.constant 80 : i32
        %mul3A_268 = arith.muli %add3A_266, %mul3A_267 : i32
        %add3A_269 = arith.addi %mul3A_9, %mul3A_268 : i32
        %dma_start3A_270 = tpu.memref_slice %arg3[%add3A_269] : memref<320000xi32, #tpu.memory_space<hbm>> -> memref<80xi32, #tpu.memory_space<hbm>>
        %dma_start3A_271 = tpu.memref_slice %arg3[%add3A_269] : memref<320000xi32, #tpu.memory_space<hbm>> -> memref<80xi32, #tpu.memory_space<hbm>>
        tpu.enqueue_dma source(%dma_start3A_271 : memref<80xi32, #tpu.memory_space<hbm>>) target(%arg11 : memref<80xi32, #tpu.memory_space<vmem>>) target_semaphore(%arg17 : memref<!tpu.dma_semaphore, #tpu.memory_space<semaphore_mem>>)
        %dma_start3A_272 = tpu.memref_slice %arg4[%add3A_269] : memref<320000xi32, #tpu.memory_space<hbm>> -> memref<80xi32, #tpu.memory_space<hbm>>
        %dma_start3A_273 = tpu.memref_slice %arg4[%add3A_269] : memref<320000xi32, #tpu.memory_space<hbm>> -> memref<80xi32, #tpu.memory_space<hbm>>
        tpu.enqueue_dma source(%dma_start3A_273 : memref<80xi32, #tpu.memory_space<hbm>>) target(%arg12 : memref<80xi32, #tpu.memory_space<vmem>>) target_semaphore(%arg17 : memref<!tpu.dma_semaphore, #tpu.memory_space<semaphore_mem>>)
        %dma_wait3A_274 = tpu.memref_slice %arg3[%mul3A_9] : memref<320000xi32, #tpu.memory_space<hbm>> -> memref<80xi32, #tpu.memory_space<hbm>>
        %dma_wait3A_275 = tpu.memref_slice %arg3[%mul3A_9] : memref<320000xi32, #tpu.memory_space<hbm>> -> memref<80xi32, #tpu.memory_space<hbm>>
        tpu.wait_dma2 semaphore(%arg16 : memref<!tpu.dma_semaphore, #tpu.memory_space<semaphore_mem>>) src(%dma_wait3A_275 : memref<80xi32, #tpu.memory_space<hbm>>) dst(%arg7 : memref<80xi32, #tpu.memory_space<vmem>>)
        %dma_wait3A_276 = tpu.memref_slice %arg4[%mul3A_9] : memref<320000xi32, #tpu.memory_space<hbm>> -> memref<80xi32, #tpu.memory_space<hbm>>
        %dma_wait3A_277 = tpu.memref_slice %arg4[%mul3A_9] : memref<320000xi32, #tpu.memory_space<hbm>> -> memref<80xi32, #tpu.memory_space<hbm>>
        tpu.wait_dma2 semaphore(%arg16 : memref<!tpu.dma_semaphore, #tpu.memory_space<semaphore_mem>>) src(%dma_wait3A_277 : memref<80xi32, #tpu.memory_space<hbm>>) dst(%arg8 : memref<80xi32, #tpu.memory_space<vmem>>)
        %dma_wait3A_278 = arith.constant 0 : i32
        %dma_wait3A_279 = arith.constant 0 : i32
        %dma_wait3A_280 = tpu.memref_slice %arg15[%dma_wait3A_278, %dma_wait3A_279] : memref<5016x256xf32, #tpu.memory_space<vmem_shared>> -> memref<5016x256xf32, #tpu.memory_space<vmem_shared>>
        tpu.wait_indirect_dma semaphore(%arg20 : memref<!tpu.dma_semaphore, #tpu.memory_space<semaphore_mem>>) src(%arg10 : memref<80x256xf32, #tpu.memory_space<vmem>>) dst(%dma_wait3A_280 : memref<5016x256xf32, #tpu.memory_space<vmem_shared>>)
        %get3A_281 = arith.constant 0 : index
        %get3A_282 = tpu.vector_load %arg8[%get3A_281] {strides = array<i32>} : memref<80xi32, #tpu.memory_space<vmem>>, vector<16xi32>,
        %get3A_283 = vector.shape_cast %get3A_282 : vector<16xi32> to vector<16xi32>
        %sub3A_284 = vector.broadcast %mul3A_0 : i32 to vector<16xi32>
        %sub3A_285 = arith.subi %get3A_283, %sub3A_284 : vector<16xi32>
        %ge3A_286 = arith.constant 0 : i32
        %ge3A_287 = vector.broadcast %ge3A_286 : i32 to vector<16xi32>
        %ge3A_288 = arith.cmpi sge, %sub3A_285, %ge3A_287 : vector<16xi32>
        %lt3A_289 = arith.constant 5000 : i32
        %lt3A_290 = vector.broadcast %lt3A_289 : i32 to vector<16xi32>
        %lt3A_291 = arith.cmpi slt, %sub3A_285, %lt3A_290 : vector<16xi32>
        %and3A_292 = arith.andi %ge3A_288, %lt3A_291 : vector<16xi1>
        %broadcast_in_dim3A_293 = vector.broadcast %add3A_7 : i32 to vector<16xi32>
        %select_n3A_294 = arith.select %and3A_292, %sub3A_285, %broadcast_in_dim3A_293 : vector<16xi1>, vector<16xi32>
        %swap3A_295 = arith.constant 0 : index
        %swap3A_296 = tpu.vector_load %arg9[%swap3A_295] {strides = array<i32>} : memref<80xi32, #tpu.memory_space<vmem>>, vector<16xi32>,
        %swap3A_297 = vector.shape_cast %swap3A_296 : vector<16xi32> to vector<16xi32>
        %swap3A_298 = vector.shape_cast %select_n3A_294 : vector<16xi32> to vector<16xi32>
        tpu.vector_store %arg9[%swap3A_295], %swap3A_298 {strides = array<i32>} : memref<80xi32, #tpu.memory_space<vmem>>, vector<16xi32>,
        %get3A_299 = arith.constant 16 : index
        %get3A_300 = tpu.vector_load %arg8[%get3A_299] {strides = array<i32>} : memref<80xi32, #tpu.memory_space<vmem>>, vector<16xi32>,
        %get3A_301 = vector.shape_cast %get3A_300 : vector<16xi32> to vector<16xi32>
        %sub3A_302 = vector.broadcast %mul3A_0 : i32 to vector<16xi32>
        %sub3A_303 = arith.subi %get3A_301, %sub3A_302 : vector<16xi32>
        %ge3A_304 = arith.constant 0 : i32
        %ge3A_305 = vector.broadcast %ge3A_304 : i32 to vector<16xi32>
        %ge3A_306 = arith.cmpi sge, %sub3A_303, %ge3A_305 : vector<16xi32>
        %lt3A_307 = arith.constant 5000 : i32
        %lt3A_308 = vector.broadcast %lt3A_307 : i32 to vector<16xi32>
        %lt3A_309 = arith.cmpi slt, %sub3A_303, %lt3A_308 : vector<16xi32>
        %and3A_310 = arith.andi %ge3A_306, %lt3A_309 : vector<16xi1>
        %broadcast_in_dim3A_311 = vector.broadcast %add3A_7 : i32 to vector<16xi32>
        %select_n3A_312 = arith.select %and3A_310, %sub3A_303, %broadcast_in_dim3A_311 : vector<16xi1>, vector<16xi32>
        %swap3A_313 = arith.constant 16 : index
        %swap3A_314 = tpu.vector_load %arg9[%swap3A_313] {strides = array<i32>} : memref<80xi32, #tpu.memory_space<vmem>>, vector<16xi32>,
        %swap3A_315 = vector.shape_cast %swap3A_314 : vector<16xi32> to vector<16xi32>
        %swap3A_316 = vector.shape_cast %select_n3A_312 : vector<16xi32> to vector<16xi32>
        tpu.vector_store %arg9[%swap3A_313], %swap3A_316 {strides = array<i32>} : memref<80xi32, #tpu.memory_space<vmem>>, vector<16xi32>,
        %get3A_317 = arith.constant 32 : index
        %get3A_318 = tpu.vector_load %arg8[%get3A_317] {strides = array<i32>} : memref<80xi32, #tpu.memory_space<vmem>>, vector<16xi32>,
        %get3A_319 = vector.shape_cast %get3A_318 : vector<16xi32> to vector<16xi32>
        %sub3A_320 = vector.broadcast %mul3A_0 : i32 to vector<16xi32>
        %sub3A_321 = arith.subi %get3A_319, %sub3A_320 : vector<16xi32>
        %ge3A_322 = arith.constant 0 : i32
        %ge3A_323 = vector.broadcast %ge3A_322 : i32 to vector<16xi32>
        %ge3A_324 = arith.cmpi sge, %sub3A_321, %ge3A_323 : vector<16xi32>
        %lt3A_325 = arith.constant 5000 : i32
        %lt3A_326 = vector.broadcast %lt3A_325 : i32 to vector<16xi32>
        %lt3A_327 = arith.cmpi slt, %sub3A_321, %lt3A_326 : vector<16xi32>
        %and3A_328 = arith.andi %ge3A_324, %lt3A_327 : vector<16xi1>
        %broadcast_in_dim3A_329 = vector.broadcast %add3A_7 : i32 to vector<16xi32>
        %select_n3A_330 = arith.select %and3A_328, %sub3A_321, %broadcast_in_dim3A_329 : vector<16xi1>, vector<16xi32>
        %swap3A_331 = arith.constant 32 : index
        %swap3A_332 = tpu.vector_load %arg9[%swap3A_331] {strides = array<i32>} : memref<80xi32, #tpu.memory_space<vmem>>, vector<16xi32>,
        %swap3A_333 = vector.shape_cast %swap3A_332 : vector<16xi32> to vector<16xi32>
        %swap3A_334 = vector.shape_cast %select_n3A_330 : vector<16xi32> to vector<16xi32>
        tpu.vector_store %arg9[%swap3A_331], %swap3A_334 {strides = array<i32>} : memref<80xi32, #tpu.memory_space<vmem>>, vector<16xi32>,
        %get3A_335 = arith.constant 48 : index
        %get3A_336 = tpu.vector_load %arg8[%get3A_335] {strides = array<i32>} : memref<80xi32, #tpu.memory_space<vmem>>, vector<16xi32>,
        %get3A_337 = vector.shape_cast %get3A_336 : vector<16xi32> to vector<16xi32>
        %sub3A_338 = vector.broadcast %mul3A_0 : i32 to vector<16xi32>
        %sub3A_339 = arith.subi %get3A_337, %sub3A_338 : vector<16xi32>
        %ge3A_340 = arith.constant 0 : i32
        %ge3A_341 = vector.broadcast %ge3A_340 : i32 to vector<16xi32>
        %ge3A_342 = arith.cmpi sge, %sub3A_339, %ge3A_341 : vector<16xi32>
        %lt3A_343 = arith.constant 5000 : i32
        %lt3A_344 = vector.broadcast %lt3A_343 : i32 to vector<16xi32>
        %lt3A_345 = arith.cmpi slt, %sub3A_339, %lt3A_344 : vector<16xi32>
        %and3A_346 = arith.andi %ge3A_342, %lt3A_345 : vector<16xi1>
        %broadcast_in_dim3A_347 = vector.broadcast %add3A_7 : i32 to vector<16xi32>
        %select_n3A_348 = arith.select %and3A_346, %sub3A_339, %broadcast_in_dim3A_347 : vector<16xi1>, vector<16xi32>
        %swap3A_349 = arith.constant 48 : index
        %swap3A_350 = tpu.vector_load %arg9[%swap3A_349] {strides = array<i32>} : memref<80xi32, #tpu.memory_space<vmem>>, vector<16xi32>,
        %swap3A_351 = vector.shape_cast %swap3A_350 : vector<16xi32> to vector<16xi32>
        %swap3A_352 = vector.shape_cast %select_n3A_348 : vector<16xi32> to vector<16xi32>
        tpu.vector_store %arg9[%swap3A_349], %swap3A_352 {strides = array<i32>} : memref<80xi32, #tpu.memory_space<vmem>>, vector<16xi32>,
        %get3A_353 = arith.constant 64 : index
        %get3A_354 = tpu.vector_load %arg8[%get3A_353] {strides = array<i32>} : memref<80xi32, #tpu.memory_space<vmem>>, vector<16xi32>,
        %get3A_355 = vector.shape_cast %get3A_354 : vector<16xi32> to vector<16xi32>
        %sub3A_356 = vector.broadcast %mul3A_0 : i32 to vector<16xi32>
        %sub3A_357 = arith.subi %get3A_355, %sub3A_356 : vector<16xi32>
        %ge3A_358 = arith.constant 0 : i32
        %ge3A_359 = vector.broadcast %ge3A_358 : i32 to vector<16xi32>
        %ge3A_360 = arith.cmpi sge, %sub3A_357, %ge3A_359 : vector<16xi32>
        %lt3A_361 = arith.constant 5000 : i32
        %lt3A_362 = vector.broadcast %lt3A_361 : i32 to vector<16xi32>
        %lt3A_363 = arith.cmpi slt, %sub3A_357, %lt3A_362 : vector<16xi32>
        %and3A_364 = arith.andi %ge3A_360, %lt3A_363 : vector<16xi1>
        %broadcast_in_dim3A_365 = vector.broadcast %add3A_7 : i32 to vector<16xi32>
        %select_n3A_366 = arith.select %and3A_364, %sub3A_357, %broadcast_in_dim3A_365 : vector<16xi1>, vector<16xi32>
        %swap3A_367 = arith.constant 64 : index
        %swap3A_368 = tpu.vector_load %arg9[%swap3A_367] {strides = array<i32>} : memref<80xi32, #tpu.memory_space<vmem>>, vector<16xi32>,
        %swap3A_369 = vector.shape_cast %swap3A_368 : vector<16xi32> to vector<16xi32>
        %swap3A_370 = vector.shape_cast %select_n3A_366 : vector<16xi32> to vector<16xi32>
        tpu.vector_store %arg9[%swap3A_367], %swap3A_370 {strides = array<i32>} : memref<80xi32, #tpu.memory_space<vmem>>, vector<16xi32>,
        %dma_start3A_371 = arith.constant 0 : i32
        %dma_start3A_372 = arith.constant 0 : i32
        %dma_start3A_373 = tpu.memref_slice %arg2[%dma_start3A_371, %dma_start3A_372] : memref<10000x256xf32, #tpu.memory_space<hbm>> -> memref<10000x256xf32, #tpu.memory_space<hbm>>
        tpu.enqueue_indirect_dma source(%dma_start3A_373 : memref<10000x256xf32, #tpu.memory_space<hbm>>) target(%arg10 : memref<80x256xf32, #tpu.memory_space<vmem>>) offsets(%arg7 : memref<80xi32, #tpu.memory_space<vmem>>) semaphore(%arg18 : memref<!tpu.dma_semaphore, #tpu.memory_space<semaphore_mem>>)
      } else {
      }
    }
    %scan3A_113 = arith.constant 125 : i32
    %dma_wait3A_114 = arith.constant 0 : i32
    %dma_wait3A_115 = arith.constant 0 : i32
    %dma_wait3A_116 = tpu.memref_slice %arg15[%dma_wait3A_114, %dma_wait3A_115] : memref<5016x256xf32, #tpu.memory_space<vmem_shared>> -> memref<5016x256xf32, #tpu.memory_space<vmem_shared>>
    tpu.wait_indirect_dma semaphore(%arg20 : memref<!tpu.dma_semaphore, #tpu.memory_space<semaphore_mem>>) src(%arg10 : memref<80x256xf32, #tpu.memory_space<vmem>>) dst(%dma_wait3A_116 : memref<5016x256xf32, #tpu.memory_space<vmem_shared>>)
    %dma_wait3A_117 = arith.constant 0 : i32
    %dma_wait3A_118 = arith.constant 0 : i32
    %dma_wait3A_119 = tpu.memref_slice %arg15[%dma_wait3A_117, %dma_wait3A_118] : memref<5016x256xf32, #tpu.memory_space<vmem_shared>> -> memref<5016x256xf32, #tpu.memory_space<vmem_shared>>
    tpu.wait_indirect_dma semaphore(%arg21 : memref<!tpu.dma_semaphore, #tpu.memory_space<semaphore_mem>>) src(%arg14 : memref<80x256xf32, #tpu.memory_space<vmem>>) dst(%dma_wait3A_119 : memref<5016x256xf32, #tpu.memory_space<vmem_shared>>)
    %barrier3A_120 = arith.constant 0 : index
    tpu.barrier barrier_id(%barrier3A_120)
    %lt3A_121 = arith.constant 15 : i32
    %lt3A_122 = arith.cmpi slt, %arg1, %lt3A_121 : i32
    %convert_element_type3A_123 = arith.extui %lt3A_122 : i1 to i32
    %cond3A_124 = arith.constant 0 : i32
    %cond3A_125 = arith.cmpi ne, %convert_element_type3A_123, %cond3A_124 : i32
    scf.if %cond3A_125 {
      %mul3A_131 = arith.constant 312 : i32
      %mul3A_132 = arith.muli %arg1, %mul3A_131 : i32
      %mul3A_133 = arith.constant 312 : i32
      %mul3A_134 = arith.muli %arg1, %mul3A_133 : i32
      %add3A_135 = arith.addi %mul3A_0, %mul3A_134 : i32
      "tpu.region"() ({
        %run_scoped3A = tpu.sem_alloc : memref<!tpu.dma_semaphore, #tpu.memory_space<semaphore_mem>>
        %dma_start3A_136 = arith.constant 0 : i32
        %dma_start3A_137 = tpu.memref_slice %arg6[%add3A_135, %dma_start3A_136] : memref<10000x256xf32, #tpu.memory_space<hbm>> -> memref<312x256xf32, #tpu.memory_space<hbm>>
        %dma_start3A_138 = arith.constant 0 : i32
        %dma_start3A_139 = tpu.memref_slice %arg15[%mul3A_132, %dma_start3A_138] : memref<5016x256xf32, #tpu.memory_space<vmem_shared>> -> memref<312x256xf32, #tpu.memory_space<vmem_shared>>
        tpu.enqueue_dma source(%dma_start3A_139 : memref<312x256xf32, #tpu.memory_space<vmem_shared>>) target(%dma_start3A_137 : memref<312x256xf32, #tpu.memory_space<hbm>>) target_semaphore(%run_scoped3A : memref<!tpu.dma_semaphore, #tpu.memory_space<semaphore_mem>>)
        %dma_wait3A_140 = arith.constant 0 : i32
        %dma_wait3A_141 = tpu.memref_slice %arg6[%add3A_135, %dma_wait3A_140] : memref<10000x256xf32, #tpu.memory_space<hbm>> -> memref<312x256xf32, #tpu.memory_space<hbm>>
        %dma_wait3A_142 = arith.constant 0 : i32
        %dma_wait3A_143 = tpu.memref_slice %arg15[%mul3A_132, %dma_wait3A_142] : memref<5016x256xf32, #tpu.memory_space<vmem_shared>> -> memref<312x256xf32, #tpu.memory_space<vmem_shared>>
        tpu.wait_dma2 semaphore(%run_scoped3A : memref<!tpu.dma_semaphore, #tpu.memory_space<semaphore_mem>>) src(%dma_wait3A_143 : memref<312x256xf32, #tpu.memory_space<vmem_shared>>) dst(%dma_wait3A_141 : memref<312x256xf32, #tpu.memory_space<hbm>>)
        tpu.yield
      }) : () -> ()
    } else {
    }
    %eq3A_126 = arith.constant 15 : i32
    %eq3A_127 = arith.cmpi eq, %arg1, %eq3A_126 : i32
    %convert_element_type3A_128 = arith.extui %eq3A_127 : i1 to i32
    %cond3A_129 = arith.constant 0 : i32
    %cond3A_130 = arith.cmpi ne, %convert_element_type3A_128, %cond3A_129 : i32
    scf.if %cond3A_130 {
      %add3A_131 = arith.constant 4680 : i32
      %add3A_132 = arith.addi %mul3A_0, %add3A_131 : i32
      "tpu.region"() ({
        %run_scoped3A = tpu.sem_alloc : memref<!tpu.dma_semaphore, #tpu.memory_space<semaphore_mem>>
        %dma_start3A_133 = arith.constant 0 : i32
        %dma_start3A_134 = tpu.memref_slice %arg6[%add3A_132, %dma_start3A_133] : memref<10000x256xf32, #tpu.memory_space<hbm>> -> memref<320x256xf32, #tpu.memory_space<hbm>>
        %dma_start3A_135 = arith.constant 4680 : i32
        %dma_start3A_136 = arith.constant 0 : i32
        %dma_start3A_137 = tpu.memref_slice %arg15[%dma_start3A_135, %dma_start3A_136] : memref<5016x256xf32, #tpu.memory_space<vmem_shared>> -> memref<320x256xf32, #tpu.memory_space<vmem_shared>>
        tpu.enqueue_dma source(%dma_start3A_137 : memref<320x256xf32, #tpu.memory_space<vmem_shared>>) target(%dma_start3A_134 : memref<320x256xf32, #tpu.memory_space<hbm>>) target_semaphore(%run_scoped3A : memref<!tpu.dma_semaphore, #tpu.memory_space<semaphore_mem>>)
        %dma_wait3A_138 = arith.constant 0 : i32
        %dma_wait3A_139 = tpu.memref_slice %arg6[%add3A_132, %dma_wait3A_138] : memref<10000x256xf32, #tpu.memory_space<hbm>> -> memref<320x256xf32, #tpu.memory_space<hbm>>
        %dma_wait3A_140 = arith.constant 4680 : i32
        %dma_wait3A_141 = arith.constant 0 : i32
        %dma_wait3A_142 = tpu.memref_slice %arg15[%dma_wait3A_140, %dma_wait3A_141] : memref<5016x256xf32, #tpu.memory_space<vmem_shared>> -> memref<320x256xf32, #tpu.memory_space<vmem_shared>>
        tpu.wait_dma2 semaphore(%run_scoped3A : memref<!tpu.dma_semaphore, #tpu.memory_space<semaphore_mem>>) src(%dma_wait3A_142 : memref<320x256xf32, #tpu.memory_space<vmem_shared>>) dst(%dma_wait3A_139 : memref<320x256xf32, #tpu.memory_space<hbm>>)
        tpu.yield
      }) : () -> ()
    } else {
    }
    return
  }
}

#map = affine_map<(d0, d1) -> (0, 0)>
#map1 = affine_map<(d0, d1) -> (0)>
module attributes {stable_mosaic.version = 14 : i64} {
  func.func @_seg_body(%arg0: i32, %arg1: i32, %arg2: memref<10000x256xf32, #tpu.memory_space<hbm>>, %arg3: memref<320000xi32, #tpu.memory_space<hbm>>, %arg4: memref<320000xi32, #tpu.memory_space<hbm>>, %arg5: memref<320x256xf32, #tpu.memory_space<hbm>>, %arg6: memref<10000x256xf32, #tpu.memory_space<hbm>>, %arg7: memref<80xi32, #tpu.memory_space<vmem>>, %arg8: memref<80xi32, #tpu.memory_space<vmem>>, %arg9: memref<80xi32, #tpu.memory_space<vmem>>, %arg10: memref<80x256xf32, #tpu.memory_space<vmem>>, %arg11: memref<80xi32, #tpu.memory_space<vmem>>, %arg12: memref<80xi32, #tpu.memory_space<vmem>>, %arg13: memref<80xi32, #tpu.memory_space<vmem>>, %arg14: memref<80x256xf32, #tpu.memory_space<vmem>>, %arg15: memref<5016x256xf32, #tpu.memory_space<vmem_shared>>, %arg16: memref<!tpu.dma_semaphore, #tpu.memory_space<semaphore_mem>>, %arg17: memref<!tpu.dma_semaphore, #tpu.memory_space<semaphore_mem>>, %arg18: memref<!tpu.dma_semaphore, #tpu.memory_space<semaphore_mem>>, %arg19: memref<!tpu.dma_semaphore, #tpu.memory_space<semaphore_mem>>, %arg20: memref<!tpu.dma_semaphore, #tpu.memory_space<semaphore_mem>>, %arg21: memref<!tpu.dma_semaphore, #tpu.memory_space<semaphore_mem>>) attributes {dimension_semantics = [#tpu.dimension_semantics<core_parallel>, #tpu.dimension_semantics<subcore_parallel>], iteration_bounds = array<i64: 2, 16>, scalar_prefetch = 0 : i64, scratch_operands = 15 : i64, tpu.core_type = #tpu.core_type<sc_vector_subcore>, window_params = [{transform_indices = #map}, {transform_indices = #map1}, {transform_indices = #map1}, {transform_indices = #map}, {transform_indices = #map}]} {
    %mul3A = arith.constant 5000 : i32
    %mul3A_0 = arith.muli %arg0, %mul3A : i32
    %lt3A = arith.constant 15 : i32
    %lt3A_1 = arith.cmpi slt, %arg1, %lt3A : i32
    %convert_element_type3A = arith.extui %lt3A_1 : i1 to i32
    %cond3A = arith.constant 0 : i32
    %cond3A_2 = arith.cmpi ne, %convert_element_type3A, %cond3A : i32
    scf.if %cond3A_2 {
      %mul3A_131 = arith.constant 312 : i32
      %mul3A_132 = arith.muli %arg1, %mul3A_131 : i32
      "tpu.region"() ({
        %run_scoped3A = tpu.sem_alloc : memref<!tpu.dma_semaphore, #tpu.memory_space<semaphore_mem>>
        %dma_start3A_133 = arith.constant 0 : i32
        %dma_start3A_134 = tpu.memref_slice %arg15[%mul3A_132, %dma_start3A_133] : memref<5016x256xf32, #tpu.memory_space<vmem_shared>> -> memref<312x256xf32, #tpu.memory_space<vmem_shared>>
        %dma_start3A_135 = arith.constant 0 : i32
        %dma_start3A_136 = arith.constant 0 : i32
        %dma_start3A_137 = tpu.memref_slice %arg5[%dma_start3A_135, %dma_start3A_136] : memref<320x256xf32, #tpu.memory_space<hbm>> -> memref<312x256xf32, #tpu.memory_space<hbm>>
        tpu.enqueue_dma source(%dma_start3A_137 : memref<312x256xf32, #tpu.memory_space<hbm>>) target(%dma_start3A_134 : memref<312x256xf32, #tpu.memory_space<vmem_shared>>) target_semaphore(%run_scoped3A : memref<!tpu.dma_semaphore, #tpu.memory_space<semaphore_mem>>)
        %dma_wait3A_138 = arith.constant 0 : i32
        %dma_wait3A_139 = tpu.memref_slice %arg15[%mul3A_132, %dma_wait3A_138] : memref<5016x256xf32, #tpu.memory_space<vmem_shared>> -> memref<312x256xf32, #tpu.memory_space<vmem_shared>>
        %dma_wait3A_140 = arith.constant 0 : i32
        %dma_wait3A_141 = arith.constant 0 : i32
        %dma_wait3A_142 = tpu.memref_slice %arg5[%dma_wait3A_140, %dma_wait3A_141] : memref<320x256xf32, #tpu.memory_space<hbm>> -> memref<312x256xf32, #tpu.memory_space<hbm>>
        tpu.wait_dma2 semaphore(%run_scoped3A : memref<!tpu.dma_semaphore, #tpu.memory_space<semaphore_mem>>) src(%dma_wait3A_142 : memref<312x256xf32, #tpu.memory_space<hbm>>) dst(%dma_wait3A_139 : memref<312x256xf32, #tpu.memory_space<vmem_shared>>)
        tpu.yield
      }) : () -> ()
    } else {
    }
    %eq3A = arith.constant 15 : i32
    %eq3A_3 = arith.cmpi eq, %arg1, %eq3A : i32
    %convert_element_type3A_4 = arith.extui %eq3A_3 : i1 to i32
    %cond3A_5 = arith.constant 0 : i32
    %cond3A_6 = arith.cmpi ne, %convert_element_type3A_4, %cond3A_5 : i32
    scf.if %cond3A_6 {
      "tpu.region"() ({
        %run_scoped3A = tpu.sem_alloc : memref<!tpu.dma_semaphore, #tpu.memory_space<semaphore_mem>>
        %dma_start3A_131 = arith.constant 4680 : i32
        %dma_start3A_132 = arith.constant 0 : i32
        %dma_start3A_133 = tpu.memref_slice %arg15[%dma_start3A_131, %dma_start3A_132] : memref<5016x256xf32, #tpu.memory_space<vmem_shared>> -> memref<320x256xf32, #tpu.memory_space<vmem_shared>>
        %dma_start3A_134 = arith.constant 0 : i32
        %dma_start3A_135 = arith.constant 0 : i32
        %dma_start3A_136 = tpu.memref_slice %arg5[%dma_start3A_134, %dma_start3A_135] : memref<320x256xf32, #tpu.memory_space<hbm>> -> memref<320x256xf32, #tpu.memory_space<hbm>>
        tpu.enqueue_dma source(%dma_start3A_136 : memref<320x256xf32, #tpu.memory_space<hbm>>) target(%dma_start3A_133 : memref<320x256xf32, #tpu.memory_space<vmem_shared>>) target_semaphore(%run_scoped3A : memref<!tpu.dma_semaphore, #tpu.memory_space<semaphore_mem>>)
        %dma_wait3A_137 = arith.constant 4680 : i32
        %dma_wait3A_138 = arith.constant 0 : i32
        %dma_wait3A_139 = tpu.memref_slice %arg15[%dma_wait3A_137, %dma_wait3A_138] : memref<5016x256xf32, #tpu.memory_space<vmem_shared>> -> memref<320x256xf32, #tpu.memory_space<vmem_shared>>
        %dma_wait3A_140 = arith.constant 0 : i32
        %dma_wait3A_141 = arith.constant 0 : i32
        %dma_wait3A_142 = tpu.memref_slice %arg5[%dma_wait3A_140, %dma_wait3A_141] : memref<320x256xf32, #tpu.memory_space<hbm>> -> memref<320x256xf32, #tpu.memory_space<hbm>>
        tpu.wait_dma2 semaphore(%run_scoped3A : memref<!tpu.dma_semaphore, #tpu.memory_space<semaphore_mem>>) src(%dma_wait3A_142 : memref<320x256xf32, #tpu.memory_space<hbm>>) dst(%dma_wait3A_139 : memref<320x256xf32, #tpu.memory_space<vmem_shared>>)
        tpu.yield
      }) : () -> ()
    } else {
    }
    %barrier3A = arith.constant 0 : index
    tpu.barrier barrier_id(%barrier3A)
    %add3A = arith.constant 5000 : i32
    %add3A_7 = arith.addi %add3A, %arg1 : i32
    %mul3A_8 = arith.constant 20000 : i32
    %mul3A_9 = arith.muli %arg1, %mul3A_8 : i32
    %add3A_10 = arith.constant 0 : i32
    %add3A_11 = arith.addi %mul3A_9, %add3A_10 : i32
    %dma_start3A = tpu.memref_slice %arg3[%add3A_11] : memref<320000xi32, #tpu.memory_space<hbm>> -> memref<80xi32, #tpu.memory_space<hbm>>
    %dma_start3A_12 = tpu.memref_slice %arg3[%add3A_11] : memref<320000xi32, #tpu.memory_space<hbm>> -> memref<80xi32, #tpu.memory_space<hbm>>
    tpu.enqueue_dma source(%dma_start3A_12 : memref<80xi32, #tpu.memory_space<hbm>>) target(%arg7 : memref<80xi32, #tpu.memory_space<vmem>>) target_semaphore(%arg16 : memref<!tpu.dma_semaphore, #tpu.memory_space<semaphore_mem>>)
    %dma_start3A_13 = tpu.memref_slice %arg4[%add3A_11] : memref<320000xi32, #tpu.memory_space<hbm>> -> memref<80xi32, #tpu.memory_space<hbm>>
    %dma_start3A_14 = tpu.memref_slice %arg4[%add3A_11] : memref<320000xi32, #tpu.memory_space<hbm>> -> memref<80xi32, #tpu.memory_space<hbm>>
    tpu.enqueue_dma source(%dma_start3A_14 : memref<80xi32, #tpu.memory_space<hbm>>) target(%arg8 : memref<80xi32, #tpu.memory_space<vmem>>) target_semaphore(%arg16 : memref<!tpu.dma_semaphore, #tpu.memory_space<semaphore_mem>>)
    %add3A_15 = arith.constant 80 : i32
    %add3A_16 = arith.addi %mul3A_9, %add3A_15 : i32
    %dma_start3A_17 = tpu.memref_slice %arg3[%add3A_16] : memref<320000xi32, #tpu.memory_space<hbm>> -> memref<80xi32, #tpu.memory_space<hbm>>
    %dma_start3A_18 = tpu.memref_slice %arg3[%add3A_16] : memref<320000xi32, #tpu.memory_space<hbm>> -> memref<80xi32, #tpu.memory_space<hbm>>
    tpu.enqueue_dma source(%dma_start3A_18 : memref<80xi32, #tpu.memory_space<hbm>>) target(%arg11 : memref<80xi32, #tpu.memory_space<vmem>>) target_semaphore(%arg17 : memref<!tpu.dma_semaphore, #tpu.memory_space<semaphore_mem>>)
    %dma_start3A_19 = tpu.memref_slice %arg4[%add3A_16] : memref<320000xi32, #tpu.memory_space<hbm>> -> memref<80xi32, #tpu.memory_space<hbm>>
    %dma_start3A_20 = tpu.memref_slice %arg4[%add3A_16] : memref<320000xi32, #tpu.memory_space<hbm>> -> memref<80xi32, #tpu.memory_space<hbm>>
    tpu.enqueue_dma source(%dma_start3A_20 : memref<80xi32, #tpu.memory_space<hbm>>) target(%arg12 : memref<80xi32, #tpu.memory_space<vmem>>) target_semaphore(%arg17 : memref<!tpu.dma_semaphore, #tpu.memory_space<semaphore_mem>>)
    %dma_wait3A = tpu.memref_slice %arg3[%mul3A_9] : memref<320000xi32, #tpu.memory_space<hbm>> -> memref<80xi32, #tpu.memory_space<hbm>>
    %dma_wait3A_21 = tpu.memref_slice %arg3[%mul3A_9] : memref<320000xi32, #tpu.memory_space<hbm>> -> memref<80xi32, #tpu.memory_space<hbm>>
    tpu.wait_dma2 semaphore(%arg16 : memref<!tpu.dma_semaphore, #tpu.memory_space<semaphore_mem>>) src(%dma_wait3A_21 : memref<80xi32, #tpu.memory_space<hbm>>) dst(%arg7 : memref<80xi32, #tpu.memory_space<vmem>>)
    %dma_wait3A_22 = tpu.memref_slice %arg4[%mul3A_9] : memref<320000xi32, #tpu.memory_space<hbm>> -> memref<80xi32, #tpu.memory_space<hbm>>
    %dma_wait3A_23 = tpu.memref_slice %arg4[%mul3A_9] : memref<320000xi32, #tpu.memory_space<hbm>> -> memref<80xi32, #tpu.memory_space<hbm>>
    tpu.wait_dma2 semaphore(%arg16 : memref<!tpu.dma_semaphore, #tpu.memory_space<semaphore_mem>>) src(%dma_wait3A_23 : memref<80xi32, #tpu.memory_space<hbm>>) dst(%arg8 : memref<80xi32, #tpu.memory_space<vmem>>)
    %get3A = arith.constant 0 : index
    %get3A_24 = tpu.vector_load %arg8[%get3A] {strides = array<i32>} : memref<80xi32, #tpu.memory_space<vmem>>, vector<16xi32>,
    %get3A_25 = vector.shape_cast %get3A_24 : vector<16xi32> to vector<16xi32>
    %sub3A = vector.broadcast %mul3A_0 : i32 to vector<16xi32>
    %sub3A_26 = arith.subi %get3A_25, %sub3A : vector<16xi32>
    %ge3A = arith.constant 0 : i32
    %ge3A_27 = vector.broadcast %ge3A : i32 to vector<16xi32>
    %ge3A_28 = arith.cmpi sge, %sub3A_26, %ge3A_27 : vector<16xi32>
    %lt3A_29 = arith.constant 5000 : i32
    %lt3A_30 = vector.broadcast %lt3A_29 : i32 to vector<16xi32>
    %lt3A_31 = arith.cmpi slt, %sub3A_26, %lt3A_30 : vector<16xi32>
    %and3A = arith.andi %ge3A_28, %lt3A_31 : vector<16xi1>
    %broadcast_in_dim3A = vector.broadcast %add3A_7 : i32 to vector<16xi32>
    %select_n3A = arith.select %and3A, %sub3A_26, %broadcast_in_dim3A : vector<16xi1>, vector<16xi32>
    %swap3A = arith.constant 0 : index
    %swap3A_32 = tpu.vector_load %arg9[%swap3A] {strides = array<i32>} : memref<80xi32, #tpu.memory_space<vmem>>, vector<16xi32>,
    %swap3A_33 = vector.shape_cast %swap3A_32 : vector<16xi32> to vector<16xi32>
    %swap3A_34 = vector.shape_cast %select_n3A : vector<16xi32> to vector<16xi32>
    tpu.vector_store %arg9[%swap3A], %swap3A_34 {strides = array<i32>} : memref<80xi32, #tpu.memory_space<vmem>>, vector<16xi32>,
    %get3A_35 = arith.constant 16 : index
    %get3A_36 = tpu.vector_load %arg8[%get3A_35] {strides = array<i32>} : memref<80xi32, #tpu.memory_space<vmem>>, vector<16xi32>,
    %get3A_37 = vector.shape_cast %get3A_36 : vector<16xi32> to vector<16xi32>
    %sub3A_38 = vector.broadcast %mul3A_0 : i32 to vector<16xi32>
    %sub3A_39 = arith.subi %get3A_37, %sub3A_38 : vector<16xi32>
    %ge3A_40 = arith.constant 0 : i32
    %ge3A_41 = vector.broadcast %ge3A_40 : i32 to vector<16xi32>
    %ge3A_42 = arith.cmpi sge, %sub3A_39, %ge3A_41 : vector<16xi32>
    %lt3A_43 = arith.constant 5000 : i32
    %lt3A_44 = vector.broadcast %lt3A_43 : i32 to vector<16xi32>
    %lt3A_45 = arith.cmpi slt, %sub3A_39, %lt3A_44 : vector<16xi32>
    %and3A_46 = arith.andi %ge3A_42, %lt3A_45 : vector<16xi1>
    %broadcast_in_dim3A_47 = vector.broadcast %add3A_7 : i32 to vector<16xi32>
    %select_n3A_48 = arith.select %and3A_46, %sub3A_39, %broadcast_in_dim3A_47 : vector<16xi1>, vector<16xi32>
    %swap3A_49 = arith.constant 16 : index
    %swap3A_50 = tpu.vector_load %arg9[%swap3A_49] {strides = array<i32>} : memref<80xi32, #tpu.memory_space<vmem>>, vector<16xi32>,
    %swap3A_51 = vector.shape_cast %swap3A_50 : vector<16xi32> to vector<16xi32>
    %swap3A_52 = vector.shape_cast %select_n3A_48 : vector<16xi32> to vector<16xi32>
    tpu.vector_store %arg9[%swap3A_49], %swap3A_52 {strides = array<i32>} : memref<80xi32, #tpu.memory_space<vmem>>, vector<16xi32>,
    %get3A_53 = arith.constant 32 : index
    %get3A_54 = tpu.vector_load %arg8[%get3A_53] {strides = array<i32>} : memref<80xi32, #tpu.memory_space<vmem>>, vector<16xi32>,
    %get3A_55 = vector.shape_cast %get3A_54 : vector<16xi32> to vector<16xi32>
    %sub3A_56 = vector.broadcast %mul3A_0 : i32 to vector<16xi32>
    %sub3A_57 = arith.subi %get3A_55, %sub3A_56 : vector<16xi32>
    %ge3A_58 = arith.constant 0 : i32
    %ge3A_59 = vector.broadcast %ge3A_58 : i32 to vector<16xi32>
    %ge3A_60 = arith.cmpi sge, %sub3A_57, %ge3A_59 : vector<16xi32>
    %lt3A_61 = arith.constant 5000 : i32
    %lt3A_62 = vector.broadcast %lt3A_61 : i32 to vector<16xi32>
    %lt3A_63 = arith.cmpi slt, %sub3A_57, %lt3A_62 : vector<16xi32>
    %and3A_64 = arith.andi %ge3A_60, %lt3A_63 : vector<16xi1>
    %broadcast_in_dim3A_65 = vector.broadcast %add3A_7 : i32 to vector<16xi32>
    %select_n3A_66 = arith.select %and3A_64, %sub3A_57, %broadcast_in_dim3A_65 : vector<16xi1>, vector<16xi32>
    %swap3A_67 = arith.constant 32 : index
    %swap3A_68 = tpu.vector_load %arg9[%swap3A_67] {strides = array<i32>} : memref<80xi32, #tpu.memory_space<vmem>>, vector<16xi32>,
    %swap3A_69 = vector.shape_cast %swap3A_68 : vector<16xi32> to vector<16xi32>
    %swap3A_70 = vector.shape_cast %select_n3A_66 : vector<16xi32> to vector<16xi32>
    tpu.vector_store %arg9[%swap3A_67], %swap3A_70 {strides = array<i32>} : memref<80xi32, #tpu.memory_space<vmem>>, vector<16xi32>,
    %get3A_71 = arith.constant 48 : index
    %get3A_72 = tpu.vector_load %arg8[%get3A_71] {strides = array<i32>} : memref<80xi32, #tpu.memory_space<vmem>>, vector<16xi32>,
    %get3A_73 = vector.shape_cast %get3A_72 : vector<16xi32> to vector<16xi32>
    %sub3A_74 = vector.broadcast %mul3A_0 : i32 to vector<16xi32>
    %sub3A_75 = arith.subi %get3A_73, %sub3A_74 : vector<16xi32>
    %ge3A_76 = arith.constant 0 : i32
    %ge3A_77 = vector.broadcast %ge3A_76 : i32 to vector<16xi32>
    %ge3A_78 = arith.cmpi sge, %sub3A_75, %ge3A_77 : vector<16xi32>
    %lt3A_79 = arith.constant 5000 : i32
    %lt3A_80 = vector.broadcast %lt3A_79 : i32 to vector<16xi32>
    %lt3A_81 = arith.cmpi slt, %sub3A_75, %lt3A_80 : vector<16xi32>
    %and3A_82 = arith.andi %ge3A_78, %lt3A_81 : vector<16xi1>
    %broadcast_in_dim3A_83 = vector.broadcast %add3A_7 : i32 to vector<16xi32>
    %select_n3A_84 = arith.select %and3A_82, %sub3A_75, %broadcast_in_dim3A_83 : vector<16xi1>, vector<16xi32>
    %swap3A_85 = arith.constant 48 : index
    %swap3A_86 = tpu.vector_load %arg9[%swap3A_85] {strides = array<i32>} : memref<80xi32, #tpu.memory_space<vmem>>, vector<16xi32>,
    %swap3A_87 = vector.shape_cast %swap3A_86 : vector<16xi32> to vector<16xi32>
    %swap3A_88 = vector.shape_cast %select_n3A_84 : vector<16xi32> to vector<16xi32>
    tpu.vector_store %arg9[%swap3A_85], %swap3A_88 {strides = array<i32>} : memref<80xi32, #tpu.memory_space<vmem>>, vector<16xi32>,
    %get3A_89 = arith.constant 64 : index
    %get3A_90 = tpu.vector_load %arg8[%get3A_89] {strides = array<i32>} : memref<80xi32, #tpu.memory_space<vmem>>, vector<16xi32>,
    %get3A_91 = vector.shape_cast %get3A_90 : vector<16xi32> to vector<16xi32>
    %sub3A_92 = vector.broadcast %mul3A_0 : i32 to vector<16xi32>
    %sub3A_93 = arith.subi %get3A_91, %sub3A_92 : vector<16xi32>
    %ge3A_94 = arith.constant 0 : i32
    %ge3A_95 = vector.broadcast %ge3A_94 : i32 to vector<16xi32>
    %ge3A_96 = arith.cmpi sge, %sub3A_93, %ge3A_95 : vector<16xi32>
    %lt3A_97 = arith.constant 5000 : i32
    %lt3A_98 = vector.broadcast %lt3A_97 : i32 to vector<16xi32>
    %lt3A_99 = arith.cmpi slt, %sub3A_93, %lt3A_98 : vector<16xi32>
    %and3A_100 = arith.andi %ge3A_96, %lt3A_99 : vector<16xi1>
    %broadcast_in_dim3A_101 = vector.broadcast %add3A_7 : i32 to vector<16xi32>
    %select_n3A_102 = arith.select %and3A_100, %sub3A_93, %broadcast_in_dim3A_101 : vector<16xi1>, vector<16xi32>
    %swap3A_103 = arith.constant 64 : index
    %swap3A_104 = tpu.vector_load %arg9[%swap3A_103] {strides = array<i32>} : memref<80xi32, #tpu.memory_space<vmem>>, vector<16xi32>,
    %swap3A_105 = vector.shape_cast %swap3A_104 : vector<16xi32> to vector<16xi32>
    %swap3A_106 = vector.shape_cast %select_n3A_102 : vector<16xi32> to vector<16xi32>
    tpu.vector_store %arg9[%swap3A_103], %swap3A_106 {strides = array<i32>} : memref<80xi32, #tpu.memory_space<vmem>>, vector<16xi32>,
    %dma_start3A_107 = arith.constant 0 : i32
    %dma_start3A_108 = arith.constant 0 : i32
    %dma_start3A_109 = tpu.memref_slice %arg2[%dma_start3A_107, %dma_start3A_108] : memref<10000x256xf32, #tpu.memory_space<hbm>> -> memref<10000x256xf32, #tpu.memory_space<hbm>>
    tpu.enqueue_indirect_dma source(%dma_start3A_109 : memref<10000x256xf32, #tpu.memory_space<hbm>>) target(%arg10 : memref<80x256xf32, #tpu.memory_space<vmem>>) offsets(%arg7 : memref<80xi32, #tpu.memory_space<vmem>>) semaphore(%arg18 : memref<!tpu.dma_semaphore, #tpu.memory_space<semaphore_mem>>)
    %scan3A = arith.constant 0 : i32
    %scan3A_110 = arith.constant 125 : i32
    %scan3A_111 = arith.addi %scan3A, %scan3A_110 : i32
    %scan3A_112 = arith.constant 1 : i32
    scf.for %scan3A_131 = %scan3A to %scan3A_111 step %scan3A_112  : i32 {
      %mul3A_132 = arith.constant 1 : i32
      %mul3A_133 = arith.muli %scan3A_131, %mul3A_132 : i32
      %add3A_134 = arith.constant 0 : i32
      %add3A_135 = arith.addi %add3A_134, %mul3A_133 : i32
      %dma_wait3A_136 = arith.constant 0 : i32
      %dma_wait3A_137 = arith.constant 0 : i32
      %dma_wait3A_138 = tpu.memref_slice %arg2[%dma_wait3A_136, %dma_wait3A_137] : memref<10000x256xf32, #tpu.memory_space<hbm>> -> memref<10000x256xf32, #tpu.memory_space<hbm>>
      tpu.wait_indirect_dma semaphore(%arg18 : memref<!tpu.dma_semaphore, #tpu.memory_space<semaphore_mem>>) src(%dma_wait3A_138 : memref<10000x256xf32, #tpu.memory_space<hbm>>) dst(%arg10 : memref<80x256xf32, #tpu.memory_space<vmem>>)
      %dma_start3A_139 = arith.constant 0 : i32
      %dma_start3A_140 = arith.constant 0 : i32
      %dma_start3A_141 = tpu.memref_slice %arg15[%dma_start3A_139, %dma_start3A_140] : memref<5016x256xf32, #tpu.memory_space<vmem_shared>> -> memref<5016x256xf32, #tpu.memory_space<vmem_shared>>
      tpu.enqueue_indirect_dma source(%arg10 : memref<80x256xf32, #tpu.memory_space<vmem>>) target(%dma_start3A_141 : memref<5016x256xf32, #tpu.memory_space<vmem_shared>>) offsets(%arg9 : memref<80xi32, #tpu.memory_space<vmem>>) semaphore(%arg20 : memref<!tpu.dma_semaphore, #tpu.memory_space<semaphore_mem>>) {add = true}
      %add3A_142 = arith.constant 1 : i32
      %add3A_143 = arith.addi %add3A_135, %add3A_142 : i32
      %lt3A_144 = arith.constant 125 : i32
      %lt3A_145 = arith.cmpi slt, %add3A_143, %lt3A_144 : i32
      %convert_element_type3A_146 = arith.extui %lt3A_145 : i1 to i32
      %cond3A_147 = arith.constant 0 : i32
      %cond3A_148 = arith.cmpi ne, %convert_element_type3A_146, %cond3A_147 : i32
      scf.if %cond3A_148 {
        %mul3A_263 = arith.constant 2 : i32
        %mul3A_264 = arith.muli %mul3A_263, %add3A_135 : i32
        %add3A_265 = arith.constant 2 : i32
        %add3A_266 = arith.addi %mul3A_264, %add3A_265 : i32
        %mul3A_267 = arith.constant 80 : i32
        %mul3A_268 = arith.muli %add3A_266, %mul3A_267 : i32
        %add3A_269 = arith.addi %mul3A_9, %mul3A_268 : i32
        %dma_start3A_270 = tpu.memref_slice %arg3[%add3A_269] : memref<320000xi32, #tpu.memory_space<hbm>> -> memref<80xi32, #tpu.memory_space<hbm>>
        %dma_start3A_271 = tpu.memref_slice %arg3[%add3A_269] : memref<320000xi32, #tpu.memory_space<hbm>> -> memref<80xi32, #tpu.memory_space<hbm>>
        tpu.enqueue_dma source(%dma_start3A_271 : memref<80xi32, #tpu.memory_space<hbm>>) target(%arg7 : memref<80xi32, #tpu.memory_space<vmem>>) target_semaphore(%arg16 : memref<!tpu.dma_semaphore, #tpu.memory_space<semaphore_mem>>)
        %dma_start3A_272 = tpu.memref_slice %arg4[%add3A_269] : memref<320000xi32, #tpu.memory_space<hbm>> -> memref<80xi32, #tpu.memory_space<hbm>>
        %dma_start3A_273 = tpu.memref_slice %arg4[%add3A_269] : memref<320000xi32, #tpu.memory_space<hbm>> -> memref<80xi32, #tpu.memory_space<hbm>>
        tpu.enqueue_dma source(%dma_start3A_273 : memref<80xi32, #tpu.memory_space<hbm>>) target(%arg8 : memref<80xi32, #tpu.memory_space<vmem>>) target_semaphore(%arg16 : memref<!tpu.dma_semaphore, #tpu.memory_space<semaphore_mem>>)
      } else {
      }
      %dma_wait3A_149 = tpu.memref_slice %arg3[%mul3A_9] : memref<320000xi32, #tpu.memory_space<hbm>> -> memref<80xi32, #tpu.memory_space<hbm>>
      %dma_wait3A_150 = tpu.memref_slice %arg3[%mul3A_9] : memref<320000xi32, #tpu.memory_space<hbm>> -> memref<80xi32, #tpu.memory_space<hbm>>
      tpu.wait_dma2 semaphore(%arg17 : memref<!tpu.dma_semaphore, #tpu.memory_space<semaphore_mem>>) src(%dma_wait3A_150 : memref<80xi32, #tpu.memory_space<hbm>>) dst(%arg11 : memref<80xi32, #tpu.memory_space<vmem>>)
      %dma_wait3A_151 = tpu.memref_slice %arg4[%mul3A_9] : memref<320000xi32, #tpu.memory_space<hbm>> -> memref<80xi32, #tpu.memory_space<hbm>>
      %dma_wait3A_152 = tpu.memref_slice %arg4[%mul3A_9] : memref<320000xi32, #tpu.memory_space<hbm>> -> memref<80xi32, #tpu.memory_space<hbm>>
      tpu.wait_dma2 semaphore(%arg17 : memref<!tpu.dma_semaphore, #tpu.memory_space<semaphore_mem>>) src(%dma_wait3A_152 : memref<80xi32, #tpu.memory_space<hbm>>) dst(%arg12 : memref<80xi32, #tpu.memory_space<vmem>>)
      %gt3A = arith.constant 0 : i32
      %gt3A_153 = arith.cmpi sgt, %add3A_135, %gt3A : i32
      %convert_element_type3A_154 = arith.extui %gt3A_153 : i1 to i32
      %cond3A_155 = arith.constant 0 : i32
      %cond3A_156 = arith.cmpi ne, %convert_element_type3A_154, %cond3A_155 : i32
      scf.if %cond3A_156 {
        %dma_wait3A_263 = arith.constant 0 : i32
        %dma_wait3A_264 = arith.constant 0 : i32
        %dma_wait3A_265 = tpu.memref_slice %arg15[%dma_wait3A_263, %dma_wait3A_264] : memref<5016x256xf32, #tpu.memory_space<vmem_shared>> -> memref<5016x256xf32, #tpu.memory_space<vmem_shared>>
        tpu.wait_indirect_dma semaphore(%arg21 : memref<!tpu.dma_semaphore, #tpu.memory_space<semaphore_mem>>) src(%arg14 : memref<80x256xf32, #tpu.memory_space<vmem>>) dst(%dma_wait3A_265 : memref<5016x256xf32, #tpu.memory_space<vmem_shared>>)
      } else {
      }
      %get3A_157 = arith.constant 0 : index
      %get3A_158 = tpu.vector_load %arg12[%get3A_157] {strides = array<i32>} : memref<80xi32, #tpu.memory_space<vmem>>, vector<16xi32>,
      %get3A_159 = vector.shape_cast %get3A_158 : vector<16xi32> to vector<16xi32>
      %sub3A_160 = vector.broadcast %mul3A_0 : i32 to vector<16xi32>
      %sub3A_161 = arith.subi %get3A_159, %sub3A_160 : vector<16xi32>
      %ge3A_162 = arith.constant 0 : i32
      %ge3A_163 = vector.broadcast %ge3A_162 : i32 to vector<16xi32>
      %ge3A_164 = arith.cmpi sge, %sub3A_161, %ge3A_163 : vector<16xi32>
      %lt3A_165 = arith.constant 5000 : i32
      %lt3A_166 = vector.broadcast %lt3A_165 : i32 to vector<16xi32>
      %lt3A_167 = arith.cmpi slt, %sub3A_161, %lt3A_166 : vector<16xi32>
      %and3A_168 = arith.andi %ge3A_164, %lt3A_167 : vector<16xi1>
      %broadcast_in_dim3A_169 = vector.broadcast %add3A_7 : i32 to vector<16xi32>
      %select_n3A_170 = arith.select %and3A_168, %sub3A_161, %broadcast_in_dim3A_169 : vector<16xi1>, vector<16xi32>
      %swap3A_171 = arith.constant 0 : index
      %swap3A_172 = tpu.vector_load %arg13[%swap3A_171] {strides = array<i32>} : memref<80xi32, #tpu.memory_space<vmem>>, vector<16xi32>,
      %swap3A_173 = vector.shape_cast %swap3A_172 : vector<16xi32> to vector<16xi32>
      %swap3A_174 = vector.shape_cast %select_n3A_170 : vector<16xi32> to vector<16xi32>
      tpu.vector_store %arg13[%swap3A_171], %swap3A_174 {strides = array<i32>} : memref<80xi32, #tpu.memory_space<vmem>>, vector<16xi32>,
      %get3A_175 = arith.constant 16 : index
      %get3A_176 = tpu.vector_load %arg12[%get3A_175] {strides = array<i32>} : memref<80xi32, #tpu.memory_space<vmem>>, vector<16xi32>,
      %get3A_177 = vector.shape_cast %get3A_176 : vector<16xi32> to vector<16xi32>
      %sub3A_178 = vector.broadcast %mul3A_0 : i32 to vector<16xi32>
      %sub3A_179 = arith.subi %get3A_177, %sub3A_178 : vector<16xi32>
      %ge3A_180 = arith.constant 0 : i32
      %ge3A_181 = vector.broadcast %ge3A_180 : i32 to vector<16xi32>
      %ge3A_182 = arith.cmpi sge, %sub3A_179, %ge3A_181 : vector<16xi32>
      %lt3A_183 = arith.constant 5000 : i32
      %lt3A_184 = vector.broadcast %lt3A_183 : i32 to vector<16xi32>
      %lt3A_185 = arith.cmpi slt, %sub3A_179, %lt3A_184 : vector<16xi32>
      %and3A_186 = arith.andi %ge3A_182, %lt3A_185 : vector<16xi1>
      %broadcast_in_dim3A_187 = vector.broadcast %add3A_7 : i32 to vector<16xi32>
      %select_n3A_188 = arith.select %and3A_186, %sub3A_179, %broadcast_in_dim3A_187 : vector<16xi1>, vector<16xi32>
      %swap3A_189 = arith.constant 16 : index
      %swap3A_190 = tpu.vector_load %arg13[%swap3A_189] {strides = array<i32>} : memref<80xi32, #tpu.memory_space<vmem>>, vector<16xi32>,
      %swap3A_191 = vector.shape_cast %swap3A_190 : vector<16xi32> to vector<16xi32>
      %swap3A_192 = vector.shape_cast %select_n3A_188 : vector<16xi32> to vector<16xi32>
      tpu.vector_store %arg13[%swap3A_189], %swap3A_192 {strides = array<i32>} : memref<80xi32, #tpu.memory_space<vmem>>, vector<16xi32>,
      %get3A_193 = arith.constant 32 : index
      %get3A_194 = tpu.vector_load %arg12[%get3A_193] {strides = array<i32>} : memref<80xi32, #tpu.memory_space<vmem>>, vector<16xi32>,
      %get3A_195 = vector.shape_cast %get3A_194 : vector<16xi32> to vector<16xi32>
      %sub3A_196 = vector.broadcast %mul3A_0 : i32 to vector<16xi32>
      %sub3A_197 = arith.subi %get3A_195, %sub3A_196 : vector<16xi32>
      %ge3A_198 = arith.constant 0 : i32
      %ge3A_199 = vector.broadcast %ge3A_198 : i32 to vector<16xi32>
      %ge3A_200 = arith.cmpi sge, %sub3A_197, %ge3A_199 : vector<16xi32>
      %lt3A_201 = arith.constant 5000 : i32
      %lt3A_202 = vector.broadcast %lt3A_201 : i32 to vector<16xi32>
      %lt3A_203 = arith.cmpi slt, %sub3A_197, %lt3A_202 : vector<16xi32>
      %and3A_204 = arith.andi %ge3A_200, %lt3A_203 : vector<16xi1>
      %broadcast_in_dim3A_205 = vector.broadcast %add3A_7 : i32 to vector<16xi32>
      %select_n3A_206 = arith.select %and3A_204, %sub3A_197, %broadcast_in_dim3A_205 : vector<16xi1>, vector<16xi32>
      %swap3A_207 = arith.constant 32 : index
      %swap3A_208 = tpu.vector_load %arg13[%swap3A_207] {strides = array<i32>} : memref<80xi32, #tpu.memory_space<vmem>>, vector<16xi32>,
      %swap3A_209 = vector.shape_cast %swap3A_208 : vector<16xi32> to vector<16xi32>
      %swap3A_210 = vector.shape_cast %select_n3A_206 : vector<16xi32> to vector<16xi32>
      tpu.vector_store %arg13[%swap3A_207], %swap3A_210 {strides = array<i32>} : memref<80xi32, #tpu.memory_space<vmem>>, vector<16xi32>,
      %get3A_211 = arith.constant 48 : index
      %get3A_212 = tpu.vector_load %arg12[%get3A_211] {strides = array<i32>} : memref<80xi32, #tpu.memory_space<vmem>>, vector<16xi32>,
      %get3A_213 = vector.shape_cast %get3A_212 : vector<16xi32> to vector<16xi32>
      %sub3A_214 = vector.broadcast %mul3A_0 : i32 to vector<16xi32>
      %sub3A_215 = arith.subi %get3A_213, %sub3A_214 : vector<16xi32>
      %ge3A_216 = arith.constant 0 : i32
      %ge3A_217 = vector.broadcast %ge3A_216 : i32 to vector<16xi32>
      %ge3A_218 = arith.cmpi sge, %sub3A_215, %ge3A_217 : vector<16xi32>
      %lt3A_219 = arith.constant 5000 : i32
      %lt3A_220 = vector.broadcast %lt3A_219 : i32 to vector<16xi32>
      %lt3A_221 = arith.cmpi slt, %sub3A_215, %lt3A_220 : vector<16xi32>
      %and3A_222 = arith.andi %ge3A_218, %lt3A_221 : vector<16xi1>
      %broadcast_in_dim3A_223 = vector.broadcast %add3A_7 : i32 to vector<16xi32>
      %select_n3A_224 = arith.select %and3A_222, %sub3A_215, %broadcast_in_dim3A_223 : vector<16xi1>, vector<16xi32>
      %swap3A_225 = arith.constant 48 : index
      %swap3A_226 = tpu.vector_load %arg13[%swap3A_225] {strides = array<i32>} : memref<80xi32, #tpu.memory_space<vmem>>, vector<16xi32>,
      %swap3A_227 = vector.shape_cast %swap3A_226 : vector<16xi32> to vector<16xi32>
      %swap3A_228 = vector.shape_cast %select_n3A_224 : vector<16xi32> to vector<16xi32>
      tpu.vector_store %arg13[%swap3A_225], %swap3A_228 {strides = array<i32>} : memref<80xi32, #tpu.memory_space<vmem>>, vector<16xi32>,
      %get3A_229 = arith.constant 64 : index
      %get3A_230 = tpu.vector_load %arg12[%get3A_229] {strides = array<i32>} : memref<80xi32, #tpu.memory_space<vmem>>, vector<16xi32>,
      %get3A_231 = vector.shape_cast %get3A_230 : vector<16xi32> to vector<16xi32>
      %sub3A_232 = vector.broadcast %mul3A_0 : i32 to vector<16xi32>
      %sub3A_233 = arith.subi %get3A_231, %sub3A_232 : vector<16xi32>
      %ge3A_234 = arith.constant 0 : i32
      %ge3A_235 = vector.broadcast %ge3A_234 : i32 to vector<16xi32>
      %ge3A_236 = arith.cmpi sge, %sub3A_233, %ge3A_235 : vector<16xi32>
      %lt3A_237 = arith.constant 5000 : i32
      %lt3A_238 = vector.broadcast %lt3A_237 : i32 to vector<16xi32>
      %lt3A_239 = arith.cmpi slt, %sub3A_233, %lt3A_238 : vector<16xi32>
      %and3A_240 = arith.andi %ge3A_236, %lt3A_239 : vector<16xi1>
      %broadcast_in_dim3A_241 = vector.broadcast %add3A_7 : i32 to vector<16xi32>
      %select_n3A_242 = arith.select %and3A_240, %sub3A_233, %broadcast_in_dim3A_241 : vector<16xi1>, vector<16xi32>
      %swap3A_243 = arith.constant 64 : index
      %swap3A_244 = tpu.vector_load %arg13[%swap3A_243] {strides = array<i32>} : memref<80xi32, #tpu.memory_space<vmem>>, vector<16xi32>,
      %swap3A_245 = vector.shape_cast %swap3A_244 : vector<16xi32> to vector<16xi32>
      %swap3A_246 = vector.shape_cast %select_n3A_242 : vector<16xi32> to vector<16xi32>
      tpu.vector_store %arg13[%swap3A_243], %swap3A_246 {strides = array<i32>} : memref<80xi32, #tpu.memory_space<vmem>>, vector<16xi32>,
      %dma_start3A_247 = arith.constant 0 : i32
      %dma_start3A_248 = arith.constant 0 : i32
      %dma_start3A_249 = tpu.memref_slice %arg2[%dma_start3A_247, %dma_start3A_248] : memref<10000x256xf32, #tpu.memory_space<hbm>> -> memref<10000x256xf32, #tpu.memory_space<hbm>>
      tpu.enqueue_indirect_dma source(%dma_start3A_249 : memref<10000x256xf32, #tpu.memory_space<hbm>>) target(%arg14 : memref<80x256xf32, #tpu.memory_space<vmem>>) offsets(%arg11 : memref<80xi32, #tpu.memory_space<vmem>>) semaphore(%arg19 : memref<!tpu.dma_semaphore, #tpu.memory_space<semaphore_mem>>)
      %dma_wait3A_250 = arith.constant 0 : i32
      %dma_wait3A_251 = arith.constant 0 : i32
      %dma_wait3A_252 = tpu.memref_slice %arg2[%dma_wait3A_250, %dma_wait3A_251] : memref<10000x256xf32, #tpu.memory_space<hbm>> -> memref<10000x256xf32, #tpu.memory_space<hbm>>
      tpu.wait_indirect_dma semaphore(%arg19 : memref<!tpu.dma_semaphore, #tpu.memory_space<semaphore_mem>>) src(%dma_wait3A_252 : memref<10000x256xf32, #tpu.memory_space<hbm>>) dst(%arg14 : memref<80x256xf32, #tpu.memory_space<vmem>>)
      %dma_start3A_253 = arith.constant 0 : i32
      %dma_start3A_254 = arith.constant 0 : i32
      %dma_start3A_255 = tpu.memref_slice %arg15[%dma_start3A_253, %dma_start3A_254] : memref<5016x256xf32, #tpu.memory_space<vmem_shared>> -> memref<5016x256xf32, #tpu.memory_space<vmem_shared>>
      tpu.enqueue_indirect_dma source(%arg14 : memref<80x256xf32, #tpu.memory_space<vmem>>) target(%dma_start3A_255 : memref<5016x256xf32, #tpu.memory_space<vmem_shared>>) offsets(%arg13 : memref<80xi32, #tpu.memory_space<vmem>>) semaphore(%arg21 : memref<!tpu.dma_semaphore, #tpu.memory_space<semaphore_mem>>) {add = true}
      %add3A_256 = arith.constant 1 : i32
      %add3A_257 = arith.addi %add3A_135, %add3A_256 : i32
      %lt3A_258 = arith.constant 125 : i32
      %lt3A_259 = arith.cmpi slt, %add3A_257, %lt3A_258 : i32
      %convert_element_type3A_260 = arith.extui %lt3A_259 : i1 to i32
      %cond3A_261 = arith.constant 0 : i32
      %cond3A_262 = arith.cmpi ne, %convert_element_type3A_260, %cond3A_261 : i32
      scf.if %cond3A_262 {
        %mul3A_263 = arith.constant 2 : i32
        %mul3A_264 = arith.muli %mul3A_263, %add3A_135 : i32
        %add3A_265 = arith.constant 3 : i32
        %add3A_266 = arith.addi %mul3A_264, %add3A_265 : i32
        %mul3A_267 = arith.constant 80 : i32
        %mul3A_268 = arith.muli %add3A_266, %mul3A_267 : i32
        %add3A_269 = arith.addi %mul3A_9, %mul3A_268 : i32
        %dma_start3A_270 = tpu.memref_slice %arg3[%add3A_269] : memref<320000xi32, #tpu.memory_space<hbm>> -> memref<80xi32, #tpu.memory_space<hbm>>
        %dma_start3A_271 = tpu.memref_slice %arg3[%add3A_269] : memref<320000xi32, #tpu.memory_space<hbm>> -> memref<80xi32, #tpu.memory_space<hbm>>
        tpu.enqueue_dma source(%dma_start3A_271 : memref<80xi32, #tpu.memory_space<hbm>>) target(%arg11 : memref<80xi32, #tpu.memory_space<vmem>>) target_semaphore(%arg17 : memref<!tpu.dma_semaphore, #tpu.memory_space<semaphore_mem>>)
        %dma_start3A_272 = tpu.memref_slice %arg4[%add3A_269] : memref<320000xi32, #tpu.memory_space<hbm>> -> memref<80xi32, #tpu.memory_space<hbm>>
        %dma_start3A_273 = tpu.memref_slice %arg4[%add3A_269] : memref<320000xi32, #tpu.memory_space<hbm>> -> memref<80xi32, #tpu.memory_space<hbm>>
        tpu.enqueue_dma source(%dma_start3A_273 : memref<80xi32, #tpu.memory_space<hbm>>) target(%arg12 : memref<80xi32, #tpu.memory_space<vmem>>) target_semaphore(%arg17 : memref<!tpu.dma_semaphore, #tpu.memory_space<semaphore_mem>>)
        %dma_wait3A_274 = tpu.memref_slice %arg3[%mul3A_9] : memref<320000xi32, #tpu.memory_space<hbm>> -> memref<80xi32, #tpu.memory_space<hbm>>
        %dma_wait3A_275 = tpu.memref_slice %arg3[%mul3A_9] : memref<320000xi32, #tpu.memory_space<hbm>> -> memref<80xi32, #tpu.memory_space<hbm>>
        tpu.wait_dma2 semaphore(%arg16 : memref<!tpu.dma_semaphore, #tpu.memory_space<semaphore_mem>>) src(%dma_wait3A_275 : memref<80xi32, #tpu.memory_space<hbm>>) dst(%arg7 : memref<80xi32, #tpu.memory_space<vmem>>)
        %dma_wait3A_276 = tpu.memref_slice %arg4[%mul3A_9] : memref<320000xi32, #tpu.memory_space<hbm>> -> memref<80xi32, #tpu.memory_space<hbm>>
        %dma_wait3A_277 = tpu.memref_slice %arg4[%mul3A_9] : memref<320000xi32, #tpu.memory_space<hbm>> -> memref<80xi32, #tpu.memory_space<hbm>>
        tpu.wait_dma2 semaphore(%arg16 : memref<!tpu.dma_semaphore, #tpu.memory_space<semaphore_mem>>) src(%dma_wait3A_277 : memref<80xi32, #tpu.memory_space<hbm>>) dst(%arg8 : memref<80xi32, #tpu.memory_space<vmem>>)
        %dma_wait3A_278 = arith.constant 0 : i32
        %dma_wait3A_279 = arith.constant 0 : i32
        %dma_wait3A_280 = tpu.memref_slice %arg15[%dma_wait3A_278, %dma_wait3A_279] : memref<5016x256xf32, #tpu.memory_space<vmem_shared>> -> memref<5016x256xf32, #tpu.memory_space<vmem_shared>>
        tpu.wait_indirect_dma semaphore(%arg20 : memref<!tpu.dma_semaphore, #tpu.memory_space<semaphore_mem>>) src(%arg10 : memref<80x256xf32, #tpu.memory_space<vmem>>) dst(%dma_wait3A_280 : memref<5016x256xf32, #tpu.memory_space<vmem_shared>>)
        %get3A_281 = arith.constant 0 : index
        %get3A_282 = tpu.vector_load %arg8[%get3A_281] {strides = array<i32>} : memref<80xi32, #tpu.memory_space<vmem>>, vector<16xi32>,
        %get3A_283 = vector.shape_cast %get3A_282 : vector<16xi32> to vector<16xi32>
        %sub3A_284 = vector.broadcast %mul3A_0 : i32 to vector<16xi32>
        %sub3A_285 = arith.subi %get3A_283, %sub3A_284 : vector<16xi32>
        %ge3A_286 = arith.constant 0 : i32
        %ge3A_287 = vector.broadcast %ge3A_286 : i32 to vector<16xi32>
        %ge3A_288 = arith.cmpi sge, %sub3A_285, %ge3A_287 : vector<16xi32>
        %lt3A_289 = arith.constant 5000 : i32
        %lt3A_290 = vector.broadcast %lt3A_289 : i32 to vector<16xi32>
        %lt3A_291 = arith.cmpi slt, %sub3A_285, %lt3A_290 : vector<16xi32>
        %and3A_292 = arith.andi %ge3A_288, %lt3A_291 : vector<16xi1>
        %broadcast_in_dim3A_293 = vector.broadcast %add3A_7 : i32 to vector<16xi32>
        %select_n3A_294 = arith.select %and3A_292, %sub3A_285, %broadcast_in_dim3A_293 : vector<16xi1>, vector<16xi32>
        %swap3A_295 = arith.constant 0 : index
        %swap3A_296 = tpu.vector_load %arg9[%swap3A_295] {strides = array<i32>} : memref<80xi32, #tpu.memory_space<vmem>>, vector<16xi32>,
        %swap3A_297 = vector.shape_cast %swap3A_296 : vector<16xi32> to vector<16xi32>
        %swap3A_298 = vector.shape_cast %select_n3A_294 : vector<16xi32> to vector<16xi32>
        tpu.vector_store %arg9[%swap3A_295], %swap3A_298 {strides = array<i32>} : memref<80xi32, #tpu.memory_space<vmem>>, vector<16xi32>,
        %get3A_299 = arith.constant 16 : index
        %get3A_300 = tpu.vector_load %arg8[%get3A_299] {strides = array<i32>} : memref<80xi32, #tpu.memory_space<vmem>>, vector<16xi32>,
        %get3A_301 = vector.shape_cast %get3A_300 : vector<16xi32> to vector<16xi32>
        %sub3A_302 = vector.broadcast %mul3A_0 : i32 to vector<16xi32>
        %sub3A_303 = arith.subi %get3A_301, %sub3A_302 : vector<16xi32>
        %ge3A_304 = arith.constant 0 : i32
        %ge3A_305 = vector.broadcast %ge3A_304 : i32 to vector<16xi32>
        %ge3A_306 = arith.cmpi sge, %sub3A_303, %ge3A_305 : vector<16xi32>
        %lt3A_307 = arith.constant 5000 : i32
        %lt3A_308 = vector.broadcast %lt3A_307 : i32 to vector<16xi32>
        %lt3A_309 = arith.cmpi slt, %sub3A_303, %lt3A_308 : vector<16xi32>
        %and3A_310 = arith.andi %ge3A_306, %lt3A_309 : vector<16xi1>
        %broadcast_in_dim3A_311 = vector.broadcast %add3A_7 : i32 to vector<16xi32>
        %select_n3A_312 = arith.select %and3A_310, %sub3A_303, %broadcast_in_dim3A_311 : vector<16xi1>, vector<16xi32>
        %swap3A_313 = arith.constant 16 : index
        %swap3A_314 = tpu.vector_load %arg9[%swap3A_313] {strides = array<i32>} : memref<80xi32, #tpu.memory_space<vmem>>, vector<16xi32>,
        %swap3A_315 = vector.shape_cast %swap3A_314 : vector<16xi32> to vector<16xi32>
        %swap3A_316 = vector.shape_cast %select_n3A_312 : vector<16xi32> to vector<16xi32>
        tpu.vector_store %arg9[%swap3A_313], %swap3A_316 {strides = array<i32>} : memref<80xi32, #tpu.memory_space<vmem>>, vector<16xi32>,
        %get3A_317 = arith.constant 32 : index
        %get3A_318 = tpu.vector_load %arg8[%get3A_317] {strides = array<i32>} : memref<80xi32, #tpu.memory_space<vmem>>, vector<16xi32>,
        %get3A_319 = vector.shape_cast %get3A_318 : vector<16xi32> to vector<16xi32>
        %sub3A_320 = vector.broadcast %mul3A_0 : i32 to vector<16xi32>
        %sub3A_321 = arith.subi %get3A_319, %sub3A_320 : vector<16xi32>
        %ge3A_322 = arith.constant 0 : i32
        %ge3A_323 = vector.broadcast %ge3A_322 : i32 to vector<16xi32>
        %ge3A_324 = arith.cmpi sge, %sub3A_321, %ge3A_323 : vector<16xi32>
        %lt3A_325 = arith.constant 5000 : i32
        %lt3A_326 = vector.broadcast %lt3A_325 : i32 to vector<16xi32>
        %lt3A_327 = arith.cmpi slt, %sub3A_321, %lt3A_326 : vector<16xi32>
        %and3A_328 = arith.andi %ge3A_324, %lt3A_327 : vector<16xi1>
        %broadcast_in_dim3A_329 = vector.broadcast %add3A_7 : i32 to vector<16xi32>
        %select_n3A_330 = arith.select %and3A_328, %sub3A_321, %broadcast_in_dim3A_329 : vector<16xi1>, vector<16xi32>
        %swap3A_331 = arith.constant 32 : index
        %swap3A_332 = tpu.vector_load %arg9[%swap3A_331] {strides = array<i32>} : memref<80xi32, #tpu.memory_space<vmem>>, vector<16xi32>,
        %swap3A_333 = vector.shape_cast %swap3A_332 : vector<16xi32> to vector<16xi32>
        %swap3A_334 = vector.shape_cast %select_n3A_330 : vector<16xi32> to vector<16xi32>
        tpu.vector_store %arg9[%swap3A_331], %swap3A_334 {strides = array<i32>} : memref<80xi32, #tpu.memory_space<vmem>>, vector<16xi32>,
        %get3A_335 = arith.constant 48 : index
        %get3A_336 = tpu.vector_load %arg8[%get3A_335] {strides = array<i32>} : memref<80xi32, #tpu.memory_space<vmem>>, vector<16xi32>,
        %get3A_337 = vector.shape_cast %get3A_336 : vector<16xi32> to vector<16xi32>
        %sub3A_338 = vector.broadcast %mul3A_0 : i32 to vector<16xi32>
        %sub3A_339 = arith.subi %get3A_337, %sub3A_338 : vector<16xi32>
        %ge3A_340 = arith.constant 0 : i32
        %ge3A_341 = vector.broadcast %ge3A_340 : i32 to vector<16xi32>
        %ge3A_342 = arith.cmpi sge, %sub3A_339, %ge3A_341 : vector<16xi32>
        %lt3A_343 = arith.constant 5000 : i32
        %lt3A_344 = vector.broadcast %lt3A_343 : i32 to vector<16xi32>
        %lt3A_345 = arith.cmpi slt, %sub3A_339, %lt3A_344 : vector<16xi32>
        %and3A_346 = arith.andi %ge3A_342, %lt3A_345 : vector<16xi1>
        %broadcast_in_dim3A_347 = vector.broadcast %add3A_7 : i32 to vector<16xi32>
        %select_n3A_348 = arith.select %and3A_346, %sub3A_339, %broadcast_in_dim3A_347 : vector<16xi1>, vector<16xi32>
        %swap3A_349 = arith.constant 48 : index
        %swap3A_350 = tpu.vector_load %arg9[%swap3A_349] {strides = array<i32>} : memref<80xi32, #tpu.memory_space<vmem>>, vector<16xi32>,
        %swap3A_351 = vector.shape_cast %swap3A_350 : vector<16xi32> to vector<16xi32>
        %swap3A_352 = vector.shape_cast %select_n3A_348 : vector<16xi32> to vector<16xi32>
        tpu.vector_store %arg9[%swap3A_349], %swap3A_352 {strides = array<i32>} : memref<80xi32, #tpu.memory_space<vmem>>, vector<16xi32>,
        %get3A_353 = arith.constant 64 : index
        %get3A_354 = tpu.vector_load %arg8[%get3A_353] {strides = array<i32>} : memref<80xi32, #tpu.memory_space<vmem>>, vector<16xi32>,
        %get3A_355 = vector.shape_cast %get3A_354 : vector<16xi32> to vector<16xi32>
        %sub3A_356 = vector.broadcast %mul3A_0 : i32 to vector<16xi32>
        %sub3A_357 = arith.subi %get3A_355, %sub3A_356 : vector<16xi32>
        %ge3A_358 = arith.constant 0 : i32
        %ge3A_359 = vector.broadcast %ge3A_358 : i32 to vector<16xi32>
        %ge3A_360 = arith.cmpi sge, %sub3A_357, %ge3A_359 : vector<16xi32>
        %lt3A_361 = arith.constant 5000 : i32
        %lt3A_362 = vector.broadcast %lt3A_361 : i32 to vector<16xi32>
        %lt3A_363 = arith.cmpi slt, %sub3A_357, %lt3A_362 : vector<16xi32>
        %and3A_364 = arith.andi %ge3A_360, %lt3A_363 : vector<16xi1>
        %broadcast_in_dim3A_365 = vector.broadcast %add3A_7 : i32 to vector<16xi32>
        %select_n3A_366 = arith.select %and3A_364, %sub3A_357, %broadcast_in_dim3A_365 : vector<16xi1>, vector<16xi32>
        %swap3A_367 = arith.constant 64 : index
        %swap3A_368 = tpu.vector_load %arg9[%swap3A_367] {strides = array<i32>} : memref<80xi32, #tpu.memory_space<vmem>>, vector<16xi32>,
        %swap3A_369 = vector.shape_cast %swap3A_368 : vector<16xi32> to vector<16xi32>
        %swap3A_370 = vector.shape_cast %select_n3A_366 : vector<16xi32> to vector<16xi32>
        tpu.vector_store %arg9[%swap3A_367], %swap3A_370 {strides = array<i32>} : memref<80xi32, #tpu.memory_space<vmem>>, vector<16xi32>,
        %dma_start3A_371 = arith.constant 0 : i32
        %dma_start3A_372 = arith.constant 0 : i32
        %dma_start3A_373 = tpu.memref_slice %arg2[%dma_start3A_371, %dma_start3A_372] : memref<10000x256xf32, #tpu.memory_space<hbm>> -> memref<10000x256xf32, #tpu.memory_space<hbm>>
        tpu.enqueue_indirect_dma source(%dma_start3A_373 : memref<10000x256xf32, #tpu.memory_space<hbm>>) target(%arg10 : memref<80x256xf32, #tpu.memory_space<vmem>>) offsets(%arg7 : memref<80xi32, #tpu.memory_space<vmem>>) semaphore(%arg18 : memref<!tpu.dma_semaphore, #tpu.memory_space<semaphore_mem>>)
      } else {
      }
    }
    %scan3A_113 = arith.constant 125 : i32
    %dma_wait3A_114 = arith.constant 0 : i32
    %dma_wait3A_115 = arith.constant 0 : i32
    %dma_wait3A_116 = tpu.memref_slice %arg15[%dma_wait3A_114, %dma_wait3A_115] : memref<5016x256xf32, #tpu.memory_space<vmem_shared>> -> memref<5016x256xf32, #tpu.memory_space<vmem_shared>>
    tpu.wait_indirect_dma semaphore(%arg20 : memref<!tpu.dma_semaphore, #tpu.memory_space<semaphore_mem>>) src(%arg10 : memref<80x256xf32, #tpu.memory_space<vmem>>) dst(%dma_wait3A_116 : memref<5016x256xf32, #tpu.memory_space<vmem_shared>>)
    %dma_wait3A_117 = arith.constant 0 : i32
    %dma_wait3A_118 = arith.constant 0 : i32
    %dma_wait3A_119 = tpu.memref_slice %arg15[%dma_wait3A_117, %dma_wait3A_118] : memref<5016x256xf32, #tpu.memory_space<vmem_shared>> -> memref<5016x256xf32, #tpu.memory_space<vmem_shared>>
    tpu.wait_indirect_dma semaphore(%arg21 : memref<!tpu.dma_semaphore, #tpu.memory_space<semaphore_mem>>) src(%arg14 : memref<80x256xf32, #tpu.memory_space<vmem>>) dst(%dma_wait3A_119 : memref<5016x256xf32, #tpu.memory_space<vmem_shared>>)
    %barrier3A_120 = arith.constant 0 : index
    tpu.barrier barrier_id(%barrier3A_120)
    %lt3A_121 = arith.constant 15 : i32
    %lt3A_122 = arith.cmpi slt, %arg1, %lt3A_121 : i32
    %convert_element_type3A_123 = arith.extui %lt3A_122 : i1 to i32
    %cond3A_124 = arith.constant 0 : i32
    %cond3A_125 = arith.cmpi ne, %convert_element_type3A_123, %cond3A_124 : i32
    scf.if %cond3A_125 {
      %mul3A_131 = arith.constant 312 : i32
      %mul3A_132 = arith.muli %arg1, %mul3A_131 : i32
      %mul3A_133 = arith.constant 312 : i32
      %mul3A_134 = arith.muli %arg1, %mul3A_133 : i32
      %add3A_135 = arith.addi %mul3A_0, %mul3A_134 : i32
      "tpu.region"() ({
        %run_scoped3A = tpu.sem_alloc : memref<!tpu.dma_semaphore, #tpu.memory_space<semaphore_mem>>
        %dma_start3A_136 = arith.constant 0 : i32
        %dma_start3A_137 = tpu.memref_slice %arg6[%add3A_135, %dma_start3A_136] : memref<10000x256xf32, #tpu.memory_space<hbm>> -> memref<312x256xf32, #tpu.memory_space<hbm>>
        %dma_start3A_138 = arith.constant 0 : i32
        %dma_start3A_139 = tpu.memref_slice %arg15[%mul3A_132, %dma_start3A_138] : memref<5016x256xf32, #tpu.memory_space<vmem_shared>> -> memref<312x256xf32, #tpu.memory_space<vmem_shared>>
        tpu.enqueue_dma source(%dma_start3A_139 : memref<312x256xf32, #tpu.memory_space<vmem_shared>>) target(%dma_start3A_137 : memref<312x256xf32, #tpu.memory_space<hbm>>) target_semaphore(%run_scoped3A : memref<!tpu.dma_semaphore, #tpu.memory_space<semaphore_mem>>)
        %dma_wait3A_140 = arith.constant 0 : i32
        %dma_wait3A_141 = tpu.memref_slice %arg6[%add3A_135, %dma_wait3A_140] : memref<10000x256xf32, #tpu.memory_space<hbm>> -> memref<312x256xf32, #tpu.memory_space<hbm>>
        %dma_wait3A_142 = arith.constant 0 : i32
        %dma_wait3A_143 = tpu.memref_slice %arg15[%mul3A_132, %dma_wait3A_142] : memref<5016x256xf32, #tpu.memory_space<vmem_shared>> -> memref<312x256xf32, #tpu.memory_space<vmem_shared>>
        tpu.wait_dma2 semaphore(%run_scoped3A : memref<!tpu.dma_semaphore, #tpu.memory_space<semaphore_mem>>) src(%dma_wait3A_143 : memref<312x256xf32, #tpu.memory_space<vmem_shared>>) dst(%dma_wait3A_141 : memref<312x256xf32, #tpu.memory_space<hbm>>)
        tpu.yield
      }) : () -> ()
    } else {
    }
    %eq3A_126 = arith.constant 15 : i32
    %eq3A_127 = arith.cmpi eq, %arg1, %eq3A_126 : i32
    %convert_element_type3A_128 = arith.extui %eq3A_127 : i1 to i32
    %cond3A_129 = arith.constant 0 : i32
    %cond3A_130 = arith.cmpi ne, %convert_element_type3A_128, %cond3A_129 : i32
    scf.if %cond3A_130 {
      %add3A_131 = arith.constant 4680 : i32
      %add3A_132 = arith.addi %mul3A_0, %add3A_131 : i32
      "tpu.region"() ({
        %run_scoped3A = tpu.sem_alloc : memref<!tpu.dma_semaphore, #tpu.memory_space<semaphore_mem>>
        %dma_start3A_133 = arith.constant 0 : i32
        %dma_start3A_134 = tpu.memref_slice %arg6[%add3A_132, %dma_start3A_133] : memref<10000x256xf32, #tpu.memory_space<hbm>> -> memref<320x256xf32, #tpu.memory_space<hbm>>
        %dma_start3A_135 = arith.constant 4680 : i32
        %dma_start3A_136 = arith.constant 0 : i32
        %dma_start3A_137 = tpu.memref_slice %arg15[%dma_start3A_135, %dma_start3A_136] : memref<5016x256xf32, #tpu.memory_space<vmem_shared>> -> memref<320x256xf32, #tpu.memory_space<vmem_shared>>
        tpu.enqueue_dma source(%dma_start3A_137 : memref<320x256xf32, #tpu.memory_space<vmem_shared>>) target(%dma_start3A_134 : memref<320x256xf32, #tpu.memory_space<hbm>>) target_semaphore(%run_scoped3A : memref<!tpu.dma_semaphore, #tpu.memory_space<semaphore_mem>>)
        %dma_wait3A_138 = arith.constant 0 : i32
        %dma_wait3A_139 = tpu.memref_slice %arg6[%add3A_132, %dma_wait3A_138] : memref<10000x256xf32, #tpu.memory_space<hbm>> -> memref<320x256xf32, #tpu.memory_space<hbm>>
        %dma_wait3A_140 = arith.constant 4680 : i32
        %dma_wait3A_141 = arith.constant 0 : i32
        %dma_wait3A_142 = tpu.memref_slice %arg15[%dma_wait3A_140, %dma_wait3A_141] : memref<5016x256xf32, #tpu.memory_space<vmem_shared>> -> memref<320x256xf32, #tpu.memory_space<vmem_shared>>
        tpu.wait_dma2 semaphore(%run_scoped3A : memref<!tpu.dma_semaphore, #tpu.memory_space<semaphore_mem>>) src(%dma_wait3A_142 : memref<320x256xf32, #tpu.memory_space<vmem_shared>>) dst(%dma_wait3A_139 : memref<320x256xf32, #tpu.memory_space<hbm>>)
        tpu.yield
      }) : () -> ()
    } else {
    }
    return
  }
}

module attributes {stable_mosaic.version = 14 : i64} {
  func.func @_pre_body(%arg0: memref<10000x128xf32, #tpu.memory_space<vmem>>, %arg1: memref<128x256xf32, #tpu.memory_space<vmem>>, %arg2: memref<1x256xf32, #tpu.memory_space<vmem>>, %arg3: memref<10000x256xf32, #tpu.memory_space<vmem>>) attributes {dimension_semantics = [], scalar_prefetch = 0 : i64, scratch_operands = 0 : i64, tpu.core_type = #tpu.core_type<tc>} {
    %get3A = arith.constant 0 : index
    %get3A_0 = arith.constant 0 : index
    %get3A_1 = vector.load %arg0[%get3A, %get3A_0] : memref<10000x128xf32, #tpu.memory_space<vmem>>, vector<10000x128xf32>
    %get3A_2 = arith.constant 0 : index
    %get3A_3 = arith.constant 0 : index
    %get3A_4 = vector.load %arg1[%get3A_2, %get3A_3] : memref<128x256xf32, #tpu.memory_space<vmem>>, vector<128x256xf32>
    %dot_general3A = arith.constant dense<0.000000e+00> : vector<10000x256xf32>
    %dot_general3A_5 = tpu.matmul %get3A_1, %get3A_4, %dot_general3A {dimension_numbers = #tpu.dot_dimension_numbers<[1], [0], [0], [1], [0, 0, 1, 1], [], []>, transpose_lhs_hint = false} : vector<10000x128xf32>, vector<128x256xf32>, vector<10000x256xf32> -> vector<10000x256xf32>
    %get3A_6 = arith.constant 0 : index
    %get3A_7 = arith.constant 0 : index
    %get3A_8 = vector.load %arg2[%get3A_6, %get3A_7] : memref<1x256xf32, #tpu.memory_space<vmem>>, vector<1x256xf32>
    %add3A = vector.broadcast %get3A_8 : vector<1x256xf32> to vector<10000x256xf32>
    %add3A_9 = arith.addf %dot_general3A_5, %add3A : vector<10000x256xf32>
    %swap3A = arith.constant 0 : index
    %swap3A_10 = arith.constant 0 : index
    %swap3A_11 = vector.load %arg3[%swap3A, %swap3A_10] : memref<10000x256xf32, #tpu.memory_space<vmem>>, vector<10000x256xf32>
    tpu.vector_store %arg3[%swap3A, %swap3A_10], %add3A_9 {strides = array<i32>} : memref<10000x256xf32, #tpu.memory_space<vmem>>, vector<10000x256xf32>,
    return
  }
}

module attributes {stable_mosaic.version = 14 : i64} {
  func.func @_layer_body(%arg0: memref<10000x256xf32, #tpu.memory_space<vmem>>, %arg1: memref<10000x256xf32, #tpu.memory_space<vmem>>, %arg2: memref<256x256xf32, #tpu.memory_space<vmem>>, %arg3: memref<1x256xf32, #tpu.memory_space<vmem>>, %arg4: memref<256x256xf32, #tpu.memory_space<vmem>>, %arg5: memref<1x256xf32, #tpu.memory_space<vmem>>, %arg6: memref<1x256xf32, #tpu.memory_space<vmem>>, %arg7: memref<1x256xf32, #tpu.memory_space<vmem>>, %arg8: memref<1x10000xi32, #tpu.memory_space<vmem>>, %arg9: memref<10000x256xf32, #tpu.memory_space<vmem>>, %arg10: memref<64x256xf32, #tpu.memory_space<vmem>>) attributes {dimension_semantics = [], scalar_prefetch = 0 : i64, scratch_operands = 0 : i64, tpu.core_type = #tpu.core_type<tc>} {
    %get3A = arith.constant 0 : index
    %get3A_0 = arith.constant 0 : index
    %get3A_1 = vector.load %arg0[%get3A, %get3A_0] : memref<10000x256xf32, #tpu.memory_space<vmem>>, vector<10000x256xf32>
    %get3A_2 = arith.constant 0 : index
    %get3A_3 = arith.constant 0 : index
    %get3A_4 = vector.load %arg1[%get3A_2, %get3A_3] : memref<10000x256xf32, #tpu.memory_space<vmem>>, vector<10000x256xf32>
    %add3A = arith.addf %get3A_1, %get3A_4 : vector<10000x256xf32>
    %get3A_5 = arith.constant 0 : index
    %get3A_6 = arith.constant 0 : index
    %get3A_7 = vector.load %arg2[%get3A_5, %get3A_6] : memref<256x256xf32, #tpu.memory_space<vmem>>, vector<256x256xf32>
    %dot_general3A = arith.constant dense<0.000000e+00> : vector<10000x256xf32>
    %dot_general3A_8 = tpu.matmul %add3A, %get3A_7, %dot_general3A {dimension_numbers = #tpu.dot_dimension_numbers<[1], [0], [0], [1], [0, 0, 1, 1], [], []>, transpose_lhs_hint = false} : vector<10000x256xf32>, vector<256x256xf32>, vector<10000x256xf32> -> vector<10000x256xf32>
    %get3A_9 = arith.constant 0 : index
    %get3A_10 = arith.constant 0 : index
    %get3A_11 = vector.load %arg3[%get3A_9, %get3A_10] : memref<1x256xf32, #tpu.memory_space<vmem>>, vector<1x256xf32>
    %add3A_12 = vector.broadcast %get3A_11 : vector<1x256xf32> to vector<10000x256xf32>
    %add3A_13 = arith.addf %dot_general3A_8, %add3A_12 : vector<10000x256xf32>
    %gt3A = arith.constant 0.000000e+00 : f32
    %gt3A_14 = vector.broadcast %gt3A : f32 to vector<10000x256xf32>
    %gt3A_15 = arith.cmpf ogt, %add3A_13, %gt3A_14 : vector<10000x256xf32>
    %mul3A = arith.constant 0.00999999977 : f32
    %mul3A_16 = vector.broadcast %mul3A : f32 to vector<10000x256xf32>
    %mul3A_17 = arith.mulf %mul3A_16, %add3A_13 : vector<10000x256xf32>
    %select_n3A = arith.select %gt3A_15, %add3A_13, %mul3A_17 : vector<10000x256xi1>, vector<10000x256xf32>
    %get3A_18 = arith.constant 0 : index
    %get3A_19 = arith.constant 0 : index
    %get3A_20 = vector.load %arg4[%get3A_18, %get3A_19] : memref<256x256xf32, #tpu.memory_space<vmem>>, vector<256x256xf32>
    %dot_general3A_21 = arith.constant dense<0.000000e+00> : vector<10000x256xf32>
    %dot_general3A_22 = tpu.matmul %select_n3A, %get3A_20, %dot_general3A_21 {dimension_numbers = #tpu.dot_dimension_numbers<[1], [0], [0], [1], [0, 0, 1, 1], [], []>, transpose_lhs_hint = false} : vector<10000x256xf32>, vector<256x256xf32>, vector<10000x256xf32> -> vector<10000x256xf32>
    %get3A_23 = arith.constant 0 : index
    %get3A_24 = arith.constant 0 : index
    %get3A_25 = vector.load %arg5[%get3A_23, %get3A_24] : memref<1x256xf32, #tpu.memory_space<vmem>>, vector<1x256xf32>
    %add3A_26 = vector.broadcast %get3A_25 : vector<1x256xf32> to vector<10000x256xf32>
    %add3A_27 = arith.addf %dot_general3A_22, %add3A_26 : vector<10000x256xf32>
    %reduce_sum3A = arith.constant dense<0.000000e+00> : vector<256xf32>
    %reduce_sum3A_28 = vector.multi_reduction <add>, %add3A_27, %reduce_sum3A [0] : vector<10000x256xf32> to vector<256xf32>
    %broadcast_in_dim3A = vector.shape_cast %reduce_sum3A_28 : vector<256xf32> to vector<1x256xf32>
    %div3A = arith.constant 1.000000e+04 : f32
    %div3A_29 = vector.broadcast %div3A : f32 to vector<1x256xf32>
    %div3A_30 = arith.divf %broadcast_in_dim3A, %div3A_29 : vector<1x256xf32>
    %sub3A = vector.broadcast %div3A_30 : vector<1x256xf32> to vector<10000x256xf32>
    %sub3A_31 = arith.subf %add3A_27, %sub3A : vector<10000x256xf32>
    %mul3A_32 = arith.mulf %sub3A_31, %sub3A_31 : vector<10000x256xf32>
    %reduce_sum3A_33 = arith.constant dense<0.000000e+00> : vector<256xf32>
    %reduce_sum3A_34 = vector.multi_reduction <add>, %mul3A_32, %reduce_sum3A_33 [0] : vector<10000x256xf32> to vector<256xf32>
    %broadcast_in_dim3A_35 = vector.shape_cast %reduce_sum3A_34 : vector<256xf32> to vector<1x256xf32>
    %div3A_36 = arith.constant 1.000000e+04 : f32
    %div3A_37 = vector.broadcast %div3A_36 : f32 to vector<1x256xf32>
    %div3A_38 = arith.divf %broadcast_in_dim3A_35, %div3A_37 : vector<1x256xf32>
    %add3A_39 = arith.constant 9.99999974E-5 : f32
    %add3A_40 = vector.broadcast %add3A_39 : f32 to vector<1x256xf32>
    %add3A_41 = arith.addf %div3A_38, %add3A_40 : vector<1x256xf32>
    %rsqrt3A = math.rsqrt %add3A_41 : vector<1x256xf32>
    %mul3A_42 = vector.broadcast %rsqrt3A : vector<1x256xf32> to vector<10000x256xf32>
    %mul3A_43 = arith.mulf %sub3A_31, %mul3A_42 : vector<10000x256xf32>
    %get3A_44 = arith.constant 0 : index
    %get3A_45 = arith.constant 0 : index
    %get3A_46 = vector.load %arg6[%get3A_44, %get3A_45] : memref<1x256xf32, #tpu.memory_space<vmem>>, vector<1x256xf32>
    %mul3A_47 = vector.broadcast %get3A_46 : vector<1x256xf32> to vector<10000x256xf32>
    %mul3A_48 = arith.mulf %mul3A_43, %mul3A_47 : vector<10000x256xf32>
    %get3A_49 = arith.constant 0 : index
    %get3A_50 = arith.constant 0 : index
    %get3A_51 = vector.load %arg7[%get3A_49, %get3A_50] : memref<1x256xf32, #tpu.memory_space<vmem>>, vector<1x256xf32>
    %add3A_52 = vector.broadcast %get3A_51 : vector<1x256xf32> to vector<10000x256xf32>
    %add3A_53 = arith.addf %mul3A_48, %add3A_52 : vector<10000x256xf32>
    %swap3A = arith.constant 0 : index
    %swap3A_54 = arith.constant 0 : index
    %swap3A_55 = vector.load %arg9[%swap3A, %swap3A_54] : memref<10000x256xf32, #tpu.memory_space<vmem>>, vector<10000x256xf32>
    tpu.vector_store %arg9[%swap3A, %swap3A_54], %add3A_53 {strides = array<i32>} : memref<10000x256xf32, #tpu.memory_space<vmem>>, vector<10000x256xf32>,
    %iota3A = tpu.iota {dimensions = array<i32: 0>} : vector<64x10000xi32>
    %get3A_56 = arith.constant 0 : index
    %get3A_57 = arith.constant 0 : index
    %get3A_58 = vector.load %arg8[%get3A_56, %get3A_57] : memref<1x10000xi32, #tpu.memory_space<vmem>>, vector<1x10000xi32>
    %eq3A = vector.broadcast %get3A_58 : vector<1x10000xi32> to vector<64x10000xi32>
    %eq3A_59 = arith.cmpi eq, %iota3A, %eq3A : vector<64x10000xi32>
    %convert_element_type3A = arith.extui %eq3A_59 : vector<64x10000xi1> to vector<64x10000xi32>
    %convert_element_type3A_60 = arith.sitofp %convert_element_type3A : vector<64x10000xi32> to vector<64x10000xf32>
    %dot_general3A_61 = arith.constant dense<0.000000e+00> : vector<64x256xf32>
    %dot_general3A_62 = tpu.matmul %convert_element_type3A_60, %add3A_53, %dot_general3A_61 {dimension_numbers = #tpu.dot_dimension_numbers<[1], [0], [0], [1], [0, 0, 1, 1], [], []>, transpose_lhs_hint = false} : vector<64x10000xf32>, vector<10000x256xf32>, vector<64x256xf32> -> vector<64x256xf32>
    %swap3A_63 = arith.constant 0 : index
    %swap3A_64 = arith.constant 0 : index
    %swap3A_65 = vector.load %arg10[%swap3A_63, %swap3A_64] : memref<64x256xf32, #tpu.memory_space<vmem>>, vector<64x256xf32>
    tpu.vector_store %arg10[%swap3A_63, %swap3A_64], %dot_general3A_62 {strides = array<i32>} : memref<64x256xf32, #tpu.memory_space<vmem>>, vector<64x256xf32>,
    return
  }
}

</mosaic_0001>

<sc_bundles>
// kernel: kernel.12.cloned.1.call-start
scs
__scs_entry_jumppad:
0x0: {  	(pc) =	sbr.rel $0x88, $3  }
0x1: {  	(tag) =	ssettag $0x0;
	lr =	simm.s32 $0x1  }
0x2: {  	[smem:$0x3F8A] =	sst lr;
	_ =	strace $0xD0000000  }
0x3: {  	_ = 	snop  }
0x4: {  	_ = 	snop  }
0x5: {  	_ = 	snop  }
0x6: {  	_ = 	snop  }
0x7: {  	_ = 	snop  }
__scs_overlays_trampoline_lowered:
0x8: {  	[smem:$0x3F99] =	sst s0  }
0x9: {  	[smem:$0x3F9A] =	sst s1  }
0xa: {  	[smem:$0x3F9B] =	sst s2  }
0xb: {  	[smem:$0x3F9C] =	sst s3  }
0xc: {  	[smem:$0x3F9D] =	sst s4  }
0xd: {  	[smem:$0x3F9E] =	sst s5  }
0xe: {  	[smem:$0x3F9F] =	sst s6  }
0xf: {  	[smem:$0x3FA0] =	sst s7  }
0x10: {  	[smem:$0x3FA1] =	sst s8  }
0x11: {  	[smem:$0x3FA2] =	sst s9;
	s0 =	simm.s32 @!p0 $0x0  }
0x12: {  	s1 =	sld [smem:$0x3F88];
	s0 =	simm.s32 @p0 $0x1  }
0x13: {  	[smem:$0x3FA3] =	sst s0;
	s0 =	simm.s32 @!p1 $0x0  }
0x14: {  	s2 =	sld [smem:$0x3F87];
	s0 =	simm.s32 @p1 $0x1  }
0x15: {  	[smem:$0x3FA4] =	sst s0;
	s0 =	simm.s32 @!p2 $0x0  }
0x16: {  	s3 =	sld [smem:$0x3FDB];
	s0 =	simm.s32 @p2 $0x1  }
0x17: {  	s4 =	simm.s32 $0x1BF5;
	[smem:$0x3FA6] =	sst s0  }
0x18: {  	s0 =	sld [smem:$0x3F89];
	_ =	swait.ge [sflag:s4], $0x0  }
0x19: {  	s7 =	sld [smem:$0x3F8A]  }
0x1a: {  	s8 =	sadd.s32 $0xFFFFE003, lr  }
0x1b: {  	s9 =	sadd.s32 $0xFFFFFEF7, lr;
	s5 =	simm.s32 $0xFFFFFFFF;
	p2 =	slt.u32 s8, $0xFFFFF086  }
0x1c: {  	p1 =	slt.u32 s9, $0xF7A;
	s5 =	simm.s32 @!p2 $0x0  }
0x1d: {  	s5 =	simm.s32 @p1 $0x1;
	p0 =	seq.s32 s7, s2  }
0x1e: {  	s7 =	smul.u32 @!p0 $0xF7A, s2;
	p2 =	seq.s32 @!p0 s5, $0x0  }
0x1f: {  	s9 =	smul.u32 $0xF7A, s1;
	s8 =	simm.s32 @!p0 $0x1BF5;
	p2 =	por !p2, p0  }
0x20: {  	[sflag:s8] =	ssyncset.s32 @!p0 $0xFFFFF086;
	s6 =	sadd.s32 @!p0 s3, s7;
	s7 =	simm.s32 @!p0 $0x108  }
0x21: {  	s3 =	sadd.s32 s3, s9;
	s6 =	sadd.s32 @!p0 $0x88, s6;
	s7 =	simm.s32 @p2 $0x1082  }
0x22: {  	[simem:s7], [sflag:s8] =	dma.local @!p0 [hbm:s6], $0xF7A  }
0x23: {  	s9 =	sor.u32 $0xD0000000, s2;
	s6 =	simm.s32 $0x108;
	_ =	swait.ge @!p0 [sflag:s8], $0x0  }
0x24: {  	s3 =	sadd.s32 $0x88, s3;
	s6 =	simm.s32 @!p1 $0x1082;
	[sflag:s4] =	ssyncset.s32 $0xFFFFF086  }
0x25: {  	[simem:s6], [sflag:s4] =	dma.local [hbm:s3], $0xF7A  }
0x26: {  	[smem:$0x3F8A] =	sst s1;
	(tag) =	ssettag s2;
	_ =	strace s9  }
0x27: {  	s1 =	sld [smem:$0x3F9A]  }
0x28: {  	s2 =	sld [smem:$0x3F9B]  }
0x29: {  	s4 =	sld [smem:$0x3F9D]  }
0x2a: {  	p0 =	seq.s32 s5, $0x0;
	s5 =	sld [smem:$0x3F9E]  }
0x2b: {  	s6 =	sld [smem:$0x3F9F]  }
0x2c: {  	s7 =	sld [smem:$0x3FA0]  }
0x2d: {  	s3 =	simm.s32 $0x108;
	s8 =	sld [smem:$0x3FA1]  }
0x2e: {  	s3 =	simm.s32 @!p0 $0x1082;
	s9 =	sld [smem:$0x3FA2]  }
0x2f: {  	lr =	sadd.s32 s0, s3;
	s0 =	sld [smem:$0x3F99]  }
0x30: {  	s3 =	sld [smem:$0x3F9C]  }
0x31: {  	[smem:$0x3FA5] =	sst s10  }
0x32: {  	s10 =	sld [smem:$0x3FA3];
	_ =	sdelay $0x3  }
0x33: {  	p0 =	seq.s32 s10, $0x1;
	s10 =	sld [smem:$0x3FA5];
	_ =	sdelay $0x3  }
0x34: {  	[smem:$0x3FA5] =	sst s10  }
0x35: {  	s10 =	sld [smem:$0x3FA4];
	_ =	sdelay $0x3  }
0x36: {  	p1 =	seq.s32 s10, $0x1;
	s10 =	sld [smem:$0x3FA5];
	_ =	sdelay $0x3  }
0x37: {  	[smem:$0x3FA5] =	sst s10  }
0x38: {  	s10 =	sld [smem:$0x3FA6]  }
0x39: {  	_ = 	snop;
	(pc) =	sbr.ind lr, $3  }
0x3a: {  	_ = 	snop  }
0x3b: {  	_ = 	snop  }
0x3c: {  	p2 =	seq.s32 s10, $0x1;
	s10 =	sld [smem:$0x3FA5]  }
0x3d: {  	_ =	shalt  }
0x3e: {  	_ =	shalt  }
0x3f: {  	_ =	shalt  }
0x40: {  	_ =	shalt  }
0x41: {  	_ =	shalt  }
0x42: {  	_ =	shalt  }
0x43: {  	_ =	shalt  }
0x44: {  	_ =	shalt  }
0x45: {  	_ =	shalt  }
0x46: {  	_ =	shalt  }
0x47: {  	_ =	shalt  }
0x48: {  	_ =	shalt  }
0x49: {  	_ =	shalt  }
0x4a: {  	_ =	shalt  }
0x4b: {  	_ =	shalt  }
0x4c: {  	_ =	shalt  }
0x4d: {  	_ =	shalt  }
0x4e: {  	_ =	shalt  }
0x4f: {  	_ =	shalt  }
0x50: {  	_ =	shalt  }
0x51: {  	_ =	shalt  }
0x52: {  	_ =	shalt  }
0x53: {  	_ =	shalt  }
0x54: {  	_ =	shalt  }
0x55: {  	_ =	shalt  }
0x56: {  	_ =	shalt  }
0x57: {  	_ =	shalt  }
0x58: {  	_ =	shalt  }
0x59: {  	_ =	shalt  }
0x5a: {  	_ =	shalt  }
0x5b: {  	_ =	shalt  }
0x5c: {  	_ =	shalt  }
0x5d: {  	_ =	shalt  }
0x5e: {  	_ =	shalt  }
0x5f: {  	_ =	shalt  }
0x60: {  	_ =	shalt  }
0x61: {  	_ =	shalt  }
0x62: {  	_ =	shalt  }
0x63: {  	_ =	shalt  }
0x64: {  	_ =	shalt  }
0x65: {  	_ =	shalt  }
0x66: {  	_ =	shalt  }
0x67: {  	_ =	shalt  }
0x68: {  	_ =	shalt  }
0x69: {  	_ =	shalt  }
0x6a: {  	_ =	shalt  }
0x6b: {  	_ =	shalt  }
0x6c: {  	_ =	shalt  }
0x6d: {  	_ =	shalt  }
0x6e: {  	_ =	shalt  }
0x6f: {  	_ =	shalt  }
0x70: {  	_ =	shalt  }
0x71: {  	_ =	shalt  }
0x72: {  	_ =	shalt  }
0x73: {  	_ =	shalt  }
0x74: {  	_ =	shalt  }
0x75: {  	_ =	shalt  }
0x76: {  	_ =	shalt  }
0x77: {  	_ =	shalt  }
0x78: {  	_ =	shalt  }
0x79: {  	_ =	shalt  }
0x7a: {  	_ =	shalt  }
0x7b: {  	_ =	shalt  }
0x7c: {  	_ =	shalt  }
0x7d: {  	_ =	shalt  }
0x7e: {  	_ =	shalt  }
0x7f: {  	_ =	shalt  }
0x80: {  	_ =	shalt  }
0x81: {  	_ =	shalt  }
0x82: {  	_ =	shalt  }
0x83: {  	_ =	shalt  }
0x84: {  	_ =	shalt  }
0x85: {  	_ =	shalt  }
0x86: {  	_ =	shalt  }
0x87: {  	_ =	shalt  }
.Lfunc_end0:
.L_simem_size_0:
called_computation.1_lowered:
.L_overlay_start_0:
0x88: {  	s2 =	sld [smem:$0x3FD9]  }
0x89: {  	s3 =	sld [smem:$0x3FFE];
	_ =	sdelay $0x1  }
0x8a: {  	s1 =	srdreg.scid  }
0x8b: {  	s0 =	sand.u32 $0x1, s1  }
0x8c: {  	s14 =	sshll.u32 s0, $0xA;
	s2 =	sadd.s32 s3, s2  }
0x8d: {  	s2 =	sadd.s32 s2, s14  }
0x8e: {  	[smem:$0x3FB1] =	sst s2  }
0x8f: {  	_ = 	snop  }
0x90: {  	s2 =	sld [smem:$0x3FD0];
	_ =	sdelay $0x2  }
0x91: {  	s15 =	simm.s32 $0xA;
	s4 =	simm.s32 $0x10  }
0x92: {  	[smem:s4], [sflag:s15] =	dma.local [hbm:s2], $0x1  }
0x93: {  	_ =	swait.eq [sflag:s15], $0x1  }
0x94: {  	[sflag:s15] =	ssyncset.done $0x0  }
0x95: {  	[sflag:s15] =	ssyncadd.s32 $0xFFFFFFFF  }
0x96: {  	s16 =	sld [smem:$0x11];
	(tm) =	ssettm $0x1  }
0x97: {  	s17 =	sld [smem:$0x3FFB];
	_ =	sdelay $0x3  }
0x98: {  	_ =	strace s17  }
0x99: {  	s3 =	sld [smem:$0x3FFC];
	_ =	sdelay $0x3  }
0x9a: {  	_ =	strace s3  }
0x9b: {  	s3 =	sld [smem:$0x3FFD];
	_ =	sdelay $0x3  }
0x9c: {  	_ =	strace s3  }
0x9d: {  	_ =	strace $0x8FFFFFFF  }
0x9e: {  	s18 =	sld [smem:$0x3FDB];
	_ =	sdelay $0x1  }
0x9f: {  	s19 =	simm.s32 $_scs_section_size  }
0xa0: {  	s5 =	simm.s32 $_size__tile_overlayer_lowered;
	s6 =	simm.s32 $_tile_overlayer_lowered  }
0xa1: {  	s22 =	simm.s32 $0x1BFF;
	s21 =	sshll.u32 s6, $0x1;
	s3 =	sadd.s32 s19, s18  }
0xa2: {  	s7 =	simm.s32 $0x0;
	s20 =	sshll.u32 s5, $0x1;
	s5 =	sadd.s32 s21, s3  }
0xa3: {  	[timem:s7], [sflag:s22] =	dma.local [hbm:s5], s20  }
0xa4: {  	_ =	swait.ge [sflag:s22], s20  }
0xa5: {  	s4 =	ssub.s32 $0x0, s20;
	[sflag:s22] =	ssyncset.done $0x0  }
0xa6: {  	[sflag:s22] =	ssyncadd.s32 s4;
	_ =	sdelay $0x1  }
0xa7: {  	s23 =	simm.s32 $0x1B8B  }
0xa8: {  	_ =	swait.ge [sflag:s23], $0x1  }
0xa9: {  	[sflag:s23] =	ssyncset.done $0x0  }
0xaa: {  	s25 =	simm.s32 $0x1B8E;
	s24 =	sld [smem:$0x3FFE];
	[sflag:s23] =	ssyncadd.s32 $0xFFFFFFFF  }
0xab: {  	s26 =	simm.s32 $execute0_lowered;
	[smem:$0x3FD2] =	sst s25  }
0xac: {  	s5 =	sshll.u32 s26, $0x1;
	_ =	strace $0x80000049;
	[dreg:$0x1] =	wrdreg $0xFFFFFFFF  }
0xad: {  	s28 =	simm.s32 $_size_execute0_lowered;
	s3 =	sadd.s32 s3, s5;
	[dreg:$0x0] =	wrdreg $0x0  }
0xae: {  	s5 =	sshll.u32 s28, $0x1;
	[dreg:$0x2] =	wrdreg s3  }
0xaf: {  	[dreg:$0x3] =	wrdreg s5  }
0xb0: {  	[dreg:$0x4] =	wrdreg $0xC0  }
0xb1: {  	_ =	task [dreg:s7], $0x5FFFF  }
0xb2: {  	[dreg:$0x1] =	wrdreg $0xFFFFFFFF  }
0xb3: {  	[dreg:$0x0] =	wrdreg $0x60  }
0xb4: {  	[dreg:$0x2] =	wrdreg s16  }
0xb5: {  	[dreg:$0x3] =	wrdreg s24  }
0xb6: {  	[dreg:$0x4] =	wrdreg $0xA1E00  }
0xb7: {  	[dreg:$0x5] =	wrdreg $0x9  }
0xb8: {  	_ =	task.clear_ibuf [dreg:s7], $0x6FFFF;
	_ =	strace $0x90000049  }
0xb9: {  	s29 =	simm.s32 $0x9;
	_ =	strace $0x8000004B  }
0xba: {  	_ =	swait.ge [sflag:s29], $0x1  }
0xbb: {  	[sflag:s29] =	ssyncadd.s32 $0xFFFFFFFF  }
0xbc: {  	_ =	strace $0x9000004B  }
0xbd: {  	_ =	sfence  }
0xbe: {  	s30 =	sld [smem:$0x0];
	_ =	sdelay $0x2  }
0xbf: {  	s31 =	sshll.u32 s1, $0xD;
	s1 =	sshrl.u32 s1, $0x2  }
0xc0: {  	s3 =	sand.u32 $0x4000, s31;
	s1 =	sadd.s32 s1, s30  }
0xc1: {  	s0 =	sor.u32 s3, s0;
	s1 =	sshll.u32 s1, $0x11  }
0xc2: {  	s0 =	sor.u32 s1, s0  }
0xc3: {  	s0 =	sadd.s32 $0x8F2B, s0  }
0xc4: {  	[sflag:s0] =	ssyncadd.remote.s32 $0x1  }
0xc5: {  	_ =	sfence.sel $0xFFFF  }
0xc6: {  	[dreg:$0x0] =	wrdreg $0xFFFFFFFF;
	(pc) =	sbr.abs _section_cstart, $3  }
0xc7: {  	[dreg:$0x1] =	wrdreg $0xFFFFFFFF  }
0xc8: {  	_ =	task.clear_ibuf [dreg:s7], $0x2FFFF;
	_ =	strace $0x9FFFFFFF  }
0xc9: {  	(tm) =	ssettm $0x7FFFFFFF  }
tec
execute0_lowered:
.L_overlay_start_1:
0x0: {  	(tag) =	ssettag $0x1  }
0x1: {  	s1 =	rddreg [dreg:$0x0]  }
0x2: {  	s0 =	rddreg [dreg:$0x1]  }
0x3: {  	s2 =	rddreg [dreg:$0x2]  }
0x4: {  	s3 =	simm.s32 $0x0;
	s5 =	srdreg.scid;
	s16 =	stileid.u32  }
0x5: {  	s28 =	simm.s32 $0x4;
	s29 =	simm.s32 $0x5190;
	s31 =	simm.s32 $0x6  }
0x6: {  	[smem:$0x7FF] =	sst s3;
	s4 =	sadd.s32 $0xD400, s0;
	s8 =	smul.u32 $0x4E000, s16  }
0x7: {  	s6 =	sadd.s32 $0x3600, s0;
	s7 =	sand.u32 $0x1, s5;
	s11 =	smul.u32 $0x4E20, s16  }
0x8: {  	s5 =	sadd.s32 $0x17200, s0;
	s0 =	sadd.s32 $0x19A00, s0;
	s19 =	smul.u32 $0x138, s16  }
0x9: {  	s15 =	sadd.s32 $0x124800, s2;
	s30 =	sadd.s32 $0x1388, s16;
	s14 =	smul.u32 $0x9C4, s16  }
0xa: {  	p0 =	seq.s32 s16, $0xF;
	_ =	strace $0x8000004A;
	s20 =	smul.u32 $0x1388, s7  }
0xb: {  	s9 =	ssub.s32 $0x2, s7;
	s22 =	smul.u32 $0x138800, s7;
	s15 =	sshrl.u32 @p0 s15, $0x3  }
0xc: {  	v1 =	vmov s30;
	s30 =	simm.s32 $0x5;
	s10 =	sshrl.u32 s9, $0x1;
	s8 =	sshrl.u32 s8, $0x2  }
0xd: {  	s18 =	sshrl.u32 s11, $0x3;
	s13 =	sadd.s32 s14, s6;
	s14 =	sadd.s32 s14, s4  }
0xe: {  	s12 =	ssub.s32 s9, s10;
	s17 =	sadd.s32 s8, s2;
	s21 =	sadd.s32 $0xA, s18  }
0xf: {  	s23 =	sadd.s32 s4, s18;
	s24 =	sadd.s32 s6, s18;
	s10 =	sadd.s32 s19, s20  }
0x10: {  	s11 =	sshrl.u32 s22, $0x3;
	s18 =	simm.s32 $0x50;
	[dreg:$0x4] =	wrdreg s23  }
0x11: {  	s19 =	simm.s32 $0x50F0;
	s22 =	simm.s32 $0xF0;
	[dreg:$0x5] =	wrdreg s24  }
0x12: {  	s25 =	sadd.s32 s4, s21;
	s26 =	sadd.s32 s6, s21;
	s10 =	sshll.u32 s10, $0x5  }
0x13: {  	s11 =	sadd.s32 s0, s11;
	s12 =	smax.u32 s12, $0x1;
	s17 =	sshrl.u32 @!p0 s17, $0x3  }
0x14: {  	s21 =	simm.s32 $0x1;
	s23 =	simm.s32 $0x3;
	[dreg:$0x6] =	wrdreg s25  }
0x15: {  	s24 =	simm.s32 $0xA0;
	[dreg:$0x7] =	wrdreg s26;
	s10 =	sadd.s32 s0, s10  }
0x16: {  	s11 =	sadd.s32 $0x24900, s11;
	s0 =	sshll.u32 @!p0 s16, $0x6;
	s25 =	simm.s32 $0x2  }
0x17: {  	v0 =	vmov s20;
	s26 =	simm.s32 $0x51E0;
	s16 =	sor.u32 @!p0 $0x1C07, s0;
	s0 =	simm.s32 $0x0  }
.LBB2_1:
0x18: {  	s4 =	simm.s32 @p0 $0x1FC7  }
0x19: {  	[spmem:s15], [sflag:s4] =	dma.local @p0 [hbm:s5], $0x2800  }
0x1a: {  	s4 =	simm.s32 @p0 $0x7  }
0x1b: {  	_ =	swait.ge @p0 [sflag:s4], $0x2800  }
0x1c: {  	[sflag:s4] =	ssyncset.done @p0 $0x0  }
0x1d: {  	[sflag:s4] =	ssyncadd.s32 @p0 $0xFFFFD800;
	s4 =	simm.s32 @!p0 $0x7  }
0x1e: {  	[spmem:s17], [sflag:s16] =	dma.local @!p0 [hbm:s5], $0x2700  }
0x1f: {  	_ =	swait.ge @!p0 [sflag:s4], $0x2700  }
0x20: {  	[sflag:s4] =	ssyncset.done @!p0 $0x0  }
0x21: {  	[sflag:s4] =	ssyncadd.s32 @!p0 $0xFFFFD900  }
0x22: {  	[bflag:$0x0] =	sbarrier.arrive $0xFFFF  }
0x23: {  	s7 =	rddreg [dreg:$0x4]  }
0x24: {  	[tilespmem:s3], [sflag:$0x1] =	stream.linear.gather [hbm4b:s7+s3], $0x50, $0x38;
	[tilespmem:$0x1DB60] =	vst v63  }
0x25: {  	s8 =	rddreg [dreg:$0x5]  }
0x26: {  	[tilespmem:s18], [sflag:$0x1] =	stream.linear.gather [hbm4b:s8+s3], $0x50, $0x38;
	[tilespmem:$0x1DB60] =	vst v63  }
0x27: {  	s9 =	rddreg [dreg:$0x6]  }
0x28: {  	[tilespmem:s19], [sflag:$0x2] =	stream.linear.gather [hbm4b:s9+s3], $0x50, $0x38;
	[tilespmem:$0x1DB60] =	vst v63  }
0x29: {  	s6 =	simm.s32 $0x5140;
	s20 =	rddreg [dreg:$0x7]  }
0x2a: {  	[tilespmem:s6], [sflag:$0x2] =	stream.linear.gather [hbm4b:s20+s3], $0x50, $0x38;
	[tilespmem:$0x1DB60] =	vst v63  }
0x2b: {  	_ =	swait.ge [sflag:s21], $0x50  }
0x2c: {  	[sflag:s21] =	ssyncset.done $0x0  }
0x2d: {  	[sflag:s21] =	ssyncadd.s32 $0xFFFFFFB0  }
0x2e: {  	_ =	swait.ge [sflag:s21], $0x50  }
0x2f: {  	[sflag:s21] =	ssyncset.done $0x0  }
0x30: {  	[sflag:s21] =	ssyncadd.s32 $0xFFFFFFB0  }
0x31: {  	v2 =	vld [tilespmem:$0x50]  }
0x32: {  	v3 =	vld [tilespmem:$0x60]  }
0x33: {  	v4 =	vld [tilespmem:$0x70]  }
0x34: {  	v5 =	vld [tilespmem:$0x80]  }
0x35: {  	v6 =	vld [tilespmem:$0x90]  }
0x36: {  	v2 =	vsub.s32 v2, v0  }
0x37: {  	v3 =	vsub.s32 v3, v0;
	vm0 =	vlt.u32 v2, $0x1388  }
0x38: {  	v4 =	vsub.s32 v4, v0;
	vm12 =	vlt.u32 v3, $0x1388;
	v2 =	vsel vm0, v2, v1  }
0x39: {  	vm13 =	vlt.u32 v4, $0x1388;
	[tilespmem:$0xA0] =	vst v2;
	v2 =	vsel vm12, v3, v1;
	v3 =	vsub.s32 v5, v0  }
0x3a: {  	v63 =	vsub.s32 v6, v0;
	[tilespmem:$0xB0] =	vst v2;
	v2 =	vsel vm13, v4, v1;
	vm14 =	vlt.u32 v3, $0x1388  }
0x3b: {  	vm15 =	vlt.u32 v63, $0x1388;
	[tilespmem:$0xC0] =	vst v2;
	v2 =	vsel vm14, v3, v1  }
0x3c: {  	[tilespmem:$0xD0] =	vst v2;
	v2 =	vsel vm15, v63, v1  }
0x3d: {  	s4 =	simm.s32 $0x0;
	[tilespmem:$0xE0] =	vst v2  }
0x3e: {  	[tilespmem:s22], [sflag:$0x3] =	stream.indirect.gather [hbm4b:s1+s18], $0x100, s3, s18, $0xb8;
	[tilespmem:$0x1DB60] =	vst v63  }
.LBB2_2:
0x3f: {  	_ =	swait.ge [sflag:s23], $0x5000  }
0x40: {  	p1 =	seq.s32 s4, $0x9B0;
	[sflag:s23] =	ssyncset.done $0x0  }
0x41: {  	s7 =	sadd.s32 @!p1 s4, s14;
	[sflag:s23] =	ssyncadd.s32 $0xFFFFB000  }
0x42: {  	[spmem:s2] =	stream.indirect.scatter.add.f32 [tilespmem:s22], [sflag:$0x5], $0x100, s24, s18, $0xb8;
	[tilespmem:$0x1DB60] =	vst v63  }
0x43: {  	s20 =	simm.s32 @!p1 $0x0;
	s8 =	sadd.s32 @!p1 s4, s13;
	s6 =	sadd.s32 @!p1 $0x14, s7  }
0x44: {  	[tilespmem:s20], [sflag:$0x1] =	stream.linear.gather @!p1 [hbm4b:s6+s20], $0x50, $0x38;
	[tilespmem:$0x1DB60] =	vst v63  }
0x45: {  	s9 =	sadd.s32 @!p1 $0x14, s8;
	s6 =	simm.s32 @!p1 $0x50  }
0x46: {  	[tilespmem:s6], [sflag:$0x1] =	stream.linear.gather @!p1 [hbm4b:s9+s20], $0x50, $0x38;
	[tilespmem:$0x1DB60] =	vst v63  }
0x47: {  	_ =	swait.ge [sflag:s25], $0x50  }
0x48: {  	[sflag:s25] =	ssyncset.done $0x0  }
0x49: {  	[sflag:s25] =	ssyncadd.s32 $0xFFFFFFB0  }
0x4a: {  	_ =	swait.ge [sflag:s25], $0x50  }
0x4b: {  	p2 =	seq.s32 s4, $0x0;
	[sflag:s25] =	ssyncset.done $0x0  }
0x4c: {  	s9 =	simm.s32 @!p2 $0x6;
	[sflag:s25] =	ssyncadd.s32 $0xFFFFFFB0  }
0x4d: {  	_ =	swait.ge @!p2 [sflag:s9], $0x5000  }
0x4e: {  	[sflag:s9] =	ssyncset.done @!p2 $0x0  }
0x4f: {  	[sflag:s9] =	ssyncadd.s32 @!p2 $0xFFFFB000  }
0x50: {  	v2 =	vld [tilespmem:$0x5140]  }
0x51: {  	v3 =	vld [tilespmem:$0x5150]  }
0x52: {  	v4 =	vld [tilespmem:$0x5160]  }
0x53: {  	v5 =	vld [tilespmem:$0x5170]  }
0x54: {  	v6 =	vld [tilespmem:$0x5180]  }
0x55: {  	v2 =	vsub.s32 v2, v0  }
0x56: {  	v3 =	vsub.s32 v3, v0;
	vm0 =	vlt.u32 v2, $0x1388  }
0x57: {  	v4 =	vsub.s32 v4, v0;
	vm12 =	vlt.u32 v3, $0x1388;
	v2 =	vsel vm0, v2, v1  }
0x58: {  	vm13 =	vlt.u32 v4, $0x1388;
	[tilespmem:$0x5190] =	vst v2;
	v2 =	vsel vm12, v3, v1;
	v3 =	vsub.s32 v5, v0  }
0x59: {  	v63 =	vsub.s32 v6, v0;
	[tilespmem:$0x51A0] =	vst v2;
	v2 =	vsel vm13, v4, v1;
	vm14 =	vlt.u32 v3, $0x1388  }
0x5a: {  	vm15 =	vlt.u32 v63, $0x1388;
	[tilespmem:$0x51B0] =	vst v2;
	v2 =	vsel vm14, v3, v1  }
0x5b: {  	[tilespmem:$0x51C0] =	vst v2;
	v2 =	vsel vm15, v63, v1  }
0x5c: {  	[tilespmem:$0x51D0] =	vst v2  }
0x5d: {  	[tilespmem:s26], [sflag:$0x4] =	stream.indirect.gather [hbm4b:s1+s18], $0x100, s19, s18, $0xb8;
	[tilespmem:$0x1DB60] =	vst v63  }
0x5e: {  	_ =	swait.ge [sflag:s28], $0x5000  }
0x5f: {  	[sflag:s28] =	ssyncset.done $0x0  }
0x60: {  	[sflag:s28] =	ssyncadd.s32 $0xFFFFB000  }
0x61: {  	[spmem:s2] =	stream.indirect.scatter.add.f32 [tilespmem:s26], [sflag:$0x6], $0x100, s29, s18, $0xb8;
	[tilespmem:$0x1DB60] =	vst v63  }
0x62: {  	s7 =	sadd.s32 @!p1 $0x1E, s7;
	s9 =	simm.s32 @!p1 $0x50F0  }
0x63: {  	[tilespmem:s9], [sflag:$0x2] =	stream.linear.gather @!p1 [hbm4b:s7+s20], $0x50, $0x38;
	[tilespmem:$0x1DB60] =	vst v63  }
0x64: {  	s7 =	sadd.s32 @!p1 $0x1E, s8;
	s8 =	simm.s32 @!p1 $0x5140  }
0x65: {  	[tilespmem:s8], [sflag:$0x2] =	stream.linear.gather @!p1 [hbm4b:s7+s20], $0x50, $0x38;
	[tilespmem:$0x1DB60] =	vst v63  }
0x66: {  	s7 =	simm.s32 @!p1 $0x1  }
0x67: {  	_ =	swait.ge @!p1 [sflag:s7], $0x50  }
0x68: {  	[sflag:s7] =	ssyncset.done @!p1 $0x0  }
0x69: {  	[sflag:s7] =	ssyncadd.s32 @!p1 $0xFFFFFFB0  }
0x6a: {  	_ =	swait.ge @!p1 [sflag:s7], $0x50  }
0x6b: {  	[sflag:s7] =	ssyncset.done @!p1 $0x0  }
0x6c: {  	[sflag:s7] =	ssyncadd.s32 @!p1 $0xFFFFFFB0;
	s7 =	simm.s32 @!p1 $0x5  }
0x6d: {  	_ =	swait.ge @!p1 [sflag:s7], $0x5000  }
0x6e: {  	[sflag:s7] =	ssyncset.done @!p1 $0x0  }
0x6f: {  	[sflag:s7] =	ssyncadd.s32 @!p1 $0xFFFFB000  }
0x70: {  	v2 =	vld @!p1 [tilespmem:$0x50]  }
0x71: {  	v3 =	vld @!p1 [tilespmem:$0x60]  }
0x72: {  	v4 =	vld @!p1 [tilespmem:$0x70]  }
0x73: {  	v5 =	vld @!p1 [tilespmem:$0x80]  }
0x74: {  	v6 =	vld @!p1 [tilespmem:$0x90]  }
0x75: {  	v2 =	vsub.s32 @!p1 v2, v0  }
0x76: {  	v3 =	vsub.s32 @!p1 v3, v0;
	vm0 =	vlt.u32 @!p1 v2, $0x1388  }
0x77: {  	v4 =	vsub.s32 @!p1 v4, v0;
	v2 =	vsel @!p1 vm0, v2, v1;
	vm0 =	vlt.u32 @!p1 v3, $0x1388  }
0x78: {  	[tilespmem:$0xA0] =	vst @!p1 v2;
	v2 =	vsel @!p1 vm0, v3, v1;
	vm0 =	vlt.u32 @!p1 v4, $0x1388;
	v3 =	vsub.s32 @!p1 v5, v0  }
0x79: {  	[tilespmem:$0xB0] =	vst @!p1 v2;
	v2 =	vsel @!p1 vm0, v4, v1;
	vm0 =	vlt.u32 @!p1 v3, $0x1388;
	v4 =	vsub.s32 @!p1 v6, v0  }
0x7a: {  	[tilespmem:$0xC0] =	vst @!p1 v2;
	v2 =	vsel @!p1 vm0, v3, v1;
	vm0 =	vlt.u32 @!p1 v4, $0x1388  }
0x7b: {  	s4 =	sadd.s32 @!p1 $0x14, s4;
	[tilespmem:$0xD0] =	vst @!p1 v2;
	v2 =	vsel @!p1 vm0, v4, v1  }
0x7c: {  	p2 =	sne.s32 @!p1 s4, $0x9C4;
	s7 =	simm.s32 @!p1 $0xF0;
	[tilespmem:$0xE0] =	vst @!p1 v2  }
0x7d: {  	[tilespmem:s7], [sflag:$0x3] =	stream.indirect.gather @!p1 [hbm4b:s1+s6], $0x100, s20, s6, $0xb8;
	[tilespmem:$0x1DB60] =	vst v63  }
0x7e: {  	p1 =	por p1, !p2  }
.Ltmp0:
0x7f: {  	_ = 	snop;
	(pc) =	sbr.rel @!p1 .LBB2_2-.Ltmp0, $1  }
0x80: {  	_ =	sdelay $0x3  }
0x81: {  	_ =	swait.ge [sflag:s30], $0x5000  }
0x82: {  	[sflag:s30] =	ssyncset.done $0x0  }
0x83: {  	[sflag:s30] =	ssyncadd.s32 $0xFFFFB000  }
0x84: {  	_ =	swait.ge [sflag:s31], $0x5000  }
0x85: {  	[sflag:s31] =	ssyncset.done $0x0  }
0x86: {  	[sflag:s31] =	ssyncadd.s32 $0xFFFFB000  }
0x87: {  	s4 =	simm.s32 @p0 $0x1FC7;
	[bflag:$0x0] =	sbarrier.arrive $0xFFFF  }
0x88: {  	[hbm:s11], [sflag:s4] =	dma.local @p0 [spmem:s15], $0x2800  }
0x89: {  	s4 =	simm.s32 @p0 $0x7  }
0x8a: {  	s0 =	sadd.s32 $0x1, s0;
	_ =	swait.ge @p0 [sflag:s4], $0x2800  }
0x8b: {  	p1 =	sne.s32 s0, s12;
	[sflag:s4] =	ssyncset.done @p0 $0x0  }
.Ltmp1:
0x8c: {  	[sflag:s4] =	ssyncadd.s32 @p0 $0xFFFFD800;
	s4 =	simm.s32 @!p0 $0x7;
	(pc) =	sbr.rel @p1 .LBB2_1-.Ltmp1, $4  }
0x8d: {  	[hbm:s10], [sflag:s16] =	dma.local @!p0 [spmem:s17], $0x2700  }
0x8e: {  	_ =	swait.ge @!p0 [sflag:s4], $0x2700  }
0x8f: {  	[sflag:s4] =	ssyncset.done @!p0 $0x0  }
0x90: {  	[sflag:s4] =	ssyncadd.s32 @!p0 $0xFFFFD900  }
0x91: {  	_ =	sfence.sel $0x180000  }
0x92: {  	[bflag:$0x0] =	sbarrier.arrive $0xFFFF  }
0x93: {  	_ =	strace $0x9000004A  }
0x94: {  	s0 =	stileid.u32;
	[bflag:$0x2] =	sbarrier.arrive $0xFFFF  }
0x95: {  	p0 =	sne.s32 s0, $0x0;
	s0 =	rddreg [dreg:$0x3]  }
0x96: {  	s0 =	sadd.s32 @!p0 $0x100000, s0  }
0x97: {  	[sflag:s0] =	ssyncadd.tile.s32 @!p0 $0x1;
	_ =	shalt  }
.Lfunc_end2:
_tile_overlayer_lowered:
.L_overlay_start_2:
0x98: {  	(tag) =	ssettag $0x2  }
0x99: {  	s0 =	rddreg [dreg:$0x0];
	s2 =	stileid.u32  }
0x9a: {  	s1 =	rddreg [dreg:$0x1];
	p0 =	sne.s32 s2, $0x0  }
0x9b: {  	s3 =	rddreg [dreg:$0x2];
	[bflag:$0x3] =	sbarrier.arrive $0xFFFF;
	s2 =	simm.s32 @!p0 $0x1C07  }
0x9c: {  	[timem:s3], [sflag:s2] =	dma.local @!p0 [hbm:s0], s1  }
0x9d: {  	s0 =	simm.s32 @!p0 $0x7  }
0x9e: {  	_ =	swait.ge @!p0 [sflag:s0], s1  }
0x9f: {  	s1 =	ssub.s32 @!p0 $0x0, s1;
	[sflag:s0] =	ssyncset.done @!p0 $0x0  }
0xa0: {  	[sflag:s0] =	ssyncadd.s32 @!p0 s1  }
0xa1: {  	[bflag:$0x3] =	sbarrier.arrive $0xFFFF  }
0xa2: {  	_ =	shalt  }

// kernel: kernel.15.cloned.1.call-start
scs
__scs_entry_jumppad:
0x0: {  	(pc) =	sbr.rel $0x88, $3  }
0x1: {  	(tag) =	ssettag $0x0;
	lr =	simm.s32 $0x1  }
0x2: {  	[smem:$0x3F8A] =	sst lr;
	_ =	strace $0xD0000000  }
0x3: {  	_ = 	snop  }
0x4: {  	_ = 	snop  }
0x5: {  	_ = 	snop  }
0x6: {  	_ = 	snop  }
0x7: {  	_ = 	snop  }
__scs_overlays_trampoline_lowered:
0x8: {  	[smem:$0x3F99] =	sst s0  }
0x9: {  	[smem:$0x3F9A] =	sst s1  }
0xa: {  	[smem:$0x3F9B] =	sst s2  }
0xb: {  	[smem:$0x3F9C] =	sst s3  }
0xc: {  	[smem:$0x3F9D] =	sst s4  }
0xd: {  	[smem:$0x3F9E] =	sst s5  }
0xe: {  	[smem:$0x3F9F] =	sst s6  }
0xf: {  	[smem:$0x3FA0] =	sst s7  }
0x10: {  	[smem:$0x3FA1] =	sst s8  }
0x11: {  	[smem:$0x3FA2] =	sst s9;
	s0 =	simm.s32 @!p0 $0x0  }
0x12: {  	s1 =	sld [smem:$0x3F88];
	s0 =	simm.s32 @p0 $0x1  }
0x13: {  	[smem:$0x3FA3] =	sst s0;
	s0 =	simm.s32 @!p1 $0x0  }
0x14: {  	s2 =	sld [smem:$0x3F87];
	s0 =	simm.s32 @p1 $0x1  }
0x15: {  	[smem:$0x3FA4] =	sst s0;
	s0 =	simm.s32 @!p2 $0x0  }
0x16: {  	s3 =	sld [smem:$0x3FDB];
	s0 =	simm.s32 @p2 $0x1  }
0x17: {  	s4 =	simm.s32 $0x1BF5;
	[smem:$0x3FA6] =	sst s0  }
0x18: {  	s0 =	sld [smem:$0x3F89];
	_ =	swait.ge [sflag:s4], $0x0  }
0x19: {  	s7 =	sld [smem:$0x3F8A]  }
0x1a: {  	s8 =	sadd.s32 $0xFFFFE003, lr  }
0x1b: {  	s9 =	sadd.s32 $0xFFFFFEF7, lr;
	s5 =	simm.s32 $0xFFFFFFFF;
	p2 =	slt.u32 s8, $0xFFFFF086  }
0x1c: {  	p1 =	slt.u32 s9, $0xF7A;
	s5 =	simm.s32 @!p2 $0x0  }
0x1d: {  	s5 =	simm.s32 @p1 $0x1;
	p0 =	seq.s32 s7, s2  }
0x1e: {  	s7 =	smul.u32 @!p0 $0xF7A, s2;
	p2 =	seq.s32 @!p0 s5, $0x0  }
0x1f: {  	s9 =	smul.u32 $0xF7A, s1;
	s8 =	simm.s32 @!p0 $0x1BF5;
	p2 =	por !p2, p0  }
0x20: {  	[sflag:s8] =	ssyncset.s32 @!p0 $0xFFFFF086;
	s6 =	sadd.s32 @!p0 s3, s7;
	s7 =	simm.s32 @!p0 $0x108  }
0x21: {  	s3 =	sadd.s32 s3, s9;
	s6 =	sadd.s32 @!p0 $0x88, s6;
	s7 =	simm.s32 @p2 $0x1082  }
0x22: {  	[simem:s7], [sflag:s8] =	dma.local @!p0 [hbm:s6], $0xF7A  }
0x23: {  	s9 =	sor.u32 $0xD0000000, s2;
	s6 =	simm.s32 $0x108;
	_ =	swait.ge @!p0 [sflag:s8], $0x0  }
0x24: {  	s3 =	sadd.s32 $0x88, s3;
	s6 =	simm.s32 @!p1 $0x1082;
	[sflag:s4] =	ssyncset.s32 $0xFFFFF086  }
0x25: {  	[simem:s6], [sflag:s4] =	dma.local [hbm:s3], $0xF7A  }
0x26: {  	[smem:$0x3F8A] =	sst s1;
	(tag) =	ssettag s2;
	_ =	strace s9  }
0x27: {  	s1 =	sld [smem:$0x3F9A]  }
0x28: {  	s2 =	sld [smem:$0x3F9B]  }
0x29: {  	s4 =	sld [smem:$0x3F9D]  }
0x2a: {  	p0 =	seq.s32 s5, $0x0;
	s5 =	sld [smem:$0x3F9E]  }
0x2b: {  	s6 =	sld [smem:$0x3F9F]  }
0x2c: {  	s7 =	sld [smem:$0x3FA0]  }
0x2d: {  	s3 =	simm.s32 $0x108;
	s8 =	sld [smem:$0x3FA1]  }
0x2e: {  	s3 =	simm.s32 @!p0 $0x1082;
	s9 =	sld [smem:$0x3FA2]  }
0x2f: {  	lr =	sadd.s32 s0, s3;
	s0 =	sld [smem:$0x3F99]  }
0x30: {  	s3 =	sld [smem:$0x3F9C]  }
0x31: {  	[smem:$0x3FA5] =	sst s10  }
0x32: {  	s10 =	sld [smem:$0x3FA3];
	_ =	sdelay $0x3  }
0x33: {  	p0 =	seq.s32 s10, $0x1;
	s10 =	sld [smem:$0x3FA5];
	_ =	sdelay $0x3  }
0x34: {  	[smem:$0x3FA5] =	sst s10  }
0x35: {  	s10 =	sld [smem:$0x3FA4];
	_ =	sdelay $0x3  }
0x36: {  	p1 =	seq.s32 s10, $0x1;
	s10 =	sld [smem:$0x3FA5];
	_ =	sdelay $0x3  }
0x37: {  	[smem:$0x3FA5] =	sst s10  }
0x38: {  	s10 =	sld [smem:$0x3FA6]  }
0x39: {  	_ = 	snop;
	(pc) =	sbr.ind lr, $3  }
0x3a: {  	_ = 	snop  }
0x3b: {  	_ = 	snop  }
0x3c: {  	p2 =	seq.s32 s10, $0x1;
	s10 =	sld [smem:$0x3FA5]  }
0x3d: {  	_ =	shalt  }
0x3e: {  	_ =	shalt  }
0x3f: {  	_ =	shalt  }
0x40: {  	_ =	shalt  }
0x41: {  	_ =	shalt  }
0x42: {  	_ =	shalt  }
0x43: {  	_ =	shalt  }
0x44: {  	_ =	shalt  }
0x45: {  	_ =	shalt  }
0x46: {  	_ =	shalt  }
0x47: {  	_ =	shalt  }
0x48: {  	_ =	shalt  }
0x49: {  	_ =	shalt  }
0x4a: {  	_ =	shalt  }
0x4b: {  	_ =	shalt  }
0x4c: {  	_ =	shalt  }
0x4d: {  	_ =	shalt  }
0x4e: {  	_ =	shalt  }
0x4f: {  	_ =	shalt  }
0x50: {  	_ =	shalt  }
0x51: {  	_ =	shalt  }
0x52: {  	_ =	shalt  }
0x53: {  	_ =	shalt  }
0x54: {  	_ =	shalt  }
0x55: {  	_ =	shalt  }
0x56: {  	_ =	shalt  }
0x57: {  	_ =	shalt  }
0x58: {  	_ =	shalt  }
0x59: {  	_ =	shalt  }
0x5a: {  	_ =	shalt  }
0x5b: {  	_ =	shalt  }
0x5c: {  	_ =	shalt  }
0x5d: {  	_ =	shalt  }
0x5e: {  	_ =	shalt  }
0x5f: {  	_ =	shalt  }
0x60: {  	_ =	shalt  }
0x61: {  	_ =	shalt  }
0x62: {  	_ =	shalt  }
0x63: {  	_ =	shalt  }
0x64: {  	_ =	shalt  }
0x65: {  	_ =	shalt  }
0x66: {  	_ =	shalt  }
0x67: {  	_ =	shalt  }
0x68: {  	_ =	shalt  }
0x69: {  	_ =	shalt  }
0x6a: {  	_ =	shalt  }
0x6b: {  	_ =	shalt  }
0x6c: {  	_ =	shalt  }
0x6d: {  	_ =	shalt  }
0x6e: {  	_ =	shalt  }
0x6f: {  	_ =	shalt  }
0x70: {  	_ =	shalt  }
0x71: {  	_ =	shalt  }
0x72: {  	_ =	shalt  }
0x73: {  	_ =	shalt  }
0x74: {  	_ =	shalt  }
0x75: {  	_ =	shalt  }
0x76: {  	_ =	shalt  }
0x77: {  	_ =	shalt  }
0x78: {  	_ =	shalt  }
0x79: {  	_ =	shalt  }
0x7a: {  	_ =	shalt  }
0x7b: {  	_ =	shalt  }
0x7c: {  	_ =	shalt  }
0x7d: {  	_ =	shalt  }
0x7e: {  	_ =	shalt  }
0x7f: {  	_ =	shalt  }
0x80: {  	_ =	shalt  }
0x81: {  	_ =	shalt  }
0x82: {  	_ =	shalt  }
0x83: {  	_ =	shalt  }
0x84: {  	_ =	shalt  }
0x85: {  	_ =	shalt  }
0x86: {  	_ =	shalt  }
0x87: {  	_ =	shalt  }
.Lfunc_end0:
.L_simem_size_0:
called_computation.2_lowered:
.L_overlay_start_0:
0x88: {  	s2 =	sld [smem:$0x3FD9]  }
0x89: {  	s3 =	sld [smem:$0x3FFE];
	_ =	sdelay $0x1  }
0x8a: {  	s1 =	srdreg.scid  }
0x8b: {  	s0 =	sand.u32 $0x1, s1  }
0x8c: {  	s14 =	sshll.u32 s0, $0xA;
	s2 =	sadd.s32 s3, s2  }
0x8d: {  	s2 =	sadd.s32 s2, s14  }
0x8e: {  	[smem:$0x3FB1] =	sst s2  }
0x8f: {  	_ = 	snop  }
0x90: {  	s2 =	sld [smem:$0x3FD0];
	_ =	sdelay $0x2  }
0x91: {  	s15 =	simm.s32 $0xA;
	s4 =	simm.s32 $0x10  }
0x92: {  	[smem:s4], [sflag:s15] =	dma.local [hbm:s2], $0x1  }
0x93: {  	_ =	swait.eq [sflag:s15], $0x1  }
0x94: {  	[sflag:s15] =	ssyncset.done $0x0  }
0x95: {  	[sflag:s15] =	ssyncadd.s32 $0xFFFFFFFF  }
0x96: {  	s16 =	sld [smem:$0x11];
	(tm) =	ssettm $0x1  }
0x97: {  	s17 =	sld [smem:$0x3FFB];
	_ =	sdelay $0x3  }
0x98: {  	_ =	strace s17  }
0x99: {  	s3 =	sld [smem:$0x3FFC];
	_ =	sdelay $0x3  }
0x9a: {  	_ =	strace s3  }
0x9b: {  	s3 =	sld [smem:$0x3FFD];
	_ =	sdelay $0x3  }
0x9c: {  	_ =	strace s3  }
0x9d: {  	_ =	strace $0x8FFFFFFF  }
0x9e: {  	s18 =	sld [smem:$0x3FDB];
	_ =	sdelay $0x1  }
0x9f: {  	s19 =	simm.s32 $_scs_section_size  }
0xa0: {  	s5 =	simm.s32 $_size__tile_overlayer_lowered;
	s6 =	simm.s32 $_tile_overlayer_lowered  }
0xa1: {  	s22 =	simm.s32 $0x1BFF;
	s21 =	sshll.u32 s6, $0x1;
	s3 =	sadd.s32 s19, s18  }
0xa2: {  	s7 =	simm.s32 $0x0;
	s20 =	sshll.u32 s5, $0x1;
	s5 =	sadd.s32 s21, s3  }
0xa3: {  	[timem:s7], [sflag:s22] =	dma.local [hbm:s5], s20  }
0xa4: {  	_ =	swait.ge [sflag:s22], s20  }
0xa5: {  	s4 =	ssub.s32 $0x0, s20;
	[sflag:s22] =	ssyncset.done $0x0  }
0xa6: {  	[sflag:s22] =	ssyncadd.s32 s4;
	_ =	sdelay $0x1  }
0xa7: {  	s23 =	simm.s32 $0x1B8B  }
0xa8: {  	_ =	swait.ge [sflag:s23], $0x1  }
0xa9: {  	[sflag:s23] =	ssyncset.done $0x0  }
0xaa: {  	s25 =	simm.s32 $0x1B8E;
	s24 =	sld [smem:$0x3FFE];
	[sflag:s23] =	ssyncadd.s32 $0xFFFFFFFF  }
0xab: {  	s26 =	simm.s32 $execute0_lowered;
	[smem:$0x3FD2] =	sst s25  }
0xac: {  	s5 =	sshll.u32 s26, $0x1;
	_ =	strace $0x8000004C;
	[dreg:$0x1] =	wrdreg $0xFFFFFFFF  }
0xad: {  	s28 =	simm.s32 $_size_execute0_lowered;
	s3 =	sadd.s32 s3, s5;
	[dreg:$0x0] =	wrdreg $0x0  }
0xae: {  	s5 =	sshll.u32 s28, $0x1;
	[dreg:$0x2] =	wrdreg s3  }
0xaf: {  	[dreg:$0x3] =	wrdreg s5  }
0xb0: {  	[dreg:$0x4] =	wrdreg $0xC0  }
0xb1: {  	_ =	task [dreg:s7], $0x5FFFF  }
0xb2: {  	[dreg:$0x1] =	wrdreg $0xFFFFFFFF  }
0xb3: {  	[dreg:$0x0] =	wrdreg $0x60  }
0xb4: {  	[dreg:$0x2] =	wrdreg s16  }
0xb5: {  	[dreg:$0x3] =	wrdreg s24  }
0xb6: {  	[dreg:$0x4] =	wrdreg $0xA1E00  }
0xb7: {  	[dreg:$0x5] =	wrdreg $0x9  }
0xb8: {  	_ =	task.clear_ibuf [dreg:s7], $0x6FFFF;
	_ =	strace $0x9000004C  }
0xb9: {  	s29 =	simm.s32 $0x9;
	_ =	strace $0x8000004E  }
0xba: {  	_ =	swait.ge [sflag:s29], $0x1  }
0xbb: {  	[sflag:s29] =	ssyncadd.s32 $0xFFFFFFFF  }
0xbc: {  	_ =	strace $0x9000004E  }
0xbd: {  	_ =	sfence  }
0xbe: {  	s30 =	sld [smem:$0x0];
	_ =	sdelay $0x2  }
0xbf: {  	s31 =	sshll.u32 s1, $0xD;
	s1 =	sshrl.u32 s1, $0x2  }
0xc0: {  	s3 =	sand.u32 $0x4000, s31;
	s1 =	sadd.s32 s1, s30  }
0xc1: {  	s0 =	sor.u32 s3, s0;
	s1 =	sshll.u32 s1, $0x11  }
0xc2: {  	s0 =	sor.u32 s1, s0  }
0xc3: {  	s0 =	sadd.s32 $0x8F2B, s0  }
0xc4: {  	[sflag:s0] =	ssyncadd.remote.s32 $0x1  }
0xc5: {  	_ =	sfence.sel $0xFFFF  }
0xc6: {  	[dreg:$0x0] =	wrdreg $0xFFFFFFFF;
	(pc) =	sbr.abs _section_cstart, $3  }
0xc7: {  	[dreg:$0x1] =	wrdreg $0xFFFFFFFF  }
0xc8: {  	_ =	task.clear_ibuf [dreg:s7], $0x2FFFF;
	_ =	strace $0x9FFFFFFF  }
0xc9: {  	(tm) =	ssettm $0x7FFFFFFF  }
tec
execute0_lowered:
.L_overlay_start_1:
0x0: {  	(tag) =	ssettag $0x1  }
0x1: {  	s1 =	rddreg [dreg:$0x0]  }
0x2: {  	s0 =	rddreg [dreg:$0x1]  }
0x3: {  	s2 =	rddreg [dreg:$0x2]  }
0x4: {  	s3 =	simm.s32 $0x0;
	s5 =	srdreg.scid;
	s16 =	stileid.u32  }
0x5: {  	s28 =	simm.s32 $0x4;
	s29 =	simm.s32 $0x5190;
	s31 =	simm.s32 $0x6  }
0x6: {  	[smem:$0x7FF] =	sst s3;
	s4 =	sadd.s32 $0xD400, s0;
	s8 =	smul.u32 $0x4E000, s16  }
0x7: {  	s6 =	sadd.s32 $0x3600, s0;
	s7 =	sand.u32 $0x1, s5;
	s11 =	smul.u32 $0x4E20, s16  }
0x8: {  	s5 =	sadd.s32 $0x17200, s0;
	s0 =	sadd.s32 $0x19A00, s0;
	s19 =	smul.u32 $0x138, s16  }
0x9: {  	s15 =	sadd.s32 $0x124800, s2;
	s30 =	sadd.s32 $0x1388, s16;
	s14 =	smul.u32 $0x9C4, s16  }
0xa: {  	p0 =	seq.s32 s16, $0xF;
	_ =	strace $0x8000004D;
	s20 =	smul.u32 $0x1388, s7  }
0xb: {  	s9 =	ssub.s32 $0x2, s7;
	s22 =	smul.u32 $0x138800, s7;
	s15 =	sshrl.u32 @p0 s15, $0x3  }
0xc: {  	v1 =	vmov s30;
	s30 =	simm.s32 $0x5;
	s10 =	sshrl.u32 s9, $0x1;
	s8 =	sshrl.u32 s8, $0x2  }
0xd: {  	s18 =	sshrl.u32 s11, $0x3;
	s13 =	sadd.s32 s14, s6;
	s14 =	sadd.s32 s14, s4  }
0xe: {  	s12 =	ssub.s32 s9, s10;
	s17 =	sadd.s32 s8, s2;
	s21 =	sadd.s32 $0xA, s18  }
0xf: {  	s23 =	sadd.s32 s4, s18;
	s24 =	sadd.s32 s6, s18;
	s10 =	sadd.s32 s19, s20  }
0x10: {  	s11 =	sshrl.u32 s22, $0x3;
	s18 =	simm.s32 $0x50;
	[dreg:$0x4] =	wrdreg s23  }
0x11: {  	s19 =	simm.s32 $0x50F0;
	s22 =	simm.s32 $0xF0;
	[dreg:$0x5] =	wrdreg s24  }
0x12: {  	s25 =	sadd.s32 s4, s21;
	s26 =	sadd.s32 s6, s21;
	s10 =	sshll.u32 s10, $0x5  }
0x13: {  	s11 =	sadd.s32 s0, s11;
	s12 =	smax.u32 s12, $0x1;
	s17 =	sshrl.u32 @!p0 s17, $0x3  }
0x14: {  	s21 =	simm.s32 $0x1;
	s23 =	simm.s32 $0x3;
	[dreg:$0x6] =	wrdreg s25  }
0x15: {  	s24 =	simm.s32 $0xA0;
	[dreg:$0x7] =	wrdreg s26;
	s10 =	sadd.s32 s0, s10  }
0x16: {  	s11 =	sadd.s32 $0x24900, s11;
	s0 =	sshll.u32 @!p0 s16, $0x6;
	s25 =	simm.s32 $0x2  }
0x17: {  	v0 =	vmov s20;
	s26 =	simm.s32 $0x51E0;
	s16 =	sor.u32 @!p0 $0x1C07, s0;
	s0 =	simm.s32 $0x0  }
.LBB2_1:
0x18: {  	s4 =	simm.s32 @p0 $0x1FC7  }
0x19: {  	[spmem:s15], [sflag:s4] =	dma.local @p0 [hbm:s5], $0x2800  }
0x1a: {  	s4 =	simm.s32 @p0 $0x7  }
0x1b: {  	_ =	swait.ge @p0 [sflag:s4], $0x2800  }
0x1c: {  	[sflag:s4] =	ssyncset.done @p0 $0x0  }
0x1d: {  	[sflag:s4] =	ssyncadd.s32 @p0 $0xFFFFD800;
	s4 =	simm.s32 @!p0 $0x7  }
0x1e: {  	[spmem:s17], [sflag:s16] =	dma.local @!p0 [hbm:s5], $0x2700  }
0x1f: {  	_ =	swait.ge @!p0 [sflag:s4], $0x2700  }
0x20: {  	[sflag:s4] =	ssyncset.done @!p0 $0x0  }
0x21: {  	[sflag:s4] =	ssyncadd.s32 @!p0 $0xFFFFD900  }
0x22: {  	[bflag:$0x0] =	sbarrier.arrive $0xFFFF  }
0x23: {  	s7 =	rddreg [dreg:$0x4]  }
0x24: {  	[tilespmem:s3], [sflag:$0x1] =	stream.linear.gather [hbm4b:s7+s3], $0x50, $0x38;
	[tilespmem:$0x1DB60] =	vst v63  }
0x25: {  	s8 =	rddreg [dreg:$0x5]  }
0x26: {  	[tilespmem:s18], [sflag:$0x1] =	stream.linear.gather [hbm4b:s8+s3], $0x50, $0x38;
	[tilespmem:$0x1DB60] =	vst v63  }
0x27: {  	s9 =	rddreg [dreg:$0x6]  }
0x28: {  	[tilespmem:s19], [sflag:$0x2] =	stream.linear.gather [hbm4b:s9+s3], $0x50, $0x38;
	[tilespmem:$0x1DB60] =	vst v63  }
0x29: {  	s6 =	simm.s32 $0x5140;
	s20 =	rddreg [dreg:$0x7]  }
0x2a: {  	[tilespmem:s6], [sflag:$0x2] =	stream.linear.gather [hbm4b:s20+s3], $0x50, $0x38;
	[tilespmem:$0x1DB60] =	vst v63  }
0x2b: {  	_ =	swait.ge [sflag:s21], $0x50  }
0x2c: {  	[sflag:s21] =	ssyncset.done $0x0  }
0x2d: {  	[sflag:s21] =	ssyncadd.s32 $0xFFFFFFB0  }
0x2e: {  	_ =	swait.ge [sflag:s21], $0x50  }
0x2f: {  	[sflag:s21] =	ssyncset.done $0x0  }
0x30: {  	[sflag:s21] =	ssyncadd.s32 $0xFFFFFFB0  }
0x31: {  	v2 =	vld [tilespmem:$0x50]  }
0x32: {  	v3 =	vld [tilespmem:$0x60]  }
0x33: {  	v4 =	vld [tilespmem:$0x70]  }
0x34: {  	v5 =	vld [tilespmem:$0x80]  }
0x35: {  	v6 =	vld [tilespmem:$0x90]  }
0x36: {  	v2 =	vsub.s32 v2, v0  }
0x37: {  	v3 =	vsub.s32 v3, v0;
	vm0 =	vlt.u32 v2, $0x1388  }
0x38: {  	v4 =	vsub.s32 v4, v0;
	vm12 =	vlt.u32 v3, $0x1388;
	v2 =	vsel vm0, v2, v1  }
0x39: {  	vm13 =	vlt.u32 v4, $0x1388;
	[tilespmem:$0xA0] =	vst v2;
	v2 =	vsel vm12, v3, v1;
	v3 =	vsub.s32 v5, v0  }
0x3a: {  	v63 =	vsub.s32 v6, v0;
	[tilespmem:$0xB0] =	vst v2;
	v2 =	vsel vm13, v4, v1;
	vm14 =	vlt.u32 v3, $0x1388  }
0x3b: {  	vm15 =	vlt.u32 v63, $0x1388;
	[tilespmem:$0xC0] =	vst v2;
	v2 =	vsel vm14, v3, v1  }
0x3c: {  	[tilespmem:$0xD0] =	vst v2;
	v2 =	vsel vm15, v63, v1  }
0x3d: {  	s4 =	simm.s32 $0x0;
	[tilespmem:$0xE0] =	vst v2  }
0x3e: {  	[tilespmem:s22], [sflag:$0x3] =	stream.indirect.gather [hbm4b:s1+s18], $0x100, s3, s18, $0xb8;
	[tilespmem:$0x1DB60] =	vst v63  }
.LBB2_2:
0x3f: {  	_ =	swait.ge [sflag:s23], $0x5000  }
0x40: {  	p1 =	seq.s32 s4, $0x9B0;
	[sflag:s23] =	ssyncset.done $0x0  }
0x41: {  	s7 =	sadd.s32 @!p1 s4, s14;
	[sflag:s23] =	ssyncadd.s32 $0xFFFFB000  }
0x42: {  	[spmem:s2] =	stream.indirect.scatter.add.f32 [tilespmem:s22], [sflag:$0x5], $0x100, s24, s18, $0xb8;
	[tilespmem:$0x1DB60] =	vst v63  }
0x43: {  	s20 =	simm.s32 @!p1 $0x0;
	s8 =	sadd.s32 @!p1 s4, s13;
	s6 =	sadd.s32 @!p1 $0x14, s7  }
0x44: {  	[tilespmem:s20], [sflag:$0x1] =	stream.linear.gather @!p1 [hbm4b:s6+s20], $0x50, $0x38;
	[tilespmem:$0x1DB60] =	vst v63  }
0x45: {  	s9 =	sadd.s32 @!p1 $0x14, s8;
	s6 =	simm.s32 @!p1 $0x50  }
0x46: {  	[tilespmem:s6], [sflag:$0x1] =	stream.linear.gather @!p1 [hbm4b:s9+s20], $0x50, $0x38;
	[tilespmem:$0x1DB60] =	vst v63  }
0x47: {  	_ =	swait.ge [sflag:s25], $0x50  }
0x48: {  	[sflag:s25] =	ssyncset.done $0x0  }
0x49: {  	[sflag:s25] =	ssyncadd.s32 $0xFFFFFFB0  }
0x4a: {  	_ =	swait.ge [sflag:s25], $0x50  }
0x4b: {  	p2 =	seq.s32 s4, $0x0;
	[sflag:s25] =	ssyncset.done $0x0  }
0x4c: {  	s9 =	simm.s32 @!p2 $0x6;
	[sflag:s25] =	ssyncadd.s32 $0xFFFFFFB0  }
0x4d: {  	_ =	swait.ge @!p2 [sflag:s9], $0x5000  }
0x4e: {  	[sflag:s9] =	ssyncset.done @!p2 $0x0  }
0x4f: {  	[sflag:s9] =	ssyncadd.s32 @!p2 $0xFFFFB000  }
0x50: {  	v2 =	vld [tilespmem:$0x5140]  }
0x51: {  	v3 =	vld [tilespmem:$0x5150]  }
0x52: {  	v4 =	vld [tilespmem:$0x5160]  }
0x53: {  	v5 =	vld [tilespmem:$0x5170]  }
0x54: {  	v6 =	vld [tilespmem:$0x5180]  }
0x55: {  	v2 =	vsub.s32 v2, v0  }
0x56: {  	v3 =	vsub.s32 v3, v0;
	vm0 =	vlt.u32 v2, $0x1388  }
0x57: {  	v4 =	vsub.s32 v4, v0;
	vm12 =	vlt.u32 v3, $0x1388;
	v2 =	vsel vm0, v2, v1  }
0x58: {  	vm13 =	vlt.u32 v4, $0x1388;
	[tilespmem:$0x5190] =	vst v2;
	v2 =	vsel vm12, v3, v1;
	v3 =	vsub.s32 v5, v0  }
0x59: {  	v63 =	vsub.s32 v6, v0;
	[tilespmem:$0x51A0] =	vst v2;
	v2 =	vsel vm13, v4, v1;
	vm14 =	vlt.u32 v3, $0x1388  }
0x5a: {  	vm15 =	vlt.u32 v63, $0x1388;
	[tilespmem:$0x51B0] =	vst v2;
	v2 =	vsel vm14, v3, v1  }
0x5b: {  	[tilespmem:$0x51C0] =	vst v2;
	v2 =	vsel vm15, v63, v1  }
0x5c: {  	[tilespmem:$0x51D0] =	vst v2  }
0x5d: {  	[tilespmem:s26], [sflag:$0x4] =	stream.indirect.gather [hbm4b:s1+s18], $0x100, s19, s18, $0xb8;
	[tilespmem:$0x1DB60] =	vst v63  }
0x5e: {  	_ =	swait.ge [sflag:s28], $0x5000  }
0x5f: {  	[sflag:s28] =	ssyncset.done $0x0  }
0x60: {  	[sflag:s28] =	ssyncadd.s32 $0xFFFFB000  }
0x61: {  	[spmem:s2] =	stream.indirect.scatter.add.f32 [tilespmem:s26], [sflag:$0x6], $0x100, s29, s18, $0xb8;
	[tilespmem:$0x1DB60] =	vst v63  }
0x62: {  	s7 =	sadd.s32 @!p1 $0x1E, s7;
	s9 =	simm.s32 @!p1 $0x50F0  }
0x63: {  	[tilespmem:s9], [sflag:$0x2] =	stream.linear.gather @!p1 [hbm4b:s7+s20], $0x50, $0x38;
	[tilespmem:$0x1DB60] =	vst v63  }
0x64: {  	s7 =	sadd.s32 @!p1 $0x1E, s8;
	s8 =	simm.s32 @!p1 $0x5140  }
0x65: {  	[tilespmem:s8], [sflag:$0x2] =	stream.linear.gather @!p1 [hbm4b:s7+s20], $0x50, $0x38;
	[tilespmem:$0x1DB60] =	vst v63  }
0x66: {  	s7 =	simm.s32 @!p1 $0x1  }
0x67: {  	_ =	swait.ge @!p1 [sflag:s7], $0x50  }
0x68: {  	[sflag:s7] =	ssyncset.done @!p1 $0x0  }
0x69: {  	[sflag:s7] =	ssyncadd.s32 @!p1 $0xFFFFFFB0  }
0x6a: {  	_ =	swait.ge @!p1 [sflag:s7], $0x50  }
0x6b: {  	[sflag:s7] =	ssyncset.done @!p1 $0x0  }
0x6c: {  	[sflag:s7] =	ssyncadd.s32 @!p1 $0xFFFFFFB0;
	s7 =	simm.s32 @!p1 $0x5  }
0x6d: {  	_ =	swait.ge @!p1 [sflag:s7], $0x5000  }
0x6e: {  	[sflag:s7] =	ssyncset.done @!p1 $0x0  }
0x6f: {  	[sflag:s7] =	ssyncadd.s32 @!p1 $0xFFFFB000  }
0x70: {  	v2 =	vld @!p1 [tilespmem:$0x50]  }
0x71: {  	v3 =	vld @!p1 [tilespmem:$0x60]  }
0x72: {  	v4 =	vld @!p1 [tilespmem:$0x70]  }
0x73: {  	v5 =	vld @!p1 [tilespmem:$0x80]  }
0x74: {  	v6 =	vld @!p1 [tilespmem:$0x90]  }
0x75: {  	v2 =	vsub.s32 @!p1 v2, v0  }
0x76: {  	v3 =	vsub.s32 @!p1 v3, v0;
	vm0 =	vlt.u32 @!p1 v2, $0x1388  }
0x77: {  	v4 =	vsub.s32 @!p1 v4, v0;
	v2 =	vsel @!p1 vm0, v2, v1;
	vm0 =	vlt.u32 @!p1 v3, $0x1388  }
0x78: {  	[tilespmem:$0xA0] =	vst @!p1 v2;
	v2 =	vsel @!p1 vm0, v3, v1;
	vm0 =	vlt.u32 @!p1 v4, $0x1388;
	v3 =	vsub.s32 @!p1 v5, v0  }
0x79: {  	[tilespmem:$0xB0] =	vst @!p1 v2;
	v2 =	vsel @!p1 vm0, v4, v1;
	vm0 =	vlt.u32 @!p1 v3, $0x1388;
	v4 =	vsub.s32 @!p1 v6, v0  }
0x7a: {  	[tilespmem:$0xC0] =	vst @!p1 v2;
	v2 =	vsel @!p1 vm0, v3, v1;
	vm0 =	vlt.u32 @!p1 v4, $0x1388  }
0x7b: {  	s4 =	sadd.s32 @!p1 $0x14, s4;
	[tilespmem:$0xD0] =	vst @!p1 v2;
	v2 =	vsel @!p1 vm0, v4, v1  }
0x7c: {  	p2 =	sne.s32 @!p1 s4, $0x9C4;
	s7 =	simm.s32 @!p1 $0xF0;
	[tilespmem:$0xE0] =	vst @!p1 v2  }
0x7d: {  	[tilespmem:s7], [sflag:$0x3] =	stream.indirect.gather @!p1 [hbm4b:s1+s6], $0x100, s20, s6, $0xb8;
	[tilespmem:$0x1DB60] =	vst v63  }
0x7e: {  	p1 =	por p1, !p2  }
.Ltmp0:
0x7f: {  	_ = 	snop;
	(pc) =	sbr.rel @!p1 .LBB2_2-.Ltmp0, $1  }
0x80: {  	_ =	sdelay $0x3  }
0x81: {  	_ =	swait.ge [sflag:s30], $0x5000  }
0x82: {  	[sflag:s30] =	ssyncset.done $0x0  }
0x83: {  	[sflag:s30] =	ssyncadd.s32 $0xFFFFB000  }
0x84: {  	_ =	swait.ge [sflag:s31], $0x5000  }
0x85: {  	[sflag:s31] =	ssyncset.done $0x0  }
0x86: {  	[sflag:s31] =	ssyncadd.s32 $0xFFFFB000  }
0x87: {  	s4 =	simm.s32 @p0 $0x1FC7;
	[bflag:$0x0] =	sbarrier.arrive $0xFFFF  }
0x88: {  	[hbm:s11], [sflag:s4] =	dma.local @p0 [spmem:s15], $0x2800  }
0x89: {  	s4 =	simm.s32 @p0 $0x7  }
0x8a: {  	s0 =	sadd.s32 $0x1, s0;
	_ =	swait.ge @p0 [sflag:s4], $0x2800  }
0x8b: {  	p1 =	sne.s32 s0, s12;
	[sflag:s4] =	ssyncset.done @p0 $0x0  }
.Ltmp1:
0x8c: {  	[sflag:s4] =	ssyncadd.s32 @p0 $0xFFFFD800;
	s4 =	simm.s32 @!p0 $0x7;
	(pc) =	sbr.rel @p1 .LBB2_1-.Ltmp1, $4  }
0x8d: {  	[hbm:s10], [sflag:s16] =	dma.local @!p0 [spmem:s17], $0x2700  }
0x8e: {  	_ =	swait.ge @!p0 [sflag:s4], $0x2700  }
0x8f: {  	[sflag:s4] =	ssyncset.done @!p0 $0x0  }
0x90: {  	[sflag:s4] =	ssyncadd.s32 @!p0 $0xFFFFD900  }
0x91: {  	_ =	sfence.sel $0x180000  }
0x92: {  	[bflag:$0x0] =	sbarrier.arrive $0xFFFF  }
0x93: {  	_ =	strace $0x9000004D  }
0x94: {  	s0 =	stileid.u32;
	[bflag:$0x2] =	sbarrier.arrive $0xFFFF  }
0x95: {  	p0 =	sne.s32 s0, $0x0;
	s0 =	rddreg [dreg:$0x3]  }
0x96: {  	s0 =	sadd.s32 @!p0 $0x100000, s0  }
0x97: {  	[sflag:s0] =	ssyncadd.tile.s32 @!p0 $0x1;
	_ =	shalt  }
.Lfunc_end2:
_tile_overlayer_lowered:
.L_overlay_start_2:
0x98: {  	(tag) =	ssettag $0x2  }
0x99: {  	s0 =	rddreg [dreg:$0x0];
	s2 =	stileid.u32  }
0x9a: {  	s1 =	rddreg [dreg:$0x1];
	p0 =	sne.s32 s2, $0x0  }
0x9b: {  	s3 =	rddreg [dreg:$0x2];
	[bflag:$0x3] =	sbarrier.arrive $0xFFFF;
	s2 =	simm.s32 @!p0 $0x1C07  }
0x9c: {  	[timem:s3], [sflag:s2] =	dma.local @!p0 [hbm:s0], s1  }
0x9d: {  	s0 =	simm.s32 @!p0 $0x7  }
0x9e: {  	_ =	swait.ge @!p0 [sflag:s0], s1  }
0x9f: {  	s1 =	ssub.s32 @!p0 $0x0, s1;
	[sflag:s0] =	ssyncset.done @!p0 $0x0  }
0xa0: {  	[sflag:s0] =	ssyncadd.s32 @!p0 s1  }
0xa1: {  	[bflag:$0x3] =	sbarrier.arrive $0xFFFF  }
0xa2: {  	_ =	shalt  }

// kernel: kernel.9.cloned.1.call-start
scs
__scs_entry_jumppad:
0x0: {  	(pc) =	sbr.rel $0x88, $3  }
0x1: {  	(tag) =	ssettag $0x0;
	lr =	simm.s32 $0x1  }
0x2: {  	[smem:$0x3F8A] =	sst lr;
	_ =	strace $0xD0000000  }
0x3: {  	_ = 	snop  }
0x4: {  	_ = 	snop  }
0x5: {  	_ = 	snop  }
0x6: {  	_ = 	snop  }
0x7: {  	_ = 	snop  }
__scs_overlays_trampoline_lowered:
0x8: {  	[smem:$0x3F99] =	sst s0  }
0x9: {  	[smem:$0x3F9A] =	sst s1  }
0xa: {  	[smem:$0x3F9B] =	sst s2  }
0xb: {  	[smem:$0x3F9C] =	sst s3  }
0xc: {  	[smem:$0x3F9D] =	sst s4  }
0xd: {  	[smem:$0x3F9E] =	sst s5  }
0xe: {  	[smem:$0x3F9F] =	sst s6  }
0xf: {  	[smem:$0x3FA0] =	sst s7  }
0x10: {  	[smem:$0x3FA1] =	sst s8  }
0x11: {  	[smem:$0x3FA2] =	sst s9;
	s0 =	simm.s32 @!p0 $0x0  }
0x12: {  	s1 =	sld [smem:$0x3F88];
	s0 =	simm.s32 @p0 $0x1  }
0x13: {  	[smem:$0x3FA3] =	sst s0;
	s0 =	simm.s32 @!p1 $0x0  }
0x14: {  	s2 =	sld [smem:$0x3F87];
	s0 =	simm.s32 @p1 $0x1  }
0x15: {  	[smem:$0x3FA4] =	sst s0;
	s0 =	simm.s32 @!p2 $0x0  }
0x16: {  	s3 =	sld [smem:$0x3FDB];
	s0 =	simm.s32 @p2 $0x1  }
0x17: {  	s4 =	simm.s32 $0x1BF5;
	[smem:$0x3FA6] =	sst s0  }
0x18: {  	s0 =	sld [smem:$0x3F89];
	_ =	swait.ge [sflag:s4], $0x0  }
0x19: {  	s7 =	sld [smem:$0x3F8A]  }
0x1a: {  	s8 =	sadd.s32 $0xFFFFE003, lr  }
0x1b: {  	s9 =	sadd.s32 $0xFFFFFEF7, lr;
	s5 =	simm.s32 $0xFFFFFFFF;
	p2 =	slt.u32 s8, $0xFFFFF086  }
0x1c: {  	p1 =	slt.u32 s9, $0xF7A;
	s5 =	simm.s32 @!p2 $0x0  }
0x1d: {  	s5 =	simm.s32 @p1 $0x1;
	p0 =	seq.s32 s7, s2  }
0x1e: {  	s7 =	smul.u32 @!p0 $0xF7A, s2;
	p2 =	seq.s32 @!p0 s5, $0x0  }
0x1f: {  	s9 =	smul.u32 $0xF7A, s1;
	s8 =	simm.s32 @!p0 $0x1BF5;
	p2 =	por !p2, p0  }
0x20: {  	[sflag:s8] =	ssyncset.s32 @!p0 $0xFFFFF086;
	s6 =	sadd.s32 @!p0 s3, s7;
	s7 =	simm.s32 @!p0 $0x108  }
0x21: {  	s3 =	sadd.s32 s3, s9;
	s6 =	sadd.s32 @!p0 $0x88, s6;
	s7 =	simm.s32 @p2 $0x1082  }
0x22: {  	[simem:s7], [sflag:s8] =	dma.local @!p0 [hbm:s6], $0xF7A  }
0x23: {  	s9 =	sor.u32 $0xD0000000, s2;
	s6 =	simm.s32 $0x108;
	_ =	swait.ge @!p0 [sflag:s8], $0x0  }
0x24: {  	s3 =	sadd.s32 $0x88, s3;
	s6 =	simm.s32 @!p1 $0x1082;
	[sflag:s4] =	ssyncset.s32 $0xFFFFF086  }
0x25: {  	[simem:s6], [sflag:s4] =	dma.local [hbm:s3], $0xF7A  }
0x26: {  	[smem:$0x3F8A] =	sst s1;
	(tag) =	ssettag s2;
	_ =	strace s9  }
0x27: {  	s1 =	sld [smem:$0x3F9A]  }
0x28: {  	s2 =	sld [smem:$0x3F9B]  }
0x29: {  	s4 =	sld [smem:$0x3F9D]  }
0x2a: {  	p0 =	seq.s32 s5, $0x0;
	s5 =	sld [smem:$0x3F9E]  }
0x2b: {  	s6 =	sld [smem:$0x3F9F]  }
0x2c: {  	s7 =	sld [smem:$0x3FA0]  }
0x2d: {  	s3 =	simm.s32 $0x108;
	s8 =	sld [smem:$0x3FA1]  }
0x2e: {  	s3 =	simm.s32 @!p0 $0x1082;
	s9 =	sld [smem:$0x3FA2]  }
0x2f: {  	lr =	sadd.s32 s0, s3;
	s0 =	sld [smem:$0x3F99]  }
0x30: {  	s3 =	sld [smem:$0x3F9C]  }
0x31: {  	[smem:$0x3FA5] =	sst s10  }
0x32: {  	s10 =	sld [smem:$0x3FA3];
	_ =	sdelay $0x3  }
0x33: {  	p0 =	seq.s32 s10, $0x1;
	s10 =	sld [smem:$0x3FA5];
	_ =	sdelay $0x3  }
0x34: {  	[smem:$0x3FA5] =	sst s10  }
0x35: {  	s10 =	sld [smem:$0x3FA4];
	_ =	sdelay $0x3  }
0x36: {  	p1 =	seq.s32 s10, $0x1;
	s10 =	sld [smem:$0x3FA5];
	_ =	sdelay $0x3  }
0x37: {  	[smem:$0x3FA5] =	sst s10  }
0x38: {  	s10 =	sld [smem:$0x3FA6]  }
0x39: {  	_ = 	snop;
	(pc) =	sbr.ind lr, $3  }
0x3a: {  	_ = 	snop  }
0x3b: {  	_ = 	snop  }
0x3c: {  	p2 =	seq.s32 s10, $0x1;
	s10 =	sld [smem:$0x3FA5]  }
0x3d: {  	_ =	shalt  }
0x3e: {  	_ =	shalt  }
0x3f: {  	_ =	shalt  }
0x40: {  	_ =	shalt  }
0x41: {  	_ =	shalt  }
0x42: {  	_ =	shalt  }
0x43: {  	_ =	shalt  }
0x44: {  	_ =	shalt  }
0x45: {  	_ =	shalt  }
0x46: {  	_ =	shalt  }
0x47: {  	_ =	shalt  }
0x48: {  	_ =	shalt  }
0x49: {  	_ =	shalt  }
0x4a: {  	_ =	shalt  }
0x4b: {  	_ =	shalt  }
0x4c: {  	_ =	shalt  }
0x4d: {  	_ =	shalt  }
0x4e: {  	_ =	shalt  }
0x4f: {  	_ =	shalt  }
0x50: {  	_ =	shalt  }
0x51: {  	_ =	shalt  }
0x52: {  	_ =	shalt  }
0x53: {  	_ =	shalt  }
0x54: {  	_ =	shalt  }
0x55: {  	_ =	shalt  }
0x56: {  	_ =	shalt  }
0x57: {  	_ =	shalt  }
0x58: {  	_ =	shalt  }
0x59: {  	_ =	shalt  }
0x5a: {  	_ =	shalt  }
0x5b: {  	_ =	shalt  }
0x5c: {  	_ =	shalt  }
0x5d: {  	_ =	shalt  }
0x5e: {  	_ =	shalt  }
0x5f: {  	_ =	shalt  }
0x60: {  	_ =	shalt  }
0x61: {  	_ =	shalt  }
0x62: {  	_ =	shalt  }
0x63: {  	_ =	shalt  }
0x64: {  	_ =	shalt  }
0x65: {  	_ =	shalt  }
0x66: {  	_ =	shalt  }
0x67: {  	_ =	shalt  }
0x68: {  	_ =	shalt  }
0x69: {  	_ =	shalt  }
0x6a: {  	_ =	shalt  }
0x6b: {  	_ =	shalt  }
0x6c: {  	_ =	shalt  }
0x6d: {  	_ =	shalt  }
0x6e: {  	_ =	shalt  }
0x6f: {  	_ =	shalt  }
0x70: {  	_ =	shalt  }
0x71: {  	_ =	shalt  }
0x72: {  	_ =	shalt  }
0x73: {  	_ =	shalt  }
0x74: {  	_ =	shalt  }
0x75: {  	_ =	shalt  }
0x76: {  	_ =	shalt  }
0x77: {  	_ =	shalt  }
0x78: {  	_ =	shalt  }
0x79: {  	_ =	shalt  }
0x7a: {  	_ =	shalt  }
0x7b: {  	_ =	shalt  }
0x7c: {  	_ =	shalt  }
0x7d: {  	_ =	shalt  }
0x7e: {  	_ =	shalt  }
0x7f: {  	_ =	shalt  }
0x80: {  	_ =	shalt  }
0x81: {  	_ =	shalt  }
0x82: {  	_ =	shalt  }
0x83: {  	_ =	shalt  }
0x84: {  	_ =	shalt  }
0x85: {  	_ =	shalt  }
0x86: {  	_ =	shalt  }
0x87: {  	_ =	shalt  }
.Lfunc_end0:
.L_simem_size_0:
called_computation_lowered:
.L_overlay_start_0:
0x88: {  	s2 =	sld [smem:$0x3FD9]  }
0x89: {  	s3 =	sld [smem:$0x3FFE];
	_ =	sdelay $0x1  }
0x8a: {  	s1 =	srdreg.scid  }
0x8b: {  	s0 =	sand.u32 $0x1, s1  }
0x8c: {  	s14 =	sshll.u32 s0, $0xA;
	s2 =	sadd.s32 s3, s2  }
0x8d: {  	s2 =	sadd.s32 s2, s14  }
0x8e: {  	[smem:$0x3FB1] =	sst s2  }
0x8f: {  	_ = 	snop  }
0x90: {  	s2 =	sld [smem:$0x3FD0];
	_ =	sdelay $0x2  }
0x91: {  	s15 =	simm.s32 $0xA;
	s4 =	simm.s32 $0x10  }
0x92: {  	[smem:s4], [sflag:s15] =	dma.local [hbm:s2], $0x1  }
0x93: {  	_ =	swait.eq [sflag:s15], $0x1  }
0x94: {  	[sflag:s15] =	ssyncset.done $0x0  }
0x95: {  	[sflag:s15] =	ssyncadd.s32 $0xFFFFFFFF  }
0x96: {  	s16 =	sld [smem:$0x11];
	(tm) =	ssettm $0x1  }
0x97: {  	s17 =	sld [smem:$0x3FFB];
	_ =	sdelay $0x3  }
0x98: {  	_ =	strace s17  }
0x99: {  	s3 =	sld [smem:$0x3FFC];
	_ =	sdelay $0x3  }
0x9a: {  	_ =	strace s3  }
0x9b: {  	s3 =	sld [smem:$0x3FFD];
	_ =	sdelay $0x3  }
0x9c: {  	_ =	strace s3  }
0x9d: {  	_ =	strace $0x8FFFFFFF  }
0x9e: {  	s18 =	sld [smem:$0x3FDB];
	_ =	sdelay $0x1  }
0x9f: {  	s19 =	simm.s32 $_scs_section_size  }
0xa0: {  	s5 =	simm.s32 $_size__tile_overlayer_lowered;
	s6 =	simm.s32 $_tile_overlayer_lowered  }
0xa1: {  	s22 =	simm.s32 $0x1BFF;
	s21 =	sshll.u32 s6, $0x1;
	s3 =	sadd.s32 s19, s18  }
0xa2: {  	s7 =	simm.s32 $0x0;
	s20 =	sshll.u32 s5, $0x1;
	s5 =	sadd.s32 s21, s3  }
0xa3: {  	[timem:s7], [sflag:s22] =	dma.local [hbm:s5], s20  }
0xa4: {  	_ =	swait.ge [sflag:s22], s20  }
0xa5: {  	s4 =	ssub.s32 $0x0, s20;
	[sflag:s22] =	ssyncset.done $0x0  }
0xa6: {  	[sflag:s22] =	ssyncadd.s32 s4;
	_ =	sdelay $0x1  }
0xa7: {  	s23 =	simm.s32 $0x1B8B  }
0xa8: {  	_ =	swait.ge [sflag:s23], $0x1  }
0xa9: {  	[sflag:s23] =	ssyncset.done $0x0  }
0xaa: {  	s25 =	simm.s32 $0x1B8E;
	s24 =	sld [smem:$0x3FFE];
	[sflag:s23] =	ssyncadd.s32 $0xFFFFFFFF  }
0xab: {  	s26 =	simm.s32 $execute0_lowered;
	[smem:$0x3FD2] =	sst s25  }
0xac: {  	s5 =	sshll.u32 s26, $0x1;
	_ =	strace $0x80000046;
	[dreg:$0x1] =	wrdreg $0xFFFFFFFF  }
0xad: {  	s28 =	simm.s32 $_size_execute0_lowered;
	s3 =	sadd.s32 s3, s5;
	[dreg:$0x0] =	wrdreg $0x0  }
0xae: {  	s5 =	sshll.u32 s28, $0x1;
	[dreg:$0x2] =	wrdreg s3  }
0xaf: {  	[dreg:$0x3] =	wrdreg s5  }
0xb0: {  	[dreg:$0x4] =	wrdreg $0xC0  }
0xb1: {  	_ =	task [dreg:s7], $0x5FFFF  }
0xb2: {  	[dreg:$0x1] =	wrdreg $0xFFFFFFFF  }
0xb3: {  	[dreg:$0x0] =	wrdreg $0x60  }
0xb4: {  	[dreg:$0x2] =	wrdreg s16  }
0xb5: {  	[dreg:$0x3] =	wrdreg s24  }
0xb6: {  	[dreg:$0x4] =	wrdreg $0xA1E00  }
0xb7: {  	[dreg:$0x5] =	wrdreg $0x9  }
0xb8: {  	_ =	task.clear_ibuf [dreg:s7], $0x6FFFF;
	_ =	strace $0x90000046  }
0xb9: {  	s29 =	simm.s32 $0x9;
	_ =	strace $0x80000048  }
0xba: {  	_ =	swait.ge [sflag:s29], $0x1  }
0xbb: {  	[sflag:s29] =	ssyncadd.s32 $0xFFFFFFFF  }
0xbc: {  	_ =	strace $0x90000048  }
0xbd: {  	_ =	sfence  }
0xbe: {  	s30 =	sld [smem:$0x0];
	_ =	sdelay $0x2  }
0xbf: {  	s31 =	sshll.u32 s1, $0xD;
	s1 =	sshrl.u32 s1, $0x2  }
0xc0: {  	s3 =	sand.u32 $0x4000, s31;
	s1 =	sadd.s32 s1, s30  }
0xc1: {  	s0 =	sor.u32 s3, s0;
	s1 =	sshll.u32 s1, $0x11  }
0xc2: {  	s0 =	sor.u32 s1, s0  }
0xc3: {  	s0 =	sadd.s32 $0x8F2B, s0  }
0xc4: {  	[sflag:s0] =	ssyncadd.remote.s32 $0x1  }
0xc5: {  	_ =	sfence.sel $0xFFFF  }
0xc6: {  	[dreg:$0x0] =	wrdreg $0xFFFFFFFF;
	(pc) =	sbr.abs _section_cstart, $3  }
0xc7: {  	[dreg:$0x1] =	wrdreg $0xFFFFFFFF  }
0xc8: {  	_ =	task.clear_ibuf [dreg:s7], $0x2FFFF;
	_ =	strace $0x9FFFFFFF  }
0xc9: {  	(tm) =	ssettm $0x7FFFFFFF  }
tec
execute0_lowered:
.L_overlay_start_1:
0x0: {  	(tag) =	ssettag $0x1  }
0x1: {  	s1 =	rddreg [dreg:$0x0]  }
0x2: {  	s0 =	rddreg [dreg:$0x1]  }
0x3: {  	s2 =	rddreg [dreg:$0x2]  }
0x4: {  	s3 =	simm.s32 $0x0;
	s5 =	srdreg.scid;
	s16 =	stileid.u32  }
0x5: {  	s28 =	simm.s32 $0x4;
	s29 =	simm.s32 $0x5190;
	s31 =	simm.s32 $0x6  }
0x6: {  	[smem:$0x7FF] =	sst s3;
	s4 =	sadd.s32 $0xD400, s0;
	s8 =	smul.u32 $0x4E000, s16  }
0x7: {  	s6 =	sadd.s32 $0x3600, s0;
	s7 =	sand.u32 $0x1, s5;
	s11 =	smul.u32 $0x4E20, s16  }
0x8: {  	s5 =	sadd.s32 $0x17200, s0;
	s0 =	sadd.s32 $0x19A00, s0;
	s19 =	smul.u32 $0x138, s16  }
0x9: {  	s15 =	sadd.s32 $0x124800, s2;
	s30 =	sadd.s32 $0x1388, s16;
	s14 =	smul.u32 $0x9C4, s16  }
0xa: {  	p0 =	seq.s32 s16, $0xF;
	_ =	strace $0x80000047;
	s20 =	smul.u32 $0x1388, s7  }
0xb: {  	s9 =	ssub.s32 $0x2, s7;
	s22 =	smul.u32 $0x138800, s7;
	s15 =	sshrl.u32 @p0 s15, $0x3  }
0xc: {  	v1 =	vmov s30;
	s30 =	simm.s32 $0x5;
	s10 =	sshrl.u32 s9, $0x1;
	s8 =	sshrl.u32 s8, $0x2  }
0xd: {  	s18 =	sshrl.u32 s11, $0x3;
	s13 =	sadd.s32 s14, s6;
	s14 =	sadd.s32 s14, s4  }
0xe: {  	s12 =	ssub.s32 s9, s10;
	s17 =	sadd.s32 s8, s2;
	s21 =	sadd.s32 $0xA, s18  }
0xf: {  	s23 =	sadd.s32 s4, s18;
	s24 =	sadd.s32 s6, s18;
	s10 =	sadd.s32 s19, s20  }
0x10: {  	s11 =	sshrl.u32 s22, $0x3;
	s18 =	simm.s32 $0x50;
	[dreg:$0x4] =	wrdreg s23  }
0x11: {  	s19 =	simm.s32 $0x50F0;
	s22 =	simm.s32 $0xF0;
	[dreg:$0x5] =	wrdreg s24  }
0x12: {  	s25 =	sadd.s32 s4, s21;
	s26 =	sadd.s32 s6, s21;
	s10 =	sshll.u32 s10, $0x5  }
0x13: {  	s11 =	sadd.s32 s0, s11;
	s12 =	smax.u32 s12, $0x1;
	s17 =	sshrl.u32 @!p0 s17, $0x3  }
0x14: {  	s21 =	simm.s32 $0x1;
	s23 =	simm.s32 $0x3;
	[dreg:$0x6] =	wrdreg s25  }
0x15: {  	s24 =	simm.s32 $0xA0;
	[dreg:$0x7] =	wrdreg s26;
	s10 =	sadd.s32 s0, s10  }
0x16: {  	s11 =	sadd.s32 $0x24900, s11;
	s0 =	sshll.u32 @!p0 s16, $0x6;
	s25 =	simm.s32 $0x2  }
0x17: {  	v0 =	vmov s20;
	s26 =	simm.s32 $0x51E0;
	s16 =	sor.u32 @!p0 $0x1C07, s0;
	s0 =	simm.s32 $0x0  }
.LBB2_1:
0x18: {  	s4 =	simm.s32 @p0 $0x1FC7  }
0x19: {  	[spmem:s15], [sflag:s4] =	dma.local @p0 [hbm:s5], $0x2800  }
0x1a: {  	s4 =	simm.s32 @p0 $0x7  }
0x1b: {  	_ =	swait.ge @p0 [sflag:s4], $0x2800  }
0x1c: {  	[sflag:s4] =	ssyncset.done @p0 $0x0  }
0x1d: {  	[sflag:s4] =	ssyncadd.s32 @p0 $0xFFFFD800;
	s4 =	simm.s32 @!p0 $0x7  }
0x1e: {  	[spmem:s17], [sflag:s16] =	dma.local @!p0 [hbm:s5], $0x2700  }
0x1f: {  	_ =	swait.ge @!p0 [sflag:s4], $0x2700  }
0x20: {  	[sflag:s4] =	ssyncset.done @!p0 $0x0  }
0x21: {  	[sflag:s4] =	ssyncadd.s32 @!p0 $0xFFFFD900  }
0x22: {  	[bflag:$0x0] =	sbarrier.arrive $0xFFFF  }
0x23: {  	s7 =	rddreg [dreg:$0x4]  }
0x24: {  	[tilespmem:s3], [sflag:$0x1] =	stream.linear.gather [hbm4b:s7+s3], $0x50, $0x38;
	[tilespmem:$0x1DB60] =	vst v63  }
0x25: {  	s8 =	rddreg [dreg:$0x5]  }
0x26: {  	[tilespmem:s18], [sflag:$0x1] =	stream.linear.gather [hbm4b:s8+s3], $0x50, $0x38;
	[tilespmem:$0x1DB60] =	vst v63  }
0x27: {  	s9 =	rddreg [dreg:$0x6]  }
0x28: {  	[tilespmem:s19], [sflag:$0x2] =	stream.linear.gather [hbm4b:s9+s3], $0x50, $0x38;
	[tilespmem:$0x1DB60] =	vst v63  }
0x29: {  	s6 =	simm.s32 $0x5140;
	s20 =	rddreg [dreg:$0x7]  }
0x2a: {  	[tilespmem:s6], [sflag:$0x2] =	stream.linear.gather [hbm4b:s20+s3], $0x50, $0x38;
	[tilespmem:$0x1DB60] =	vst v63  }
0x2b: {  	_ =	swait.ge [sflag:s21], $0x50  }
0x2c: {  	[sflag:s21] =	ssyncset.done $0x0  }
0x2d: {  	[sflag:s21] =	ssyncadd.s32 $0xFFFFFFB0  }
0x2e: {  	_ =	swait.ge [sflag:s21], $0x50  }
0x2f: {  	[sflag:s21] =	ssyncset.done $0x0  }
0x30: {  	[sflag:s21] =	ssyncadd.s32 $0xFFFFFFB0  }
0x31: {  	v2 =	vld [tilespmem:$0x50]  }
0x32: {  	v3 =	vld [tilespmem:$0x60]  }
0x33: {  	v4 =	vld [tilespmem:$0x70]  }
0x34: {  	v5 =	vld [tilespmem:$0x80]  }
0x35: {  	v6 =	vld [tilespmem:$0x90]  }
0x36: {  	v2 =	vsub.s32 v2, v0  }
0x37: {  	v3 =	vsub.s32 v3, v0;
	vm0 =	vlt.u32 v2, $0x1388  }
0x38: {  	v4 =	vsub.s32 v4, v0;
	vm12 =	vlt.u32 v3, $0x1388;
	v2 =	vsel vm0, v2, v1  }
0x39: {  	vm13 =	vlt.u32 v4, $0x1388;
	[tilespmem:$0xA0] =	vst v2;
	v2 =	vsel vm12, v3, v1;
	v3 =	vsub.s32 v5, v0  }
0x3a: {  	v63 =	vsub.s32 v6, v0;
	[tilespmem:$0xB0] =	vst v2;
	v2 =	vsel vm13, v4, v1;
	vm14 =	vlt.u32 v3, $0x1388  }
0x3b: {  	vm15 =	vlt.u32 v63, $0x1388;
	[tilespmem:$0xC0] =	vst v2;
	v2 =	vsel vm14, v3, v1  }
0x3c: {  	[tilespmem:$0xD0] =	vst v2;
	v2 =	vsel vm15, v63, v1  }
0x3d: {  	s4 =	simm.s32 $0x0;
	[tilespmem:$0xE0] =	vst v2  }
0x3e: {  	[tilespmem:s22], [sflag:$0x3] =	stream.indirect.gather [hbm4b:s1+s18], $0x100, s3, s18, $0xb8;
	[tilespmem:$0x1DB60] =	vst v63  }
.LBB2_2:
0x3f: {  	_ =	swait.ge [sflag:s23], $0x5000  }
0x40: {  	p1 =	seq.s32 s4, $0x9B0;
	[sflag:s23] =	ssyncset.done $0x0  }
0x41: {  	s7 =	sadd.s32 @!p1 s4, s14;
	[sflag:s23] =	ssyncadd.s32 $0xFFFFB000  }
0x42: {  	[spmem:s2] =	stream.indirect.scatter.add.f32 [tilespmem:s22], [sflag:$0x5], $0x100, s24, s18, $0xb8;
	[tilespmem:$0x1DB60] =	vst v63  }
0x43: {  	s20 =	simm.s32 @!p1 $0x0;
	s8 =	sadd.s32 @!p1 s4, s13;
	s6 =	sadd.s32 @!p1 $0x14, s7  }
0x44: {  	[tilespmem:s20], [sflag:$0x1] =	stream.linear.gather @!p1 [hbm4b:s6+s20], $0x50, $0x38;
	[tilespmem:$0x1DB60] =	vst v63  }
0x45: {  	s9 =	sadd.s32 @!p1 $0x14, s8;
	s6 =	simm.s32 @!p1 $0x50  }
0x46: {  	[tilespmem:s6], [sflag:$0x1] =	stream.linear.gather @!p1 [hbm4b:s9+s20], $0x50, $0x38;
	[tilespmem:$0x1DB60] =	vst v63  }
0x47: {  	_ =	swait.ge [sflag:s25], $0x50  }
0x48: {  	[sflag:s25] =	ssyncset.done $0x0  }
0x49: {  	[sflag:s25] =	ssyncadd.s32 $0xFFFFFFB0  }
0x4a: {  	_ =	swait.ge [sflag:s25], $0x50  }
0x4b: {  	p2 =	seq.s32 s4, $0x0;
	[sflag:s25] =	ssyncset.done $0x0  }
0x4c: {  	s9 =	simm.s32 @!p2 $0x6;
	[sflag:s25] =	ssyncadd.s32 $0xFFFFFFB0  }
0x4d: {  	_ =	swait.ge @!p2 [sflag:s9], $0x5000  }
0x4e: {  	[sflag:s9] =	ssyncset.done @!p2 $0x0  }
0x4f: {  	[sflag:s9] =	ssyncadd.s32 @!p2 $0xFFFFB000  }
0x50: {  	v2 =	vld [tilespmem:$0x5140]  }
0x51: {  	v3 =	vld [tilespmem:$0x5150]  }
0x52: {  	v4 =	vld [tilespmem:$0x5160]  }
0x53: {  	v5 =	vld [tilespmem:$0x5170]  }
0x54: {  	v6 =	vld [tilespmem:$0x5180]  }
0x55: {  	v2 =	vsub.s32 v2, v0  }
0x56: {  	v3 =	vsub.s32 v3, v0;
	vm0 =	vlt.u32 v2, $0x1388  }
0x57: {  	v4 =	vsub.s32 v4, v0;
	vm12 =	vlt.u32 v3, $0x1388;
	v2 =	vsel vm0, v2, v1  }
0x58: {  	vm13 =	vlt.u32 v4, $0x1388;
	[tilespmem:$0x5190] =	vst v2;
	v2 =	vsel vm12, v3, v1;
	v3 =	vsub.s32 v5, v0  }
0x59: {  	v63 =	vsub.s32 v6, v0;
	[tilespmem:$0x51A0] =	vst v2;
	v2 =	vsel vm13, v4, v1;
	vm14 =	vlt.u32 v3, $0x1388  }
0x5a: {  	vm15 =	vlt.u32 v63, $0x1388;
	[tilespmem:$0x51B0] =	vst v2;
	v2 =	vsel vm14, v3, v1  }
0x5b: {  	[tilespmem:$0x51C0] =	vst v2;
	v2 =	vsel vm15, v63, v1  }
0x5c: {  	[tilespmem:$0x51D0] =	vst v2  }
0x5d: {  	[tilespmem:s26], [sflag:$0x4] =	stream.indirect.gather [hbm4b:s1+s18], $0x100, s19, s18, $0xb8;
	[tilespmem:$0x1DB60] =	vst v63  }
0x5e: {  	_ =	swait.ge [sflag:s28], $0x5000  }
0x5f: {  	[sflag:s28] =	ssyncset.done $0x0  }
0x60: {  	[sflag:s28] =	ssyncadd.s32 $0xFFFFB000  }
0x61: {  	[spmem:s2] =	stream.indirect.scatter.add.f32 [tilespmem:s26], [sflag:$0x6], $0x100, s29, s18, $0xb8;
	[tilespmem:$0x1DB60] =	vst v63  }
0x62: {  	s7 =	sadd.s32 @!p1 $0x1E, s7;
	s9 =	simm.s32 @!p1 $0x50F0  }
0x63: {  	[tilespmem:s9], [sflag:$0x2] =	stream.linear.gather @!p1 [hbm4b:s7+s20], $0x50, $0x38;
	[tilespmem:$0x1DB60] =	vst v63  }
0x64: {  	s7 =	sadd.s32 @!p1 $0x1E, s8;
	s8 =	simm.s32 @!p1 $0x5140  }
0x65: {  	[tilespmem:s8], [sflag:$0x2] =	stream.linear.gather @!p1 [hbm4b:s7+s20], $0x50, $0x38;
	[tilespmem:$0x1DB60] =	vst v63  }
0x66: {  	s7 =	simm.s32 @!p1 $0x1  }
0x67: {  	_ =	swait.ge @!p1 [sflag:s7], $0x50  }
0x68: {  	[sflag:s7] =	ssyncset.done @!p1 $0x0  }
0x69: {  	[sflag:s7] =	ssyncadd.s32 @!p1 $0xFFFFFFB0  }
0x6a: {  	_ =	swait.ge @!p1 [sflag:s7], $0x50  }
0x6b: {  	[sflag:s7] =	ssyncset.done @!p1 $0x0  }
0x6c: {  	[sflag:s7] =	ssyncadd.s32 @!p1 $0xFFFFFFB0;
	s7 =	simm.s32 @!p1 $0x5  }
0x6d: {  	_ =	swait.ge @!p1 [sflag:s7], $0x5000  }
0x6e: {  	[sflag:s7] =	ssyncset.done @!p1 $0x0  }
0x6f: {  	[sflag:s7] =	ssyncadd.s32 @!p1 $0xFFFFB000  }
0x70: {  	v2 =	vld @!p1 [tilespmem:$0x50]  }
0x71: {  	v3 =	vld @!p1 [tilespmem:$0x60]  }
0x72: {  	v4 =	vld @!p1 [tilespmem:$0x70]  }
0x73: {  	v5 =	vld @!p1 [tilespmem:$0x80]  }
0x74: {  	v6 =	vld @!p1 [tilespmem:$0x90]  }
0x75: {  	v2 =	vsub.s32 @!p1 v2, v0  }
0x76: {  	v3 =	vsub.s32 @!p1 v3, v0;
	vm0 =	vlt.u32 @!p1 v2, $0x1388  }
0x77: {  	v4 =	vsub.s32 @!p1 v4, v0;
	v2 =	vsel @!p1 vm0, v2, v1;
	vm0 =	vlt.u32 @!p1 v3, $0x1388  }
0x78: {  	[tilespmem:$0xA0] =	vst @!p1 v2;
	v2 =	vsel @!p1 vm0, v3, v1;
	vm0 =	vlt.u32 @!p1 v4, $0x1388;
	v3 =	vsub.s32 @!p1 v5, v0  }
0x79: {  	[tilespmem:$0xB0] =	vst @!p1 v2;
	v2 =	vsel @!p1 vm0, v4, v1;
	vm0 =	vlt.u32 @!p1 v3, $0x1388;
	v4 =	vsub.s32 @!p1 v6, v0  }
0x7a: {  	[tilespmem:$0xC0] =	vst @!p1 v2;
	v2 =	vsel @!p1 vm0, v3, v1;
	vm0 =	vlt.u32 @!p1 v4, $0x1388  }
0x7b: {  	s4 =	sadd.s32 @!p1 $0x14, s4;
	[tilespmem:$0xD0] =	vst @!p1 v2;
	v2 =	vsel @!p1 vm0, v4, v1  }
0x7c: {  	p2 =	sne.s32 @!p1 s4, $0x9C4;
	s7 =	simm.s32 @!p1 $0xF0;
	[tilespmem:$0xE0] =	vst @!p1 v2  }
0x7d: {  	[tilespmem:s7], [sflag:$0x3] =	stream.indirect.gather @!p1 [hbm4b:s1+s6], $0x100, s20, s6, $0xb8;
	[tilespmem:$0x1DB60] =	vst v63  }
0x7e: {  	p1 =	por p1, !p2  }
.Ltmp0:
0x7f: {  	_ = 	snop;
	(pc) =	sbr.rel @!p1 .LBB2_2-.Ltmp0, $1  }
0x80: {  	_ =	sdelay $0x3  }
0x81: {  	_ =	swait.ge [sflag:s30], $0x5000  }
0x82: {  	[sflag:s30] =	ssyncset.done $0x0  }
0x83: {  	[sflag:s30] =	ssyncadd.s32 $0xFFFFB000  }
0x84: {  	_ =	swait.ge [sflag:s31], $0x5000  }
0x85: {  	[sflag:s31] =	ssyncset.done $0x0  }
0x86: {  	[sflag:s31] =	ssyncadd.s32 $0xFFFFB000  }
0x87: {  	s4 =	simm.s32 @p0 $0x1FC7;
	[bflag:$0x0] =	sbarrier.arrive $0xFFFF  }
0x88: {  	[hbm:s11], [sflag:s4] =	dma.local @p0 [spmem:s15], $0x2800  }
0x89: {  	s4 =	simm.s32 @p0 $0x7  }
0x8a: {  	s0 =	sadd.s32 $0x1, s0;
	_ =	swait.ge @p0 [sflag:s4], $0x2800  }
0x8b: {  	p1 =	sne.s32 s0, s12;
	[sflag:s4] =	ssyncset.done @p0 $0x0  }
.Ltmp1:
0x8c: {  	[sflag:s4] =	ssyncadd.s32 @p0 $0xFFFFD800;
	s4 =	simm.s32 @!p0 $0x7;
	(pc) =	sbr.rel @p1 .LBB2_1-.Ltmp1, $4  }
0x8d: {  	[hbm:s10], [sflag:s16] =	dma.local @!p0 [spmem:s17], $0x2700  }
0x8e: {  	_ =	swait.ge @!p0 [sflag:s4], $0x2700  }
0x8f: {  	[sflag:s4] =	ssyncset.done @!p0 $0x0  }
0x90: {  	[sflag:s4] =	ssyncadd.s32 @!p0 $0xFFFFD900  }
0x91: {  	_ =	sfence.sel $0x180000  }
0x92: {  	[bflag:$0x0] =	sbarrier.arrive $0xFFFF  }
0x93: {  	_ =	strace $0x90000047  }
0x94: {  	s0 =	stileid.u32;
	[bflag:$0x2] =	sbarrier.arrive $0xFFFF  }
0x95: {  	p0 =	sne.s32 s0, $0x0;
	s0 =	rddreg [dreg:$0x3]  }
0x96: {  	s0 =	sadd.s32 @!p0 $0x100000, s0  }
0x97: {  	[sflag:s0] =	ssyncadd.tile.s32 @!p0 $0x1;
	_ =	shalt  }
.Lfunc_end2:
_tile_overlayer_lowered:
.L_overlay_start_2:
0x98: {  	(tag) =	ssettag $0x2  }
0x99: {  	s0 =	rddreg [dreg:$0x0];
	s2 =	stileid.u32  }
0x9a: {  	s1 =	rddreg [dreg:$0x1];
	p0 =	sne.s32 s2, $0x0  }
0x9b: {  	s3 =	rddreg [dreg:$0x2];
	[bflag:$0x3] =	sbarrier.arrive $0xFFFF;
	s2 =	simm.s32 @!p0 $0x1C07  }
0x9c: {  	[timem:s3], [sflag:s2] =	dma.local @!p0 [hbm:s0], s1  }
0x9d: {  	s0 =	simm.s32 @!p0 $0x7  }
0x9e: {  	_ =	swait.ge @!p0 [sflag:s0], s1  }
0x9f: {  	s1 =	ssub.s32 @!p0 $0x0, s1;
	[sflag:s0] =	ssyncset.done @!p0 $0x0  }
0xa0: {  	[sflag:s0] =	ssyncadd.s32 @!p0 s1  }
0xa1: {  	[bflag:$0x3] =	sbarrier.arrive $0xFFFF  }
0xa2: {  	_ =	shalt  }

</sc_bundles>
